<compile_context>
chip_gen: v7x
topology: tpu7x:2x2x1
jax: 0.10.2.dev20260603
libtpu: 0.0.44.dev20260713+nightly
codegen_flags: <defaults>
</compile_context>

<pallas_src>
import functools

import jax
import jax.numpy as jnp
from jax import lax
from jax.experimental import pallas as pl
from jax.experimental.pallas import tpu as pltpu
from jax.experimental.pallas import tpu_sc as plsc

N = 10000
E = 320000
DF = 128
DH = 128
DC = 64

NC = 2
NS = 16
NW = NC * NS
N_PAD = 10240
ROWS_PER_TILE = N_PAD // NS
E_PER_TILE = E // NW
CW = 128
CHUNKS = 79
E_TILE_PAD = CHUNKS * CW

_N_SCORES = DF * DH + DH * DH + DH * DC
_K_ORDER = 1 + int(round(0.01 * 50.0 * (_N_SCORES - 1)))



def _monokeys(s):
    u = lax.bitcast_convert_type(s, jnp.uint32)
    neg = (u >> jnp.uint32(31)) == jnp.uint32(1)
    return jnp.where(neg, ~u, u | jnp.uint32(0x80000000))


def _prep_body(s0, s1, s2, w0, w1, w2, o0, o1, o2):
    k0 = _monokeys(s0[...])
    k1 = _monokeys(s1[...])
    k2 = _monokeys(s2[...])
    K = jnp.uint32(0)
    for b in range(31, -1, -1):
        trial = K | jnp.uint32(1 << b)
        cnt = (jnp.sum((k0 < trial).astype(jnp.int32))
               + jnp.sum((k1 < trial).astype(jnp.int32))
               + jnp.sum((k2 < trial).astype(jnp.int32)))
        K = jnp.where(cnt >= _K_ORDER, K, trial)
    top = (K >> jnp.uint32(31)) == jnp.uint32(1)
    u = jnp.where(top, K ^ jnp.uint32(0x80000000), ~K)
    thr = lax.bitcast_convert_type(u, jnp.float32)
    o0[...] = w0[...] * (s0[...] >= thr).astype(jnp.float32)
    o1[...] = w1[...] * (s1[...] >= thr).astype(jnp.float32)
    w2p = jnp.pad(w2[...] * (s2[...] >= thr).astype(jnp.float32),
                  ((0, 0), (0, DH - DC)))
    o2[...] = w2p


_prep_call = pl.pallas_call(
    _prep_body,
    out_shape=[
        jax.ShapeDtypeStruct((DF, DH), jnp.float32),
        jax.ShapeDtypeStruct((DH, DH), jnp.float32),
        jax.ShapeDtypeStruct((DH, DH), jnp.float32),
    ],
)

_BR = 1024
_GRID = N_PAD // _BR


def _layer0_body(x, w, dga, dgb, o):
    dinv = lax.rsqrt(dga[0, :, :1] + dgb[0, :, :1] + 1.0)
    h = jnp.dot(x[...], w[...], preferred_element_type=jnp.float32)
    o[...] = h * dinv


def _layer_body(a, b, hp, w, dga, dgb, o):
    dinv = lax.rsqrt(dga[0, :, :1] + dgb[0, :, :1] + 1.0)
    agg = a[0] + b[0] - hp[...]
    act = jnp.maximum(agg * dinv, 0.0)
    o[...] = jnp.dot(act, w[...], preferred_element_type=jnp.float32) * dinv


def _final_body(a, b, hp, dga, dgb, o):
    dinv = lax.rsqrt(dga[0, :, :1] + dgb[0, :, :1] + 1.0)
    agg = a[0] + b[0] - hp[...]
    o[...] = (agg * dinv)[:, :DC]


def _row_spec(d):
    return pl.BlockSpec((_BR, d), lambda i: (i, 0))


def _stk_spec(half, d):
    return pl.BlockSpec((1, _BR, d), lambda i, _h=half: (_h, i, 0))


def _full_spec(r, c):
    return pl.BlockSpec((r, c), lambda i: (0, 0))


def _make_layer0():
    return pl.pallas_call(
        _layer0_body,
        grid=(_GRID,),
        in_specs=[_row_spec(DF), _full_spec(DF, DH),
                  _stk_spec(0, DH), _stk_spec(1, DH)],
        out_specs=_row_spec(DH),
        out_shape=jax.ShapeDtypeStruct((N_PAD, DH), jnp.float32),
    )


def _make_layer():
    return pl.pallas_call(
        _layer_body,
        grid=(_GRID,),
        in_specs=[_stk_spec(0, DH), _stk_spec(1, DH), _row_spec(DH),
                  _full_spec(DH, DH), _stk_spec(0, DH), _stk_spec(1, DH)],
        out_specs=_row_spec(DH),
        out_shape=jax.ShapeDtypeStruct((N_PAD, DH), jnp.float32),
    )


def _make_final():
    return pl.pallas_call(
        _final_body,
        grid=(_GRID,),
        in_specs=[_stk_spec(0, DH), _stk_spec(1, DH), _row_spec(DH),
                  _stk_spec(0, DH), _stk_spec(1, DH)],
        out_specs=_row_spec(DC),
        out_shape=jax.ShapeDtypeStruct((N_PAD, DC), jnp.float32),
    )



@functools.cache
def _mesh():
    return plsc.VectorSubcoreMesh(core_axis_name="c", subcore_axis_name="s",
                                  num_cores=NC, num_subcores=NS)


def _deg_kernel_body(dst_hbm, ones_hbm, zeros_hbm, out_hbm,
                     dst_v, ones_v, acc_sh):
    c = lax.axis_index("c")
    s = lax.axis_index("s")
    wid = s * NC + c
    lo = s * ROWS_PER_TILE
    pltpu.sync_copy(dst_hbm.at[wid], dst_v)
    pltpu.sync_copy(ones_hbm, ones_v)
    pltpu.sync_copy(zeros_hbm.at[pl.ds(lo, ROWS_PER_TILE)],
                    acc_sh.at[pl.ds(lo, ROWS_PER_TILE)])
    plsc.subcore_barrier()

    def body(j, carry):
        pltpu.sync_copy(ones_v, acc_sh.at[dst_v.at[j]], add=True)
        return carry

    lax.fori_loop(0, CHUNKS, body, 0)
    plsc.subcore_barrier()
    pltpu.sync_copy(acc_sh.at[pl.ds(lo, ROWS_PER_TILE)],
                    out_hbm.at[c, pl.ds(lo, ROWS_PER_TILE)])


@functools.cache
def _make_deg():
    return pl.kernel(
        _deg_kernel_body,
        out_type=jax.ShapeDtypeStruct((NC, N_PAD, DH), jnp.float32),
        mesh=_mesh(),
        scratch_types=[
            pltpu.VMEM((CHUNKS, CW), jnp.int32),
            pltpu.VMEM((CW, DH), jnp.float32),
            pltpu.VMEM_SHARED((N_PAD, DH), jnp.float32),
        ],
        compiler_params=pltpu.CompilerParams(use_tc_tiling_on_sc=False),
    )


def _agg_kernel_body(h_hbm, src_hbm, dst_hbm, out_hbm,
                     src_v, dst_v, rows_v, acc_sh):
    c = lax.axis_index("c")
    s = lax.axis_index("s")
    wid = s * NC + c
    lo = s * ROWS_PER_TILE
    pltpu.sync_copy(src_hbm.at[wid], src_v)
    pltpu.sync_copy(dst_hbm.at[wid], dst_v)
    pltpu.sync_copy(h_hbm.at[pl.ds(lo, ROWS_PER_TILE)],
                    acc_sh.at[pl.ds(lo, ROWS_PER_TILE)])
    plsc.subcore_barrier()

    def body(j, carry):
        pltpu.sync_copy(h_hbm.at[src_v.at[j]], rows_v)
        pltpu.sync_copy(rows_v, acc_sh.at[dst_v.at[j]], add=True)
        return carry

    lax.fori_loop(0, CHUNKS, body, 0)
    plsc.subcore_barrier()
    pltpu.sync_copy(acc_sh.at[pl.ds(lo, ROWS_PER_TILE)],
                    out_hbm.at[c, pl.ds(lo, ROWS_PER_TILE)])


@functools.cache
def _make_agg():
    return pl.kernel(
        _agg_kernel_body,
        out_type=jax.ShapeDtypeStruct((NC, N_PAD, DH), jnp.float32),
        mesh=_mesh(),
        scratch_types=[
            pltpu.VMEM((CHUNKS, CW), jnp.int32),
            pltpu.VMEM((CHUNKS, CW), jnp.int32),
            pltpu.VMEM((CW, DH), jnp.float32),
            pltpu.VMEM_SHARED((N_PAD, DH), jnp.float32),
        ],
        compiler_params=pltpu.CompilerParams(use_tc_tiling_on_sc=False),
    )



def kernel(x, edge_index, W0, S0, W1, S1, W2, S2):
    src = edge_index[0].astype(jnp.int32).reshape(NW, E_PER_TILE)
    dst = edge_index[1].astype(jnp.int32).reshape(NW, E_PER_TILE)
    pad_n = E_TILE_PAD - E_PER_TILE
    pad_idx = N + (jnp.arange(pad_n, dtype=jnp.int32) % (N_PAD - N))
    src = jnp.concatenate(
        [src, jnp.broadcast_to(pad_idx, (NW, pad_n))],
        axis=1).reshape(NW, CHUNKS, CW)
    dst = jnp.concatenate(
        [dst, jnp.broadcast_to(pad_idx, (NW, pad_n))],
        axis=1).reshape(NW, CHUNKS, CW)

    x_pad = jnp.pad(x, ((0, N_PAD - N), (0, 0)))
    zeros128 = jnp.zeros((N_PAD, DH), jnp.float32)
    ones128 = jnp.ones((CW, DH), jnp.float32)

    Wm0, Wm1, Wm2p = _prep_call(S0, S1, S2, W0, W1, W2)
    dg = _make_deg()(dst, ones128, zeros128)

    h = _make_layer0()(x_pad, Wm0, dg, dg)
    a = _make_agg()(h, src, dst)
    h = _make_layer()(a, a, h, Wm1, dg, dg)
    a = _make_agg()(h, src, dst)
    h = _make_layer()(a, a, h, Wm2p, dg, dg)
    a = _make_agg()(h, src, dst)
    out = _make_final()(a, a, h, dg, dg)
    return out[:N]

# --- scband reference (transcript-rebuilt; emitter-appended) ---
"""Pipeline reference for scband-gcn-54511724921371 (READ-ONLY COPY).

The authoritative reference and input builder live on the scoring server;
editing this copy changes nothing except your own understanding.
"""

import jax, jax.numpy as jnp
import numpy as np

N_NODES = 10000
N_EDGES = 320000
D_FEAT = 128
D_HID = 128
N_CLASSES = 64
SPARSITY = 0.5


def setup_inputs(seed: int = 0) -> dict:
    key = jax.random.key(seed)
    ks = jax.random.split(key, 8)
    x = jax.random.normal(ks[0], (N_NODES, D_FEAT), dtype=jnp.float32)
    edge_index = jax.random.randint(ks[1], (2, N_EDGES), 0, N_NODES, dtype=jnp.int64)
    # layer weights and supermask scores (is_score params in the torch module)
    W0 = jax.random.normal(ks[2], (D_FEAT, D_HID), dtype=jnp.float32) * 0.05
    S0 = jax.random.normal(ks[3], (D_FEAT, D_HID), dtype=jnp.float32)
    W1 = jax.random.normal(ks[4], (D_HID, D_HID), dtype=jnp.float32) * 0.05
    S1 = jax.random.normal(ks[5], (D_HID, D_HID), dtype=jnp.float32)
    W2 = jax.random.normal(ks[6], (D_HID, N_CLASSES), dtype=jnp.float32) * 0.05
    S2 = jax.random.normal(ks[7], (D_HID, N_CLASSES), dtype=jnp.float32)
    return {"x": x, "edge_index": edge_index, "W0": W0, "S0": S0, "W1": W1, "S1": S1, "W2": W2, "S2": S2}


def _percentile_threshold(scores_flat, q):
    # mirrors: k = 1 + round(0.01 * q * (numel - 1)); kthvalue(k)
    n = scores_flat.shape[0]
    k = 1 + int(round(0.01 * q * (n - 1)))
    srt = jnp.sort(scores_flat)
    return srt[k - 1]


def _gcn_conv(x, src, dst, Wm, n_nodes):
    h = x @ Wm
    # add self loops
    loop = jnp.arange(n_nodes, dtype=src.dtype)
    s = jnp.concatenate([src, loop])
    d = jnp.concatenate([dst, loop])
    deg = jnp.zeros((n_nodes,), dtype=h.dtype).at[d].add(1.0)
    dinv = jax.lax.rsqrt(jnp.clip(deg, 1.0))
    norm = dinv[s] * dinv[d]
    msg = h[s] * norm[:, None]
    out = jax.ops.segment_sum(msg, d, num_segments=n_nodes)
    return out


def reference(x, edge_index, W0, S0, W1, S1, W2, S2):
    # get_threshold over all score params at the model's linear_sparsity
    all_scores = jnp.concatenate([S0.reshape(-1), S1.reshape(-1), S2.reshape(-1)])
    thr = _percentile_threshold(all_scores, SPARSITY * 100.0)
    m0 = (S0 >= thr).astype(x.dtype)
    m1 = (S1 >= thr).astype(x.dtype)
    m2 = (S2 >= thr).astype(x.dtype)
    src = edge_index[0]
    dst = edge_index[1]
    h = _gcn_conv(x, src, dst, W0 * m0, N_NODES)
    h = jax.nn.relu(h)
    h = _gcn_conv(h, src, dst, W1 * m1, N_NODES)
    h = jax.nn.relu(h)
    out = _gcn_conv(h, src, dst, W2 * m2, N_NODES)
    return out

if __name__ == "__main__":
    import jax
    _d = setup_inputs()
    print(jax.jit(kernel)(*tuple(_d.values())))

</pallas_src>

<mosaic_0001>
#map = affine_map<(d0, d1) -> (0, 0, 0)>
#map1 = affine_map<(d0, d1) -> (0, 0)>
module attributes {stable_mosaic.version = 14 : i64} {
  func.func @_deg_kernel_body(%arg0: i32, %arg1: i32, %arg2: memref<32x79x128xi32, #tpu.memory_space<hbm>>, %arg3: memref<128x128xf32, #tpu.memory_space<hbm>>, %arg4: memref<10240x128xf32, #tpu.memory_space<hbm>>, %arg5: memref<2x10240x128xf32, #tpu.memory_space<hbm>>, %arg6: memref<79x128xi32, #tpu.memory_space<vmem>>, %arg7: memref<128x128xf32, #tpu.memory_space<vmem>>, %arg8: memref<10240x128xf32, #tpu.memory_space<vmem_shared>>) attributes {dimension_semantics = [#tpu.dimension_semantics<core_parallel>, #tpu.dimension_semantics<subcore_parallel>], iteration_bounds = array<i64: 2, 16>, scalar_prefetch = 0 : i64, scratch_operands = 3 : i64, tpu.core_type = #tpu.core_type<sc_vector_subcore>, window_params = [{transform_indices = #map}, {transform_indices = #map1}, {transform_indices = #map1}, {transform_indices = #map}]} {
    %mul3A = arith.constant 2 : i32
    %mul3A_0 = arith.muli %arg1, %mul3A : i32
    %add3A = arith.addi %mul3A_0, %arg0 : i32
    %mul3A_1 = arith.constant 640 : i32
    %mul3A_2 = arith.muli %arg1, %mul3A_1 : i32
    "tpu.region"() ({
      %run_scoped3A = tpu.sem_alloc : memref<!tpu.dma_semaphore, #tpu.memory_space<semaphore_mem>>
      %dma_start3A = arith.constant 0 : i32
      %dma_start3A_9 = arith.constant 0 : i32
      %dma_start3A_10 = tpu.memref_slice %arg2[%add3A, %dma_start3A, %dma_start3A_9] : memref<32x79x128xi32, #tpu.memory_space<hbm>> -> memref<1x79x128xi32, #tpu.memory_space<hbm>>
      %dma_start3A_11 = tpu.memref_squeeze %dma_start3A_10 : memref<1x79x128xi32, #tpu.memory_space<hbm>> -> memref<79x128xi32, #tpu.memory_space<hbm>>
      %dma_start3A_12 = arith.constant 0 : i32
      %dma_start3A_13 = arith.constant 0 : i32
      %dma_start3A_14 = tpu.memref_slice %arg2[%add3A, %dma_start3A_12, %dma_start3A_13] : memref<32x79x128xi32, #tpu.memory_space<hbm>> -> memref<1x79x128xi32, #tpu.memory_space<hbm>>
      %dma_start3A_15 = tpu.memref_squeeze %dma_start3A_14 : memref<1x79x128xi32, #tpu.memory_space<hbm>> -> memref<79x128xi32, #tpu.memory_space<hbm>>
      tpu.enqueue_dma source(%dma_start3A_15 : memref<79x128xi32, #tpu.memory_space<hbm>>) target(%arg6 : memref<79x128xi32, #tpu.memory_space<vmem>>) target_semaphore(%run_scoped3A : memref<!tpu.dma_semaphore, #tpu.memory_space<semaphore_mem>>)
      %dma_wait3A = arith.constant 0 : i32
      %dma_wait3A_16 = arith.constant 0 : i32
      %dma_wait3A_17 = tpu.memref_slice %arg2[%add3A, %dma_wait3A, %dma_wait3A_16] : memref<32x79x128xi32, #tpu.memory_space<hbm>> -> memref<1x79x128xi32, #tpu.memory_space<hbm>>
      %dma_wait3A_18 = tpu.memref_squeeze %dma_wait3A_17 : memref<1x79x128xi32, #tpu.memory_space<hbm>> -> memref<79x128xi32, #tpu.memory_space<hbm>>
      %dma_wait3A_19 = arith.constant 0 : i32
      %dma_wait3A_20 = arith.constant 0 : i32
      %dma_wait3A_21 = tpu.memref_slice %arg2[%add3A, %dma_wait3A_19, %dma_wait3A_20] : memref<32x79x128xi32, #tpu.memory_space<hbm>> -> memref<1x79x128xi32, #tpu.memory_space<hbm>>
      %dma_wait3A_22 = tpu.memref_squeeze %dma_wait3A_21 : memref<1x79x128xi32, #tpu.memory_space<hbm>> -> memref<79x128xi32, #tpu.memory_space<hbm>>
      tpu.wait_dma2 semaphore(%run_scoped3A : memref<!tpu.dma_semaphore, #tpu.memory_space<semaphore_mem>>) src(%dma_wait3A_22 : memref<79x128xi32, #tpu.memory_space<hbm>>) dst(%arg6 : memref<79x128xi32, #tpu.memory_space<vmem>>)
      tpu.yield
    }) : () -> ()
    "tpu.region"() ({
      %run_scoped3A = tpu.sem_alloc : memref<!tpu.dma_semaphore, #tpu.memory_space<semaphore_mem>>
      tpu.enqueue_dma source(%arg3 : memref<128x128xf32, #tpu.memory_space<hbm>>) target(%arg7 : memref<128x128xf32, #tpu.memory_space<vmem>>) target_semaphore(%run_scoped3A : memref<!tpu.dma_semaphore, #tpu.memory_space<semaphore_mem>>)
      tpu.wait_dma2 semaphore(%run_scoped3A : memref<!tpu.dma_semaphore, #tpu.memory_space<semaphore_mem>>) src(%arg3 : memref<128x128xf32, #tpu.memory_space<hbm>>) dst(%arg7 : memref<128x128xf32, #tpu.memory_space<vmem>>)
      tpu.yield
    }) : () -> ()
    "tpu.region"() ({
      %run_scoped3A = tpu.sem_alloc : memref<!tpu.dma_semaphore, #tpu.memory_space<semaphore_mem>>
      %dma_start3A = arith.constant 0 : i32
      %dma_start3A_9 = tpu.memref_slice %arg8[%mul3A_2, %dma_start3A] : memref<10240x128xf32, #tpu.memory_space<vmem_shared>> -> memref<640x128xf32, #tpu.memory_space<vmem_shared>>
      %dma_start3A_10 = arith.constant 0 : i32
      %dma_start3A_11 = tpu.memref_slice %arg4[%mul3A_2, %dma_start3A_10] : memref<10240x128xf32, #tpu.memory_space<hbm>> -> memref<640x128xf32, #tpu.memory_space<hbm>>
      tpu.enqueue_dma source(%dma_start3A_11 : memref<640x128xf32, #tpu.memory_space<hbm>>) target(%dma_start3A_9 : memref<640x128xf32, #tpu.memory_space<vmem_shared>>) target_semaphore(%run_scoped3A : memref<!tpu.dma_semaphore, #tpu.memory_space<semaphore_mem>>)
      %dma_wait3A = arith.constant 0 : i32
      %dma_wait3A_12 = tpu.memref_slice %arg8[%mul3A_2, %dma_wait3A] : memref<10240x128xf32, #tpu.memory_space<vmem_shared>> -> memref<640x128xf32, #tpu.memory_space<vmem_shared>>
      %dma_wait3A_13 = arith.constant 0 : i32
      %dma_wait3A_14 = tpu.memref_slice %arg4[%mul3A_2, %dma_wait3A_13] : memref<10240x128xf32, #tpu.memory_space<hbm>> -> memref<640x128xf32, #tpu.memory_space<hbm>>
      tpu.wait_dma2 semaphore(%run_scoped3A : memref<!tpu.dma_semaphore, #tpu.memory_space<semaphore_mem>>) src(%dma_wait3A_14 : memref<640x128xf32, #tpu.memory_space<hbm>>) dst(%dma_wait3A_12 : memref<640x128xf32, #tpu.memory_space<vmem_shared>>)
      tpu.yield
    }) : () -> ()
    %barrier3A = arith.constant 0 : index
    tpu.barrier barrier_id(%barrier3A)
    %scan3A = arith.constant 0 : i32
    %scan3A_3 = arith.constant 0 : i32
    %scan3A_4 = arith.constant 79 : i32
    %scan3A_5 = arith.addi %scan3A_3, %scan3A_4 : i32
    %scan3A_6 = arith.constant 1 : i32
    scf.for %scan3A_9 = %scan3A_3 to %scan3A_5 step %scan3A_6  : i32 {
      "tpu.region"() ({
        %run_scoped3A = tpu.sem_alloc : memref<!tpu.dma_semaphore, #tpu.memory_space<semaphore_mem>>
        %dma_start3A = arith.constant 0 : i32
        %dma_start3A_10 = tpu.memref_slice %arg6[%scan3A_9, %dma_start3A] : memref<79x128xi32, #tpu.memory_space<vmem>> -> memref<1x128xi32, #tpu.memory_space<vmem>>
        %dma_start3A_11 = tpu.memref_squeeze %dma_start3A_10 : memref<1x128xi32, #tpu.memory_space<vmem>> -> memref<128xi32, #tpu.memory_space<vmem>>
        %dma_start3A_12 = arith.constant 0 : i32
        %dma_start3A_13 = arith.constant 0 : i32
        %dma_start3A_14 = tpu.memref_slice %arg8[%dma_start3A_12, %dma_start3A_13] : memref<10240x128xf32, #tpu.memory_space<vmem_shared>> -> memref<10240x128xf32, #tpu.memory_space<vmem_shared>>
        tpu.enqueue_indirect_dma source(%arg7 : memref<128x128xf32, #tpu.memory_space<vmem>>) target(%dma_start3A_14 : memref<10240x128xf32, #tpu.memory_space<vmem_shared>>) offsets(%dma_start3A_11 : memref<128xi32, #tpu.memory_space<vmem>>) semaphore(%run_scoped3A : memref<!tpu.dma_semaphore, #tpu.memory_space<semaphore_mem>>) {add = true}
        %dma_wait3A = arith.constant 0 : i32
        %dma_wait3A_15 = tpu.memref_slice %arg6[%scan3A_9, %dma_wait3A] : memref<79x128xi32, #tpu.memory_space<vmem>> -> memref<1x128xi32, #tpu.memory_space<vmem>>
        %dma_wait3A_16 = tpu.memref_squeeze %dma_wait3A_15 : memref<1x128xi32, #tpu.memory_space<vmem>> -> memref<128xi32, #tpu.memory_space<vmem>>
        %dma_wait3A_17 = arith.constant 0 : i32
        %dma_wait3A_18 = arith.constant 0 : i32
        %dma_wait3A_19 = tpu.memref_slice %arg8[%dma_wait3A_17, %dma_wait3A_18] : memref<10240x128xf32, #tpu.memory_space<vmem_shared>> -> memref<10240x128xf32, #tpu.memory_space<vmem_shared>>
        tpu.wait_indirect_dma semaphore(%run_scoped3A : memref<!tpu.dma_semaphore, #tpu.memory_space<semaphore_mem>>) src(%arg7 : memref<128x128xf32, #tpu.memory_space<vmem>>) dst(%dma_wait3A_19 : memref<10240x128xf32, #tpu.memory_space<vmem_shared>>)
        tpu.yield
      }) : () -> ()
    }
    %scan3A_7 = arith.constant 79 : i32
    %barrier3A_8 = arith.constant 0 : index
    tpu.barrier barrier_id(%barrier3A_8)
    "tpu.region"() ({
      %run_scoped3A = tpu.sem_alloc : memref<!tpu.dma_semaphore, #tpu.memory_space<semaphore_mem>>
      %dma_start3A = arith.constant 0 : i32
      %dma_start3A_9 = tpu.memref_slice %arg5[%arg0, %mul3A_2, %dma_start3A] : memref<2x10240x128xf32, #tpu.memory_space<hbm>> -> memref<1x640x128xf32, #tpu.memory_space<hbm>>
      %dma_start3A_10 = tpu.memref_squeeze %dma_start3A_9 : memref<1x640x128xf32, #tpu.memory_space<hbm>> -> memref<640x128xf32, #tpu.memory_space<hbm>>
      %dma_start3A_11 = arith.constant 0 : i32
      %dma_start3A_12 = tpu.memref_slice %arg8[%mul3A_2, %dma_start3A_11] : memref<10240x128xf32, #tpu.memory_space<vmem_shared>> -> memref<640x128xf32, #tpu.memory_space<vmem_shared>>
      tpu.enqueue_dma source(%dma_start3A_12 : memref<640x128xf32, #tpu.memory_space<vmem_shared>>) target(%dma_start3A_10 : memref<640x128xf32, #tpu.memory_space<hbm>>) target_semaphore(%run_scoped3A : memref<!tpu.dma_semaphore, #tpu.memory_space<semaphore_mem>>)
      %dma_wait3A = arith.constant 0 : i32
      %dma_wait3A_13 = tpu.memref_slice %arg5[%arg0, %mul3A_2, %dma_wait3A] : memref<2x10240x128xf32, #tpu.memory_space<hbm>> -> memref<1x640x128xf32, #tpu.memory_space<hbm>>
      %dma_wait3A_14 = tpu.memref_squeeze %dma_wait3A_13 : memref<1x640x128xf32, #tpu.memory_space<hbm>> -> memref<640x128xf32, #tpu.memory_space<hbm>>
      %dma_wait3A_15 = arith.constant 0 : i32
      %dma_wait3A_16 = tpu.memref_slice %arg8[%mul3A_2, %dma_wait3A_15] : memref<10240x128xf32, #tpu.memory_space<vmem_shared>> -> memref<640x128xf32, #tpu.memory_space<vmem_shared>>
      tpu.wait_dma2 semaphore(%run_scoped3A : memref<!tpu.dma_semaphore, #tpu.memory_space<semaphore_mem>>) src(%dma_wait3A_16 : memref<640x128xf32, #tpu.memory_space<vmem_shared>>) dst(%dma_wait3A_14 : memref<640x128xf32, #tpu.memory_space<hbm>>)
      tpu.yield
    }) : () -> ()
    return
  }
}

#map = affine_map<(d0, d1) -> (0, 0)>
#map1 = affine_map<(d0, d1) -> (0, 0, 0)>
module attributes {stable_mosaic.version = 14 : i64} {
  func.func @_agg_kernel_body(%arg0: i32, %arg1: i32, %arg2: memref<10240x128xf32, #tpu.memory_space<hbm>>, %arg3: memref<32x79x128xi32, #tpu.memory_space<hbm>>, %arg4: memref<32x79x128xi32, #tpu.memory_space<hbm>>, %arg5: memref<2x10240x128xf32, #tpu.memory_space<hbm>>, %arg6: memref<79x128xi32, #tpu.memory_space<vmem>>, %arg7: memref<79x128xi32, #tpu.memory_space<vmem>>, %arg8: memref<128x128xf32, #tpu.memory_space<vmem>>, %arg9: memref<10240x128xf32, #tpu.memory_space<vmem_shared>>) attributes {dimension_semantics = [#tpu.dimension_semantics<core_parallel>, #tpu.dimension_semantics<subcore_parallel>], iteration_bounds = array<i64: 2, 16>, scalar_prefetch = 0 : i64, scratch_operands = 4 : i64, tpu.core_type = #tpu.core_type<sc_vector_subcore>, window_params = [{transform_indices = #map}, {transform_indices = #map1}, {transform_indices = #map1}, {transform_indices = #map1}]} {
    %mul3A = arith.constant 2 : i32
    %mul3A_0 = arith.muli %arg1, %mul3A : i32
    %add3A = arith.addi %mul3A_0, %arg0 : i32
    %mul3A_1 = arith.constant 640 : i32
    %mul3A_2 = arith.muli %arg1, %mul3A_1 : i32
    "tpu.region"() ({
      %run_scoped3A = tpu.sem_alloc : memref<!tpu.dma_semaphore, #tpu.memory_space<semaphore_mem>>
      %dma_start3A = arith.constant 0 : i32
      %dma_start3A_9 = arith.constant 0 : i32
      %dma_start3A_10 = tpu.memref_slice %arg3[%add3A, %dma_start3A, %dma_start3A_9] : memref<32x79x128xi32, #tpu.memory_space<hbm>> -> memref<1x79x128xi32, #tpu.memory_space<hbm>>
      %dma_start3A_11 = tpu.memref_squeeze %dma_start3A_10 : memref<1x79x128xi32, #tpu.memory_space<hbm>> -> memref<79x128xi32, #tpu.memory_space<hbm>>
      %dma_start3A_12 = arith.constant 0 : i32
      %dma_start3A_13 = arith.constant 0 : i32
      %dma_start3A_14 = tpu.memref_slice %arg3[%add3A, %dma_start3A_12, %dma_start3A_13] : memref<32x79x128xi32, #tpu.memory_space<hbm>> -> memref<1x79x128xi32, #tpu.memory_space<hbm>>
      %dma_start3A_15 = tpu.memref_squeeze %dma_start3A_14 : memref<1x79x128xi32, #tpu.memory_space<hbm>> -> memref<79x128xi32, #tpu.memory_space<hbm>>
      tpu.enqueue_dma source(%dma_start3A_15 : memref<79x128xi32, #tpu.memory_space<hbm>>) target(%arg6 : memref<79x128xi32, #tpu.memory_space<vmem>>) target_semaphore(%run_scoped3A : memref<!tpu.dma_semaphore, #tpu.memory_space<semaphore_mem>>)
      %dma_wait3A = arith.constant 0 : i32
      %dma_wait3A_16 = arith.constant 0 : i32
      %dma_wait3A_17 = tpu.memref_slice %arg3[%add3A, %dma_wait3A, %dma_wait3A_16] : memref<32x79x128xi32, #tpu.memory_space<hbm>> -> memref<1x79x128xi32, #tpu.memory_space<hbm>>
      %dma_wait3A_18 = tpu.memref_squeeze %dma_wait3A_17 : memref<1x79x128xi32, #tpu.memory_space<hbm>> -> memref<79x128xi32, #tpu.memory_space<hbm>>
      %dma_wait3A_19 = arith.constant 0 : i32
      %dma_wait3A_20 = arith.constant 0 : i32
      %dma_wait3A_21 = tpu.memref_slice %arg3[%add3A, %dma_wait3A_19, %dma_wait3A_20] : memref<32x79x128xi32, #tpu.memory_space<hbm>> -> memref<1x79x128xi32, #tpu.memory_space<hbm>>
      %dma_wait3A_22 = tpu.memref_squeeze %dma_wait3A_21 : memref<1x79x128xi32, #tpu.memory_space<hbm>> -> memref<79x128xi32, #tpu.memory_space<hbm>>
      tpu.wait_dma2 semaphore(%run_scoped3A : memref<!tpu.dma_semaphore, #tpu.memory_space<semaphore_mem>>) src(%dma_wait3A_22 : memref<79x128xi32, #tpu.memory_space<hbm>>) dst(%arg6 : memref<79x128xi32, #tpu.memory_space<vmem>>)
      tpu.yield
    }) : () -> ()
    "tpu.region"() ({
      %run_scoped3A = tpu.sem_alloc : memref<!tpu.dma_semaphore, #tpu.memory_space<semaphore_mem>>
      %dma_start3A = arith.constant 0 : i32
      %dma_start3A_9 = arith.constant 0 : i32
      %dma_start3A_10 = tpu.memref_slice %arg4[%add3A, %dma_start3A, %dma_start3A_9] : memref<32x79x128xi32, #tpu.memory_space<hbm>> -> memref<1x79x128xi32, #tpu.memory_space<hbm>>
      %dma_start3A_11 = tpu.memref_squeeze %dma_start3A_10 : memref<1x79x128xi32, #tpu.memory_space<hbm>> -> memref<79x128xi32, #tpu.memory_space<hbm>>
      %dma_start3A_12 = arith.constant 0 : i32
      %dma_start3A_13 = arith.constant 0 : i32
      %dma_start3A_14 = tpu.memref_slice %arg4[%add3A, %dma_start3A_12, %dma_start3A_13] : memref<32x79x128xi32, #tpu.memory_space<hbm>> -> memref<1x79x128xi32, #tpu.memory_space<hbm>>
      %dma_start3A_15 = tpu.memref_squeeze %dma_start3A_14 : memref<1x79x128xi32, #tpu.memory_space<hbm>> -> memref<79x128xi32, #tpu.memory_space<hbm>>
      tpu.enqueue_dma source(%dma_start3A_15 : memref<79x128xi32, #tpu.memory_space<hbm>>) target(%arg7 : memref<79x128xi32, #tpu.memory_space<vmem>>) target_semaphore(%run_scoped3A : memref<!tpu.dma_semaphore, #tpu.memory_space<semaphore_mem>>)
      %dma_wait3A = arith.constant 0 : i32
      %dma_wait3A_16 = arith.constant 0 : i32
      %dma_wait3A_17 = tpu.memref_slice %arg4[%add3A, %dma_wait3A, %dma_wait3A_16] : memref<32x79x128xi32, #tpu.memory_space<hbm>> -> memref<1x79x128xi32, #tpu.memory_space<hbm>>
      %dma_wait3A_18 = tpu.memref_squeeze %dma_wait3A_17 : memref<1x79x128xi32, #tpu.memory_space<hbm>> -> memref<79x128xi32, #tpu.memory_space<hbm>>
      %dma_wait3A_19 = arith.constant 0 : i32
      %dma_wait3A_20 = arith.constant 0 : i32
      %dma_wait3A_21 = tpu.memref_slice %arg4[%add3A, %dma_wait3A_19, %dma_wait3A_20] : memref<32x79x128xi32, #tpu.memory_space<hbm>> -> memref<1x79x128xi32, #tpu.memory_space<hbm>>
      %dma_wait3A_22 = tpu.memref_squeeze %dma_wait3A_21 : memref<1x79x128xi32, #tpu.memory_space<hbm>> -> memref<79x128xi32, #tpu.memory_space<hbm>>
      tpu.wait_dma2 semaphore(%run_scoped3A : memref<!tpu.dma_semaphore, #tpu.memory_space<semaphore_mem>>) src(%dma_wait3A_22 : memref<79x128xi32, #tpu.memory_space<hbm>>) dst(%arg7 : memref<79x128xi32, #tpu.memory_space<vmem>>)
      tpu.yield
    }) : () -> ()
    "tpu.region"() ({
      %run_scoped3A = tpu.sem_alloc : memref<!tpu.dma_semaphore, #tpu.memory_space<semaphore_mem>>
      %dma_start3A = arith.constant 0 : i32
      %dma_start3A_9 = tpu.memref_slice %arg9[%mul3A_2, %dma_start3A] : memref<10240x128xf32, #tpu.memory_space<vmem_shared>> -> memref<640x128xf32, #tpu.memory_space<vmem_shared>>
      %dma_start3A_10 = arith.constant 0 : i32
      %dma_start3A_11 = tpu.memref_slice %arg2[%mul3A_2, %dma_start3A_10] : memref<10240x128xf32, #tpu.memory_space<hbm>> -> memref<640x128xf32, #tpu.memory_space<hbm>>
      tpu.enqueue_dma source(%dma_start3A_11 : memref<640x128xf32, #tpu.memory_space<hbm>>) target(%dma_start3A_9 : memref<640x128xf32, #tpu.memory_space<vmem_shared>>) target_semaphore(%run_scoped3A : memref<!tpu.dma_semaphore, #tpu.memory_space<semaphore_mem>>)
      %dma_wait3A = arith.constant 0 : i32
      %dma_wait3A_12 = tpu.memref_slice %arg9[%mul3A_2, %dma_wait3A] : memref<10240x128xf32, #tpu.memory_space<vmem_shared>> -> memref<640x128xf32, #tpu.memory_space<vmem_shared>>
      %dma_wait3A_13 = arith.constant 0 : i32
      %dma_wait3A_14 = tpu.memref_slice %arg2[%mul3A_2, %dma_wait3A_13] : memref<10240x128xf32, #tpu.memory_space<hbm>> -> memref<640x128xf32, #tpu.memory_space<hbm>>
      tpu.wait_dma2 semaphore(%run_scoped3A : memref<!tpu.dma_semaphore, #tpu.memory_space<semaphore_mem>>) src(%dma_wait3A_14 : memref<640x128xf32, #tpu.memory_space<hbm>>) dst(%dma_wait3A_12 : memref<640x128xf32, #tpu.memory_space<vmem_shared>>)
      tpu.yield
    }) : () -> ()
    %barrier3A = arith.constant 0 : index
    tpu.barrier barrier_id(%barrier3A)
    %scan3A = arith.constant 0 : i32
    %scan3A_3 = arith.constant 0 : i32
    %scan3A_4 = arith.constant 79 : i32
    %scan3A_5 = arith.addi %scan3A_3, %scan3A_4 : i32
    %scan3A_6 = arith.constant 1 : i32
    scf.for %scan3A_9 = %scan3A_3 to %scan3A_5 step %scan3A_6  : i32 {
      "tpu.region"() ({
        %run_scoped3A = tpu.sem_alloc : memref<!tpu.dma_semaphore, #tpu.memory_space<semaphore_mem>>
        %dma_start3A = arith.constant 0 : i32
        %dma_start3A_10 = tpu.memref_slice %arg6[%scan3A_9, %dma_start3A] : memref<79x128xi32, #tpu.memory_space<vmem>> -> memref<1x128xi32, #tpu.memory_space<vmem>>
        %dma_start3A_11 = tpu.memref_squeeze %dma_start3A_10 : memref<1x128xi32, #tpu.memory_space<vmem>> -> memref<128xi32, #tpu.memory_space<vmem>>
        %dma_start3A_12 = arith.constant 0 : i32
        %dma_start3A_13 = arith.constant 0 : i32
        %dma_start3A_14 = tpu.memref_slice %arg2[%dma_start3A_12, %dma_start3A_13] : memref<10240x128xf32, #tpu.memory_space<hbm>> -> memref<10240x128xf32, #tpu.memory_space<hbm>>
        tpu.enqueue_indirect_dma source(%dma_start3A_14 : memref<10240x128xf32, #tpu.memory_space<hbm>>) target(%arg8 : memref<128x128xf32, #tpu.memory_space<vmem>>) offsets(%dma_start3A_11 : memref<128xi32, #tpu.memory_space<vmem>>) semaphore(%run_scoped3A : memref<!tpu.dma_semaphore, #tpu.memory_space<semaphore_mem>>)
        %dma_wait3A = arith.constant 0 : i32
        %dma_wait3A_15 = tpu.memref_slice %arg6[%scan3A_9, %dma_wait3A] : memref<79x128xi32, #tpu.memory_space<vmem>> -> memref<1x128xi32, #tpu.memory_space<vmem>>
        %dma_wait3A_16 = tpu.memref_squeeze %dma_wait3A_15 : memref<1x128xi32, #tpu.memory_space<vmem>> -> memref<128xi32, #tpu.memory_space<vmem>>
        %dma_wait3A_17 = arith.constant 0 : i32
        %dma_wait3A_18 = arith.constant 0 : i32
        %dma_wait3A_19 = tpu.memref_slice %arg2[%dma_wait3A_17, %dma_wait3A_18] : memref<10240x128xf32, #tpu.memory_space<hbm>> -> memref<10240x128xf32, #tpu.memory_space<hbm>>
        tpu.wait_indirect_dma semaphore(%run_scoped3A : memref<!tpu.dma_semaphore, #tpu.memory_space<semaphore_mem>>) src(%dma_wait3A_19 : memref<10240x128xf32, #tpu.memory_space<hbm>>) dst(%arg8 : memref<128x128xf32, #tpu.memory_space<vmem>>)
        tpu.yield
      }) : () -> ()
      "tpu.region"() ({
        %run_scoped3A = tpu.sem_alloc : memref<!tpu.dma_semaphore, #tpu.memory_space<semaphore_mem>>
        %dma_start3A = arith.constant 0 : i32
        %dma_start3A_10 = tpu.memref_slice %arg7[%scan3A_9, %dma_start3A] : memref<79x128xi32, #tpu.memory_space<vmem>> -> memref<1x128xi32, #tpu.memory_space<vmem>>
        %dma_start3A_11 = tpu.memref_squeeze %dma_start3A_10 : memref<1x128xi32, #tpu.memory_space<vmem>> -> memref<128xi32, #tpu.memory_space<vmem>>
        %dma_start3A_12 = arith.constant 0 : i32
        %dma_start3A_13 = arith.constant 0 : i32
        %dma_start3A_14 = tpu.memref_slice %arg9[%dma_start3A_12, %dma_start3A_13] : memref<10240x128xf32, #tpu.memory_space<vmem_shared>> -> memref<10240x128xf32, #tpu.memory_space<vmem_shared>>
        tpu.enqueue_indirect_dma source(%arg8 : memref<128x128xf32, #tpu.memory_space<vmem>>) target(%dma_start3A_14 : memref<10240x128xf32, #tpu.memory_space<vmem_shared>>) offsets(%dma_start3A_11 : memref<128xi32, #tpu.memory_space<vmem>>) semaphore(%run_scoped3A : memref<!tpu.dma_semaphore, #tpu.memory_space<semaphore_mem>>) {add = true}
        %dma_wait3A = arith.constant 0 : i32
        %dma_wait3A_15 = tpu.memref_slice %arg7[%scan3A_9, %dma_wait3A] : memref<79x128xi32, #tpu.memory_space<vmem>> -> memref<1x128xi32, #tpu.memory_space<vmem>>
        %dma_wait3A_16 = tpu.memref_squeeze %dma_wait3A_15 : memref<1x128xi32, #tpu.memory_space<vmem>> -> memref<128xi32, #tpu.memory_space<vmem>>
        %dma_wait3A_17 = arith.constant 0 : i32
        %dma_wait3A_18 = arith.constant 0 : i32
        %dma_wait3A_19 = tpu.memref_slice %arg9[%dma_wait3A_17, %dma_wait3A_18] : memref<10240x128xf32, #tpu.memory_space<vmem_shared>> -> memref<10240x128xf32, #tpu.memory_space<vmem_shared>>
        tpu.wait_indirect_dma semaphore(%run_scoped3A : memref<!tpu.dma_semaphore, #tpu.memory_space<semaphore_mem>>) src(%arg8 : memref<128x128xf32, #tpu.memory_space<vmem>>) dst(%dma_wait3A_19 : memref<10240x128xf32, #tpu.memory_space<vmem_shared>>)
        tpu.yield
      }) : () -> ()
    }
    %scan3A_7 = arith.constant 79 : i32
    %barrier3A_8 = arith.constant 0 : index
    tpu.barrier barrier_id(%barrier3A_8)
    "tpu.region"() ({
      %run_scoped3A = tpu.sem_alloc : memref<!tpu.dma_semaphore, #tpu.memory_space<semaphore_mem>>
      %dma_start3A = arith.constant 0 : i32
      %dma_start3A_9 = tpu.memref_slice %arg5[%arg0, %mul3A_2, %dma_start3A] : memref<2x10240x128xf32, #tpu.memory_space<hbm>> -> memref<1x640x128xf32, #tpu.memory_space<hbm>>
      %dma_start3A_10 = tpu.memref_squeeze %dma_start3A_9 : memref<1x640x128xf32, #tpu.memory_space<hbm>> -> memref<640x128xf32, #tpu.memory_space<hbm>>
      %dma_start3A_11 = arith.constant 0 : i32
      %dma_start3A_12 = tpu.memref_slice %arg9[%mul3A_2, %dma_start3A_11] : memref<10240x128xf32, #tpu.memory_space<vmem_shared>> -> memref<640x128xf32, #tpu.memory_space<vmem_shared>>
      tpu.enqueue_dma source(%dma_start3A_12 : memref<640x128xf32, #tpu.memory_space<vmem_shared>>) target(%dma_start3A_10 : memref<640x128xf32, #tpu.memory_space<hbm>>) target_semaphore(%run_scoped3A : memref<!tpu.dma_semaphore, #tpu.memory_space<semaphore_mem>>)
      %dma_wait3A = arith.constant 0 : i32
      %dma_wait3A_13 = tpu.memref_slice %arg5[%arg0, %mul3A_2, %dma_wait3A] : memref<2x10240x128xf32, #tpu.memory_space<hbm>> -> memref<1x640x128xf32, #tpu.memory_space<hbm>>
      %dma_wait3A_14 = tpu.memref_squeeze %dma_wait3A_13 : memref<1x640x128xf32, #tpu.memory_space<hbm>> -> memref<640x128xf32, #tpu.memory_space<hbm>>
      %dma_wait3A_15 = arith.constant 0 : i32
      %dma_wait3A_16 = tpu.memref_slice %arg9[%mul3A_2, %dma_wait3A_15] : memref<10240x128xf32, #tpu.memory_space<vmem_shared>> -> memref<640x128xf32, #tpu.memory_space<vmem_shared>>
      tpu.wait_dma2 semaphore(%run_scoped3A : memref<!tpu.dma_semaphore, #tpu.memory_space<semaphore_mem>>) src(%dma_wait3A_16 : memref<640x128xf32, #tpu.memory_space<vmem_shared>>) dst(%dma_wait3A_14 : memref<640x128xf32, #tpu.memory_space<hbm>>)
      tpu.yield
    }) : () -> ()
    return
  }
}

#map = affine_map<(d0, d1) -> (0, 0)>
#map1 = affine_map<(d0, d1) -> (0, 0, 0)>
module attributes {stable_mosaic.version = 14 : i64} {
  func.func @_agg_kernel_body(%arg0: i32, %arg1: i32, %arg2: memref<10240x128xf32, #tpu.memory_space<hbm>>, %arg3: memref<32x79x128xi32, #tpu.memory_space<hbm>>, %arg4: memref<32x79x128xi32, #tpu.memory_space<hbm>>, %arg5: memref<2x10240x128xf32, #tpu.memory_space<hbm>>, %arg6: memref<79x128xi32, #tpu.memory_space<vmem>>, %arg7: memref<79x128xi32, #tpu.memory_space<vmem>>, %arg8: memref<128x128xf32, #tpu.memory_space<vmem>>, %arg9: memref<10240x128xf32, #tpu.memory_space<vmem_shared>>) attributes {dimension_semantics = [#tpu.dimension_semantics<core_parallel>, #tpu.dimension_semantics<subcore_parallel>], iteration_bounds = array<i64: 2, 16>, scalar_prefetch = 0 : i64, scratch_operands = 4 : i64, tpu.core_type = #tpu.core_type<sc_vector_subcore>, window_params = [{transform_indices = #map}, {transform_indices = #map1}, {transform_indices = #map1}, {transform_indices = #map1}]} {
    %mul3A = arith.constant 2 : i32
    %mul3A_0 = arith.muli %arg1, %mul3A : i32
    %add3A = arith.addi %mul3A_0, %arg0 : i32
    %mul3A_1 = arith.constant 640 : i32
    %mul3A_2 = arith.muli %arg1, %mul3A_1 : i32
    "tpu.region"() ({
      %run_scoped3A = tpu.sem_alloc : memref<!tpu.dma_semaphore, #tpu.memory_space<semaphore_mem>>
      %dma_start3A = arith.constant 0 : i32
      %dma_start3A_9 = arith.constant 0 : i32
      %dma_start3A_10 = tpu.memref_slice %arg3[%add3A, %dma_start3A, %dma_start3A_9] : memref<32x79x128xi32, #tpu.memory_space<hbm>> -> memref<1x79x128xi32, #tpu.memory_space<hbm>>
      %dma_start3A_11 = tpu.memref_squeeze %dma_start3A_10 : memref<1x79x128xi32, #tpu.memory_space<hbm>> -> memref<79x128xi32, #tpu.memory_space<hbm>>
      %dma_start3A_12 = arith.constant 0 : i32
      %dma_start3A_13 = arith.constant 0 : i32
      %dma_start3A_14 = tpu.memref_slice %arg3[%add3A, %dma_start3A_12, %dma_start3A_13] : memref<32x79x128xi32, #tpu.memory_space<hbm>> -> memref<1x79x128xi32, #tpu.memory_space<hbm>>
      %dma_start3A_15 = tpu.memref_squeeze %dma_start3A_14 : memref<1x79x128xi32, #tpu.memory_space<hbm>> -> memref<79x128xi32, #tpu.memory_space<hbm>>
      tpu.enqueue_dma source(%dma_start3A_15 : memref<79x128xi32, #tpu.memory_space<hbm>>) target(%arg6 : memref<79x128xi32, #tpu.memory_space<vmem>>) target_semaphore(%run_scoped3A : memref<!tpu.dma_semaphore, #tpu.memory_space<semaphore_mem>>)
      %dma_wait3A = arith.constant 0 : i32
      %dma_wait3A_16 = arith.constant 0 : i32
      %dma_wait3A_17 = tpu.memref_slice %arg3[%add3A, %dma_wait3A, %dma_wait3A_16] : memref<32x79x128xi32, #tpu.memory_space<hbm>> -> memref<1x79x128xi32, #tpu.memory_space<hbm>>
      %dma_wait3A_18 = tpu.memref_squeeze %dma_wait3A_17 : memref<1x79x128xi32, #tpu.memory_space<hbm>> -> memref<79x128xi32, #tpu.memory_space<hbm>>
      %dma_wait3A_19 = arith.constant 0 : i32
      %dma_wait3A_20 = arith.constant 0 : i32
      %dma_wait3A_21 = tpu.memref_slice %arg3[%add3A, %dma_wait3A_19, %dma_wait3A_20] : memref<32x79x128xi32, #tpu.memory_space<hbm>> -> memref<1x79x128xi32, #tpu.memory_space<hbm>>
      %dma_wait3A_22 = tpu.memref_squeeze %dma_wait3A_21 : memref<1x79x128xi32, #tpu.memory_space<hbm>> -> memref<79x128xi32, #tpu.memory_space<hbm>>
      tpu.wait_dma2 semaphore(%run_scoped3A : memref<!tpu.dma_semaphore, #tpu.memory_space<semaphore_mem>>) src(%dma_wait3A_22 : memref<79x128xi32, #tpu.memory_space<hbm>>) dst(%arg6 : memref<79x128xi32, #tpu.memory_space<vmem>>)
      tpu.yield
    }) : () -> ()
    "tpu.region"() ({
      %run_scoped3A = tpu.sem_alloc : memref<!tpu.dma_semaphore, #tpu.memory_space<semaphore_mem>>
      %dma_start3A = arith.constant 0 : i32
      %dma_start3A_9 = arith.constant 0 : i32
      %dma_start3A_10 = tpu.memref_slice %arg4[%add3A, %dma_start3A, %dma_start3A_9] : memref<32x79x128xi32, #tpu.memory_space<hbm>> -> memref<1x79x128xi32, #tpu.memory_space<hbm>>
      %dma_start3A_11 = tpu.memref_squeeze %dma_start3A_10 : memref<1x79x128xi32, #tpu.memory_space<hbm>> -> memref<79x128xi32, #tpu.memory_space<hbm>>
      %dma_start3A_12 = arith.constant 0 : i32
      %dma_start3A_13 = arith.constant 0 : i32
      %dma_start3A_14 = tpu.memref_slice %arg4[%add3A, %dma_start3A_12, %dma_start3A_13] : memref<32x79x128xi32, #tpu.memory_space<hbm>> -> memref<1x79x128xi32, #tpu.memory_space<hbm>>
      %dma_start3A_15 = tpu.memref_squeeze %dma_start3A_14 : memref<1x79x128xi32, #tpu.memory_space<hbm>> -> memref<79x128xi32, #tpu.memory_space<hbm>>
      tpu.enqueue_dma source(%dma_start3A_15 : memref<79x128xi32, #tpu.memory_space<hbm>>) target(%arg7 : memref<79x128xi32, #tpu.memory_space<vmem>>) target_semaphore(%run_scoped3A : memref<!tpu.dma_semaphore, #tpu.memory_space<semaphore_mem>>)
      %dma_wait3A = arith.constant 0 : i32
      %dma_wait3A_16 = arith.constant 0 : i32
      %dma_wait3A_17 = tpu.memref_slice %arg4[%add3A, %dma_wait3A, %dma_wait3A_16] : memref<32x79x128xi32, #tpu.memory_space<hbm>> -> memref<1x79x128xi32, #tpu.memory_space<hbm>>
      %dma_wait3A_18 = tpu.memref_squeeze %dma_wait3A_17 : memref<1x79x128xi32, #tpu.memory_space<hbm>> -> memref<79x128xi32, #tpu.memory_space<hbm>>
      %dma_wait3A_19 = arith.constant 0 : i32
      %dma_wait3A_20 = arith.constant 0 : i32
      %dma_wait3A_21 = tpu.memref_slice %arg4[%add3A, %dma_wait3A_19, %dma_wait3A_20] : memref<32x79x128xi32, #tpu.memory_space<hbm>> -> memref<1x79x128xi32, #tpu.memory_space<hbm>>
      %dma_wait3A_22 = tpu.memref_squeeze %dma_wait3A_21 : memref<1x79x128xi32, #tpu.memory_space<hbm>> -> memref<79x128xi32, #tpu.memory_space<hbm>>
      tpu.wait_dma2 semaphore(%run_scoped3A : memref<!tpu.dma_semaphore, #tpu.memory_space<semaphore_mem>>) src(%dma_wait3A_22 : memref<79x128xi32, #tpu.memory_space<hbm>>) dst(%arg7 : memref<79x128xi32, #tpu.memory_space<vmem>>)
      tpu.yield
    }) : () -> ()
    "tpu.region"() ({
      %run_scoped3A = tpu.sem_alloc : memref<!tpu.dma_semaphore, #tpu.memory_space<semaphore_mem>>
      %dma_start3A = arith.constant 0 : i32
      %dma_start3A_9 = tpu.memref_slice %arg9[%mul3A_2, %dma_start3A] : memref<10240x128xf32, #tpu.memory_space<vmem_shared>> -> memref<640x128xf32, #tpu.memory_space<vmem_shared>>
      %dma_start3A_10 = arith.constant 0 : i32
      %dma_start3A_11 = tpu.memref_slice %arg2[%mul3A_2, %dma_start3A_10] : memref<10240x128xf32, #tpu.memory_space<hbm>> -> memref<640x128xf32, #tpu.memory_space<hbm>>
      tpu.enqueue_dma source(%dma_start3A_11 : memref<640x128xf32, #tpu.memory_space<hbm>>) target(%dma_start3A_9 : memref<640x128xf32, #tpu.memory_space<vmem_shared>>) target_semaphore(%run_scoped3A : memref<!tpu.dma_semaphore, #tpu.memory_space<semaphore_mem>>)
      %dma_wait3A = arith.constant 0 : i32
      %dma_wait3A_12 = tpu.memref_slice %arg9[%mul3A_2, %dma_wait3A] : memref<10240x128xf32, #tpu.memory_space<vmem_shared>> -> memref<640x128xf32, #tpu.memory_space<vmem_shared>>
      %dma_wait3A_13 = arith.constant 0 : i32
      %dma_wait3A_14 = tpu.memref_slice %arg2[%mul3A_2, %dma_wait3A_13] : memref<10240x128xf32, #tpu.memory_space<hbm>> -> memref<640x128xf32, #tpu.memory_space<hbm>>
      tpu.wait_dma2 semaphore(%run_scoped3A : memref<!tpu.dma_semaphore, #tpu.memory_space<semaphore_mem>>) src(%dma_wait3A_14 : memref<640x128xf32, #tpu.memory_space<hbm>>) dst(%dma_wait3A_12 : memref<640x128xf32, #tpu.memory_space<vmem_shared>>)
      tpu.yield
    }) : () -> ()
    %barrier3A = arith.constant 0 : index
    tpu.barrier barrier_id(%barrier3A)
    %scan3A = arith.constant 0 : i32
    %scan3A_3 = arith.constant 0 : i32
    %scan3A_4 = arith.constant 79 : i32
    %scan3A_5 = arith.addi %scan3A_3, %scan3A_4 : i32
    %scan3A_6 = arith.constant 1 : i32
    scf.for %scan3A_9 = %scan3A_3 to %scan3A_5 step %scan3A_6  : i32 {
      "tpu.region"() ({
        %run_scoped3A = tpu.sem_alloc : memref<!tpu.dma_semaphore, #tpu.memory_space<semaphore_mem>>
        %dma_start3A = arith.constant 0 : i32
        %dma_start3A_10 = tpu.memref_slice %arg6[%scan3A_9, %dma_start3A] : memref<79x128xi32, #tpu.memory_space<vmem>> -> memref<1x128xi32, #tpu.memory_space<vmem>>
        %dma_start3A_11 = tpu.memref_squeeze %dma_start3A_10 : memref<1x128xi32, #tpu.memory_space<vmem>> -> memref<128xi32, #tpu.memory_space<vmem>>
        %dma_start3A_12 = arith.constant 0 : i32
        %dma_start3A_13 = arith.constant 0 : i32
        %dma_start3A_14 = tpu.memref_slice %arg2[%dma_start3A_12, %dma_start3A_13] : memref<10240x128xf32, #tpu.memory_space<hbm>> -> memref<10240x128xf32, #tpu.memory_space<hbm>>
        tpu.enqueue_indirect_dma source(%dma_start3A_14 : memref<10240x128xf32, #tpu.memory_space<hbm>>) target(%arg8 : memref<128x128xf32, #tpu.memory_space<vmem>>) offsets(%dma_start3A_11 : memref<128xi32, #tpu.memory_space<vmem>>) semaphore(%run_scoped3A : memref<!tpu.dma_semaphore, #tpu.memory_space<semaphore_mem>>)
        %dma_wait3A = arith.constant 0 : i32
        %dma_wait3A_15 = tpu.memref_slice %arg6[%scan3A_9, %dma_wait3A] : memref<79x128xi32, #tpu.memory_space<vmem>> -> memref<1x128xi32, #tpu.memory_space<vmem>>
        %dma_wait3A_16 = tpu.memref_squeeze %dma_wait3A_15 : memref<1x128xi32, #tpu.memory_space<vmem>> -> memref<128xi32, #tpu.memory_space<vmem>>
        %dma_wait3A_17 = arith.constant 0 : i32
        %dma_wait3A_18 = arith.constant 0 : i32
        %dma_wait3A_19 = tpu.memref_slice %arg2[%dma_wait3A_17, %dma_wait3A_18] : memref<10240x128xf32, #tpu.memory_space<hbm>> -> memref<10240x128xf32, #tpu.memory_space<hbm>>
        tpu.wait_indirect_dma semaphore(%run_scoped3A : memref<!tpu.dma_semaphore, #tpu.memory_space<semaphore_mem>>) src(%dma_wait3A_19 : memref<10240x128xf32, #tpu.memory_space<hbm>>) dst(%arg8 : memref<128x128xf32, #tpu.memory_space<vmem>>)
        tpu.yield
      }) : () -> ()
      "tpu.region"() ({
        %run_scoped3A = tpu.sem_alloc : memref<!tpu.dma_semaphore, #tpu.memory_space<semaphore_mem>>
        %dma_start3A = arith.constant 0 : i32
        %dma_start3A_10 = tpu.memref_slice %arg7[%scan3A_9, %dma_start3A] : memref<79x128xi32, #tpu.memory_space<vmem>> -> memref<1x128xi32, #tpu.memory_space<vmem>>
        %dma_start3A_11 = tpu.memref_squeeze %dma_start3A_10 : memref<1x128xi32, #tpu.memory_space<vmem>> -> memref<128xi32, #tpu.memory_space<vmem>>
        %dma_start3A_12 = arith.constant 0 : i32
        %dma_start3A_13 = arith.constant 0 : i32
        %dma_start3A_14 = tpu.memref_slice %arg9[%dma_start3A_12, %dma_start3A_13] : memref<10240x128xf32, #tpu.memory_space<vmem_shared>> -> memref<10240x128xf32, #tpu.memory_space<vmem_shared>>
        tpu.enqueue_indirect_dma source(%arg8 : memref<128x128xf32, #tpu.memory_space<vmem>>) target(%dma_start3A_14 : memref<10240x128xf32, #tpu.memory_space<vmem_shared>>) offsets(%dma_start3A_11 : memref<128xi32, #tpu.memory_space<vmem>>) semaphore(%run_scoped3A : memref<!tpu.dma_semaphore, #tpu.memory_space<semaphore_mem>>) {add = true}
        %dma_wait3A = arith.constant 0 : i32
        %dma_wait3A_15 = tpu.memref_slice %arg7[%scan3A_9, %dma_wait3A] : memref<79x128xi32, #tpu.memory_space<vmem>> -> memref<1x128xi32, #tpu.memory_space<vmem>>
        %dma_wait3A_16 = tpu.memref_squeeze %dma_wait3A_15 : memref<1x128xi32, #tpu.memory_space<vmem>> -> memref<128xi32, #tpu.memory_space<vmem>>
        %dma_wait3A_17 = arith.constant 0 : i32
        %dma_wait3A_18 = arith.constant 0 : i32
        %dma_wait3A_19 = tpu.memref_slice %arg9[%dma_wait3A_17, %dma_wait3A_18] : memref<10240x128xf32, #tpu.memory_space<vmem_shared>> -> memref<10240x128xf32, #tpu.memory_space<vmem_shared>>
        tpu.wait_indirect_dma semaphore(%run_scoped3A : memref<!tpu.dma_semaphore, #tpu.memory_space<semaphore_mem>>) src(%arg8 : memref<128x128xf32, #tpu.memory_space<vmem>>) dst(%dma_wait3A_19 : memref<10240x128xf32, #tpu.memory_space<vmem_shared>>)
        tpu.yield
      }) : () -> ()
    }
    %scan3A_7 = arith.constant 79 : i32
    %barrier3A_8 = arith.constant 0 : index
    tpu.barrier barrier_id(%barrier3A_8)
    "tpu.region"() ({
      %run_scoped3A = tpu.sem_alloc : memref<!tpu.dma_semaphore, #tpu.memory_space<semaphore_mem>>
      %dma_start3A = arith.constant 0 : i32
      %dma_start3A_9 = tpu.memref_slice %arg5[%arg0, %mul3A_2, %dma_start3A] : memref<2x10240x128xf32, #tpu.memory_space<hbm>> -> memref<1x640x128xf32, #tpu.memory_space<hbm>>
      %dma_start3A_10 = tpu.memref_squeeze %dma_start3A_9 : memref<1x640x128xf32, #tpu.memory_space<hbm>> -> memref<640x128xf32, #tpu.memory_space<hbm>>
      %dma_start3A_11 = arith.constant 0 : i32
      %dma_start3A_12 = tpu.memref_slice %arg9[%mul3A_2, %dma_start3A_11] : memref<10240x128xf32, #tpu.memory_space<vmem_shared>> -> memref<640x128xf32, #tpu.memory_space<vmem_shared>>
      tpu.enqueue_dma source(%dma_start3A_12 : memref<640x128xf32, #tpu.memory_space<vmem_shared>>) target(%dma_start3A_10 : memref<640x128xf32, #tpu.memory_space<hbm>>) target_semaphore(%run_scoped3A : memref<!tpu.dma_semaphore, #tpu.memory_space<semaphore_mem>>)
      %dma_wait3A = arith.constant 0 : i32
      %dma_wait3A_13 = tpu.memref_slice %arg5[%arg0, %mul3A_2, %dma_wait3A] : memref<2x10240x128xf32, #tpu.memory_space<hbm>> -> memref<1x640x128xf32, #tpu.memory_space<hbm>>
      %dma_wait3A_14 = tpu.memref_squeeze %dma_wait3A_13 : memref<1x640x128xf32, #tpu.memory_space<hbm>> -> memref<640x128xf32, #tpu.memory_space<hbm>>
      %dma_wait3A_15 = arith.constant 0 : i32
      %dma_wait3A_16 = tpu.memref_slice %arg9[%mul3A_2, %dma_wait3A_15] : memref<10240x128xf32, #tpu.memory_space<vmem_shared>> -> memref<640x128xf32, #tpu.memory_space<vmem_shared>>
      tpu.wait_dma2 semaphore(%run_scoped3A : memref<!tpu.dma_semaphore, #tpu.memory_space<semaphore_mem>>) src(%dma_wait3A_16 : memref<640x128xf32, #tpu.memory_space<vmem_shared>>) dst(%dma_wait3A_14 : memref<640x128xf32, #tpu.memory_space<hbm>>)
      tpu.yield
    }) : () -> ()
    return
  }
}

#map = affine_map<(d0, d1) -> (0, 0)>
#map1 = affine_map<(d0, d1) -> (0, 0, 0)>
module attributes {stable_mosaic.version = 14 : i64} {
  func.func @_agg_kernel_body(%arg0: i32, %arg1: i32, %arg2: memref<10240x128xf32, #tpu.memory_space<hbm>>, %arg3: memref<32x79x128xi32, #tpu.memory_space<hbm>>, %arg4: memref<32x79x128xi32, #tpu.memory_space<hbm>>, %arg5: memref<2x10240x128xf32, #tpu.memory_space<hbm>>, %arg6: memref<79x128xi32, #tpu.memory_space<vmem>>, %arg7: memref<79x128xi32, #tpu.memory_space<vmem>>, %arg8: memref<128x128xf32, #tpu.memory_space<vmem>>, %arg9: memref<10240x128xf32, #tpu.memory_space<vmem_shared>>) attributes {dimension_semantics = [#tpu.dimension_semantics<core_parallel>, #tpu.dimension_semantics<subcore_parallel>], iteration_bounds = array<i64: 2, 16>, scalar_prefetch = 0 : i64, scratch_operands = 4 : i64, tpu.core_type = #tpu.core_type<sc_vector_subcore>, window_params = [{transform_indices = #map}, {transform_indices = #map1}, {transform_indices = #map1}, {transform_indices = #map1}]} {
    %mul3A = arith.constant 2 : i32
    %mul3A_0 = arith.muli %arg1, %mul3A : i32
    %add3A = arith.addi %mul3A_0, %arg0 : i32
    %mul3A_1 = arith.constant 640 : i32
    %mul3A_2 = arith.muli %arg1, %mul3A_1 : i32
    "tpu.region"() ({
      %run_scoped3A = tpu.sem_alloc : memref<!tpu.dma_semaphore, #tpu.memory_space<semaphore_mem>>
      %dma_start3A = arith.constant 0 : i32
      %dma_start3A_9 = arith.constant 0 : i32
      %dma_start3A_10 = tpu.memref_slice %arg3[%add3A, %dma_start3A, %dma_start3A_9] : memref<32x79x128xi32, #tpu.memory_space<hbm>> -> memref<1x79x128xi32, #tpu.memory_space<hbm>>
      %dma_start3A_11 = tpu.memref_squeeze %dma_start3A_10 : memref<1x79x128xi32, #tpu.memory_space<hbm>> -> memref<79x128xi32, #tpu.memory_space<hbm>>
      %dma_start3A_12 = arith.constant 0 : i32
      %dma_start3A_13 = arith.constant 0 : i32
      %dma_start3A_14 = tpu.memref_slice %arg3[%add3A, %dma_start3A_12, %dma_start3A_13] : memref<32x79x128xi32, #tpu.memory_space<hbm>> -> memref<1x79x128xi32, #tpu.memory_space<hbm>>
      %dma_start3A_15 = tpu.memref_squeeze %dma_start3A_14 : memref<1x79x128xi32, #tpu.memory_space<hbm>> -> memref<79x128xi32, #tpu.memory_space<hbm>>
      tpu.enqueue_dma source(%dma_start3A_15 : memref<79x128xi32, #tpu.memory_space<hbm>>) target(%arg6 : memref<79x128xi32, #tpu.memory_space<vmem>>) target_semaphore(%run_scoped3A : memref<!tpu.dma_semaphore, #tpu.memory_space<semaphore_mem>>)
      %dma_wait3A = arith.constant 0 : i32
      %dma_wait3A_16 = arith.constant 0 : i32
      %dma_wait3A_17 = tpu.memref_slice %arg3[%add3A, %dma_wait3A, %dma_wait3A_16] : memref<32x79x128xi32, #tpu.memory_space<hbm>> -> memref<1x79x128xi32, #tpu.memory_space<hbm>>
      %dma_wait3A_18 = tpu.memref_squeeze %dma_wait3A_17 : memref<1x79x128xi32, #tpu.memory_space<hbm>> -> memref<79x128xi32, #tpu.memory_space<hbm>>
      %dma_wait3A_19 = arith.constant 0 : i32
      %dma_wait3A_20 = arith.constant 0 : i32
      %dma_wait3A_21 = tpu.memref_slice %arg3[%add3A, %dma_wait3A_19, %dma_wait3A_20] : memref<32x79x128xi32, #tpu.memory_space<hbm>> -> memref<1x79x128xi32, #tpu.memory_space<hbm>>
      %dma_wait3A_22 = tpu.memref_squeeze %dma_wait3A_21 : memref<1x79x128xi32, #tpu.memory_space<hbm>> -> memref<79x128xi32, #tpu.memory_space<hbm>>
      tpu.wait_dma2 semaphore(%run_scoped3A : memref<!tpu.dma_semaphore, #tpu.memory_space<semaphore_mem>>) src(%dma_wait3A_22 : memref<79x128xi32, #tpu.memory_space<hbm>>) dst(%arg6 : memref<79x128xi32, #tpu.memory_space<vmem>>)
      tpu.yield
    }) : () -> ()
    "tpu.region"() ({
      %run_scoped3A = tpu.sem_alloc : memref<!tpu.dma_semaphore, #tpu.memory_space<semaphore_mem>>
      %dma_start3A = arith.constant 0 : i32
      %dma_start3A_9 = arith.constant 0 : i32
      %dma_start3A_10 = tpu.memref_slice %arg4[%add3A, %dma_start3A, %dma_start3A_9] : memref<32x79x128xi32, #tpu.memory_space<hbm>> -> memref<1x79x128xi32, #tpu.memory_space<hbm>>
      %dma_start3A_11 = tpu.memref_squeeze %dma_start3A_10 : memref<1x79x128xi32, #tpu.memory_space<hbm>> -> memref<79x128xi32, #tpu.memory_space<hbm>>
      %dma_start3A_12 = arith.constant 0 : i32
      %dma_start3A_13 = arith.constant 0 : i32
      %dma_start3A_14 = tpu.memref_slice %arg4[%add3A, %dma_start3A_12, %dma_start3A_13] : memref<32x79x128xi32, #tpu.memory_space<hbm>> -> memref<1x79x128xi32, #tpu.memory_space<hbm>>
      %dma_start3A_15 = tpu.memref_squeeze %dma_start3A_14 : memref<1x79x128xi32, #tpu.memory_space<hbm>> -> memref<79x128xi32, #tpu.memory_space<hbm>>
      tpu.enqueue_dma source(%dma_start3A_15 : memref<79x128xi32, #tpu.memory_space<hbm>>) target(%arg7 : memref<79x128xi32, #tpu.memory_space<vmem>>) target_semaphore(%run_scoped3A : memref<!tpu.dma_semaphore, #tpu.memory_space<semaphore_mem>>)
      %dma_wait3A = arith.constant 0 : i32
      %dma_wait3A_16 = arith.constant 0 : i32
      %dma_wait3A_17 = tpu.memref_slice %arg4[%add3A, %dma_wait3A, %dma_wait3A_16] : memref<32x79x128xi32, #tpu.memory_space<hbm>> -> memref<1x79x128xi32, #tpu.memory_space<hbm>>
      %dma_wait3A_18 = tpu.memref_squeeze %dma_wait3A_17 : memref<1x79x128xi32, #tpu.memory_space<hbm>> -> memref<79x128xi32, #tpu.memory_space<hbm>>
      %dma_wait3A_19 = arith.constant 0 : i32
      %dma_wait3A_20 = arith.constant 0 : i32
      %dma_wait3A_21 = tpu.memref_slice %arg4[%add3A, %dma_wait3A_19, %dma_wait3A_20] : memref<32x79x128xi32, #tpu.memory_space<hbm>> -> memref<1x79x128xi32, #tpu.memory_space<hbm>>
      %dma_wait3A_22 = tpu.memref_squeeze %dma_wait3A_21 : memref<1x79x128xi32, #tpu.memory_space<hbm>> -> memref<79x128xi32, #tpu.memory_space<hbm>>
      tpu.wait_dma2 semaphore(%run_scoped3A : memref<!tpu.dma_semaphore, #tpu.memory_space<semaphore_mem>>) src(%dma_wait3A_22 : memref<79x128xi32, #tpu.memory_space<hbm>>) dst(%arg7 : memref<79x128xi32, #tpu.memory_space<vmem>>)
      tpu.yield
    }) : () -> ()
    "tpu.region"() ({
      %run_scoped3A = tpu.sem_alloc : memref<!tpu.dma_semaphore, #tpu.memory_space<semaphore_mem>>
      %dma_start3A = arith.constant 0 : i32
      %dma_start3A_9 = tpu.memref_slice %arg9[%mul3A_2, %dma_start3A] : memref<10240x128xf32, #tpu.memory_space<vmem_shared>> -> memref<640x128xf32, #tpu.memory_space<vmem_shared>>
      %dma_start3A_10 = arith.constant 0 : i32
      %dma_start3A_11 = tpu.memref_slice %arg2[%mul3A_2, %dma_start3A_10] : memref<10240x128xf32, #tpu.memory_space<hbm>> -> memref<640x128xf32, #tpu.memory_space<hbm>>
      tpu.enqueue_dma source(%dma_start3A_11 : memref<640x128xf32, #tpu.memory_space<hbm>>) target(%dma_start3A_9 : memref<640x128xf32, #tpu.memory_space<vmem_shared>>) target_semaphore(%run_scoped3A : memref<!tpu.dma_semaphore, #tpu.memory_space<semaphore_mem>>)
      %dma_wait3A = arith.constant 0 : i32
      %dma_wait3A_12 = tpu.memref_slice %arg9[%mul3A_2, %dma_wait3A] : memref<10240x128xf32, #tpu.memory_space<vmem_shared>> -> memref<640x128xf32, #tpu.memory_space<vmem_shared>>
      %dma_wait3A_13 = arith.constant 0 : i32
      %dma_wait3A_14 = tpu.memref_slice %arg2[%mul3A_2, %dma_wait3A_13] : memref<10240x128xf32, #tpu.memory_space<hbm>> -> memref<640x128xf32, #tpu.memory_space<hbm>>
      tpu.wait_dma2 semaphore(%run_scoped3A : memref<!tpu.dma_semaphore, #tpu.memory_space<semaphore_mem>>) src(%dma_wait3A_14 : memref<640x128xf32, #tpu.memory_space<hbm>>) dst(%dma_wait3A_12 : memref<640x128xf32, #tpu.memory_space<vmem_shared>>)
      tpu.yield
    }) : () -> ()
    %barrier3A = arith.constant 0 : index
    tpu.barrier barrier_id(%barrier3A)
    %scan3A = arith.constant 0 : i32
    %scan3A_3 = arith.constant 0 : i32
    %scan3A_4 = arith.constant 79 : i32
    %scan3A_5 = arith.addi %scan3A_3, %scan3A_4 : i32
    %scan3A_6 = arith.constant 1 : i32
    scf.for %scan3A_9 = %scan3A_3 to %scan3A_5 step %scan3A_6  : i32 {
      "tpu.region"() ({
        %run_scoped3A = tpu.sem_alloc : memref<!tpu.dma_semaphore, #tpu.memory_space<semaphore_mem>>
        %dma_start3A = arith.constant 0 : i32
        %dma_start3A_10 = tpu.memref_slice %arg6[%scan3A_9, %dma_start3A] : memref<79x128xi32, #tpu.memory_space<vmem>> -> memref<1x128xi32, #tpu.memory_space<vmem>>
        %dma_start3A_11 = tpu.memref_squeeze %dma_start3A_10 : memref<1x128xi32, #tpu.memory_space<vmem>> -> memref<128xi32, #tpu.memory_space<vmem>>
        %dma_start3A_12 = arith.constant 0 : i32
        %dma_start3A_13 = arith.constant 0 : i32
        %dma_start3A_14 = tpu.memref_slice %arg2[%dma_start3A_12, %dma_start3A_13] : memref<10240x128xf32, #tpu.memory_space<hbm>> -> memref<10240x128xf32, #tpu.memory_space<hbm>>
        tpu.enqueue_indirect_dma source(%dma_start3A_14 : memref<10240x128xf32, #tpu.memory_space<hbm>>) target(%arg8 : memref<128x128xf32, #tpu.memory_space<vmem>>) offsets(%dma_start3A_11 : memref<128xi32, #tpu.memory_space<vmem>>) semaphore(%run_scoped3A : memref<!tpu.dma_semaphore, #tpu.memory_space<semaphore_mem>>)
        %dma_wait3A = arith.constant 0 : i32
        %dma_wait3A_15 = tpu.memref_slice %arg6[%scan3A_9, %dma_wait3A] : memref<79x128xi32, #tpu.memory_space<vmem>> -> memref<1x128xi32, #tpu.memory_space<vmem>>
        %dma_wait3A_16 = tpu.memref_squeeze %dma_wait3A_15 : memref<1x128xi32, #tpu.memory_space<vmem>> -> memref<128xi32, #tpu.memory_space<vmem>>
        %dma_wait3A_17 = arith.constant 0 : i32
        %dma_wait3A_18 = arith.constant 0 : i32
        %dma_wait3A_19 = tpu.memref_slice %arg2[%dma_wait3A_17, %dma_wait3A_18] : memref<10240x128xf32, #tpu.memory_space<hbm>> -> memref<10240x128xf32, #tpu.memory_space<hbm>>
        tpu.wait_indirect_dma semaphore(%run_scoped3A : memref<!tpu.dma_semaphore, #tpu.memory_space<semaphore_mem>>) src(%dma_wait3A_19 : memref<10240x128xf32, #tpu.memory_space<hbm>>) dst(%arg8 : memref<128x128xf32, #tpu.memory_space<vmem>>)
        tpu.yield
      }) : () -> ()
      "tpu.region"() ({
        %run_scoped3A = tpu.sem_alloc : memref<!tpu.dma_semaphore, #tpu.memory_space<semaphore_mem>>
        %dma_start3A = arith.constant 0 : i32
        %dma_start3A_10 = tpu.memref_slice %arg7[%scan3A_9, %dma_start3A] : memref<79x128xi32, #tpu.memory_space<vmem>> -> memref<1x128xi32, #tpu.memory_space<vmem>>
        %dma_start3A_11 = tpu.memref_squeeze %dma_start3A_10 : memref<1x128xi32, #tpu.memory_space<vmem>> -> memref<128xi32, #tpu.memory_space<vmem>>
        %dma_start3A_12 = arith.constant 0 : i32
        %dma_start3A_13 = arith.constant 0 : i32
        %dma_start3A_14 = tpu.memref_slice %arg9[%dma_start3A_12, %dma_start3A_13] : memref<10240x128xf32, #tpu.memory_space<vmem_shared>> -> memref<10240x128xf32, #tpu.memory_space<vmem_shared>>
        tpu.enqueue_indirect_dma source(%arg8 : memref<128x128xf32, #tpu.memory_space<vmem>>) target(%dma_start3A_14 : memref<10240x128xf32, #tpu.memory_space<vmem_shared>>) offsets(%dma_start3A_11 : memref<128xi32, #tpu.memory_space<vmem>>) semaphore(%run_scoped3A : memref<!tpu.dma_semaphore, #tpu.memory_space<semaphore_mem>>) {add = true}
        %dma_wait3A = arith.constant 0 : i32
        %dma_wait3A_15 = tpu.memref_slice %arg7[%scan3A_9, %dma_wait3A] : memref<79x128xi32, #tpu.memory_space<vmem>> -> memref<1x128xi32, #tpu.memory_space<vmem>>
        %dma_wait3A_16 = tpu.memref_squeeze %dma_wait3A_15 : memref<1x128xi32, #tpu.memory_space<vmem>> -> memref<128xi32, #tpu.memory_space<vmem>>
        %dma_wait3A_17 = arith.constant 0 : i32
        %dma_wait3A_18 = arith.constant 0 : i32
        %dma_wait3A_19 = tpu.memref_slice %arg9[%dma_wait3A_17, %dma_wait3A_18] : memref<10240x128xf32, #tpu.memory_space<vmem_shared>> -> memref<10240x128xf32, #tpu.memory_space<vmem_shared>>
        tpu.wait_indirect_dma semaphore(%run_scoped3A : memref<!tpu.dma_semaphore, #tpu.memory_space<semaphore_mem>>) src(%arg8 : memref<128x128xf32, #tpu.memory_space<vmem>>) dst(%dma_wait3A_19 : memref<10240x128xf32, #tpu.memory_space<vmem_shared>>)
        tpu.yield
      }) : () -> ()
    }
    %scan3A_7 = arith.constant 79 : i32
    %barrier3A_8 = arith.constant 0 : index
    tpu.barrier barrier_id(%barrier3A_8)
    "tpu.region"() ({
      %run_scoped3A = tpu.sem_alloc : memref<!tpu.dma_semaphore, #tpu.memory_space<semaphore_mem>>
      %dma_start3A = arith.constant 0 : i32
      %dma_start3A_9 = tpu.memref_slice %arg5[%arg0, %mul3A_2, %dma_start3A] : memref<2x10240x128xf32, #tpu.memory_space<hbm>> -> memref<1x640x128xf32, #tpu.memory_space<hbm>>
      %dma_start3A_10 = tpu.memref_squeeze %dma_start3A_9 : memref<1x640x128xf32, #tpu.memory_space<hbm>> -> memref<640x128xf32, #tpu.memory_space<hbm>>
      %dma_start3A_11 = arith.constant 0 : i32
      %dma_start3A_12 = tpu.memref_slice %arg9[%mul3A_2, %dma_start3A_11] : memref<10240x128xf32, #tpu.memory_space<vmem_shared>> -> memref<640x128xf32, #tpu.memory_space<vmem_shared>>
      tpu.enqueue_dma source(%dma_start3A_12 : memref<640x128xf32, #tpu.memory_space<vmem_shared>>) target(%dma_start3A_10 : memref<640x128xf32, #tpu.memory_space<hbm>>) target_semaphore(%run_scoped3A : memref<!tpu.dma_semaphore, #tpu.memory_space<semaphore_mem>>)
      %dma_wait3A = arith.constant 0 : i32
      %dma_wait3A_13 = tpu.memref_slice %arg5[%arg0, %mul3A_2, %dma_wait3A] : memref<2x10240x128xf32, #tpu.memory_space<hbm>> -> memref<1x640x128xf32, #tpu.memory_space<hbm>>
      %dma_wait3A_14 = tpu.memref_squeeze %dma_wait3A_13 : memref<1x640x128xf32, #tpu.memory_space<hbm>> -> memref<640x128xf32, #tpu.memory_space<hbm>>
      %dma_wait3A_15 = arith.constant 0 : i32
      %dma_wait3A_16 = tpu.memref_slice %arg9[%mul3A_2, %dma_wait3A_15] : memref<10240x128xf32, #tpu.memory_space<vmem_shared>> -> memref<640x128xf32, #tpu.memory_space<vmem_shared>>
      tpu.wait_dma2 semaphore(%run_scoped3A : memref<!tpu.dma_semaphore, #tpu.memory_space<semaphore_mem>>) src(%dma_wait3A_16 : memref<640x128xf32, #tpu.memory_space<vmem_shared>>) dst(%dma_wait3A_14 : memref<640x128xf32, #tpu.memory_space<hbm>>)
      tpu.yield
    }) : () -> ()
    return
  }
}

module attributes {stable_mosaic.version = 14 : i64} {
  func.func @_prep_body(%arg0: memref<128x128xf32, #tpu.memory_space<vmem>>, %arg1: memref<128x128xf32, #tpu.memory_space<vmem>>, %arg2: memref<128x64xf32, #tpu.memory_space<vmem>>, %arg3: memref<128x128xf32, #tpu.memory_space<vmem>>, %arg4: memref<128x128xf32, #tpu.memory_space<vmem>>, %arg5: memref<128x64xf32, #tpu.memory_space<vmem>>, %arg6: memref<128x128xf32, #tpu.memory_space<vmem>>, %arg7: memref<128x128xf32, #tpu.memory_space<vmem>>, %arg8: memref<128x128xf32, #tpu.memory_space<vmem>>) attributes {dimension_semantics = [], scalar_prefetch = 0 : i64, scratch_operands = 0 : i64, tpu.core_type = #tpu.core_type<tc>} {
    %get3A = arith.constant 0 : index
    %get3A_0 = arith.constant 0 : index
    %get3A_1 = vector.load %arg0[%get3A, %get3A_0] : memref<128x128xf32, #tpu.memory_space<vmem>>, vector<128x128xf32>
    %bitcast_convert_type3A = tpu.bitcast %get3A_1 : vector<128x128xf32> -> vector<128x128xi32>
    %shift_right_logical3A = arith.constant 31 : i32
    %shift_right_logical3A_2 = vector.broadcast %shift_right_logical3A : i32 to vector<128x128xi32>
    %shift_right_logical3A_3 = arith.shrui %bitcast_convert_type3A, %shift_right_logical3A_2 : vector<128x128xi32>
    %eq3A = arith.constant 1 : i32
    %eq3A_4 = vector.broadcast %eq3A : i32 to vector<128x128xi32>
    %eq3A_5 = arith.cmpi eq, %shift_right_logical3A_3, %eq3A_4 : vector<128x128xi32>
    %not3A = arith.constant dense<-1> : vector<128x128xi32>
    %not3A_6 = arith.xori %bitcast_convert_type3A, %not3A : vector<128x128xi32>
    %or3A = arith.constant -2147483648 : i32
    %or3A_7 = vector.broadcast %or3A : i32 to vector<128x128xi32>
    %or3A_8 = arith.ori %bitcast_convert_type3A, %or3A_7 : vector<128x128xi32>
    %select_n3A = arith.select %eq3A_5, %not3A_6, %or3A_8 : vector<128x128xi1>, vector<128x128xi32>
    %get3A_9 = arith.constant 0 : index
    %get3A_10 = arith.constant 0 : index
    %get3A_11 = vector.load %arg1[%get3A_9, %get3A_10] : memref<128x128xf32, #tpu.memory_space<vmem>>, vector<128x128xf32>
    %bitcast_convert_type3A_12 = tpu.bitcast %get3A_11 : vector<128x128xf32> -> vector<128x128xi32>
    %shift_right_logical3A_13 = arith.constant 31 : i32
    %shift_right_logical3A_14 = vector.broadcast %shift_right_logical3A_13 : i32 to vector<128x128xi32>
    %shift_right_logical3A_15 = arith.shrui %bitcast_convert_type3A_12, %shift_right_logical3A_14 : vector<128x128xi32>
    %eq3A_16 = arith.constant 1 : i32
    %eq3A_17 = vector.broadcast %eq3A_16 : i32 to vector<128x128xi32>
    %eq3A_18 = arith.cmpi eq, %shift_right_logical3A_15, %eq3A_17 : vector<128x128xi32>
    %not3A_19 = arith.constant dense<-1> : vector<128x128xi32>
    %not3A_20 = arith.xori %bitcast_convert_type3A_12, %not3A_19 : vector<128x128xi32>
    %or3A_21 = arith.constant -2147483648 : i32
    %or3A_22 = vector.broadcast %or3A_21 : i32 to vector<128x128xi32>
    %or3A_23 = arith.ori %bitcast_convert_type3A_12, %or3A_22 : vector<128x128xi32>
    %select_n3A_24 = arith.select %eq3A_18, %not3A_20, %or3A_23 : vector<128x128xi1>, vector<128x128xi32>
    %get3A_25 = arith.constant 0 : index
    %get3A_26 = arith.constant 0 : index
    %get3A_27 = vector.load %arg2[%get3A_25, %get3A_26] : memref<128x64xf32, #tpu.memory_space<vmem>>, vector<128x64xf32>
    %bitcast_convert_type3A_28 = tpu.bitcast %get3A_27 : vector<128x64xf32> -> vector<128x64xi32>
    %shift_right_logical3A_29 = arith.constant 31 : i32
    %shift_right_logical3A_30 = vector.broadcast %shift_right_logical3A_29 : i32 to vector<128x64xi32>
    %shift_right_logical3A_31 = arith.shrui %bitcast_convert_type3A_28, %shift_right_logical3A_30 : vector<128x64xi32>
    %eq3A_32 = arith.constant 1 : i32
    %eq3A_33 = vector.broadcast %eq3A_32 : i32 to vector<128x64xi32>
    %eq3A_34 = arith.cmpi eq, %shift_right_logical3A_31, %eq3A_33 : vector<128x64xi32>
    %not3A_35 = arith.constant dense<-1> : vector<128x64xi32>
    %not3A_36 = arith.xori %bitcast_convert_type3A_28, %not3A_35 : vector<128x64xi32>
    %or3A_37 = arith.constant -2147483648 : i32
    %or3A_38 = vector.broadcast %or3A_37 : i32 to vector<128x64xi32>
    %or3A_39 = arith.ori %bitcast_convert_type3A_28, %or3A_38 : vector<128x64xi32>
    %select_n3A_40 = arith.select %eq3A_34, %not3A_36, %or3A_39 : vector<128x64xi1>, vector<128x64xi32>
    %or3A_41 = arith.constant 0 : i32
    %or3A_42 = arith.constant -2147483648 : i32
    %or3A_43 = arith.ori %or3A_41, %or3A_42 : i32
    %lt3A = vector.broadcast %or3A_43 : i32 to vector<128x128xi32>
    %lt3A_44 = arith.cmpi ult, %select_n3A, %lt3A : vector<128x128xi32>
    %convert_element_type3A = arith.extui %lt3A_44 : vector<128x128xi1> to vector<128x128xi32>
    %reduce_sum3A = vector.shape_cast %convert_element_type3A : vector<128x128xi32> to vector<1x128x128xi32>
    %reduce_sum3A_45 = arith.constant dense<0> : vector<1xi32>
    %reduce_sum3A_46 = vector.multi_reduction <add>, %reduce_sum3A, %reduce_sum3A_45 [1, 2] : vector<1x128x128xi32> to vector<1xi32>
    %reduce_sum3A_47 = vector.shape_cast %reduce_sum3A_46 : vector<1xi32> to vector<1x1x1xi32>
    %reduce_sum3A_48 = vector.extract %reduce_sum3A_47[0, 0, 0] : i32 from vector<1x1x1xi32>
    %lt3A_49 = vector.broadcast %or3A_43 : i32 to vector<128x128xi32>
    %lt3A_50 = arith.cmpi ult, %select_n3A_24, %lt3A_49 : vector<128x128xi32>
    %convert_element_type3A_51 = arith.extui %lt3A_50 : vector<128x128xi1> to vector<128x128xi32>
    %reduce_sum3A_52 = vector.shape_cast %convert_element_type3A_51 : vector<128x128xi32> to vector<1x128x128xi32>
    %reduce_sum3A_53 = arith.constant dense<0> : vector<1xi32>
    %reduce_sum3A_54 = vector.multi_reduction <add>, %reduce_sum3A_52, %reduce_sum3A_53 [1, 2] : vector<1x128x128xi32> to vector<1xi32>
    %reduce_sum3A_55 = vector.shape_cast %reduce_sum3A_54 : vector<1xi32> to vector<1x1x1xi32>
    %reduce_sum3A_56 = vector.extract %reduce_sum3A_55[0, 0, 0] : i32 from vector<1x1x1xi32>
    %add3A = arith.addi %reduce_sum3A_48, %reduce_sum3A_56 : i32
    %lt3A_57 = vector.broadcast %or3A_43 : i32 to vector<128x64xi32>
    %lt3A_58 = arith.cmpi ult, %select_n3A_40, %lt3A_57 : vector<128x64xi32>
    %convert_element_type3A_59 = arith.extui %lt3A_58 : vector<128x64xi1> to vector<128x64xi32>
    %reduce_sum3A_60 = vector.shape_cast %convert_element_type3A_59 : vector<128x64xi32> to vector<1x128x64xi32>
    %reduce_sum3A_61 = arith.constant dense<0> : vector<1xi32>
    %reduce_sum3A_62 = vector.multi_reduction <add>, %reduce_sum3A_60, %reduce_sum3A_61 [1, 2] : vector<1x128x64xi32> to vector<1xi32>
    %reduce_sum3A_63 = vector.shape_cast %reduce_sum3A_62 : vector<1xi32> to vector<1x1x1xi32>
    %reduce_sum3A_64 = vector.extract %reduce_sum3A_63[0, 0, 0] : i32 from vector<1x1x1xi32>
    %add3A_65 = arith.addi %add3A, %reduce_sum3A_64 : i32
    %ge3A = arith.constant 20481 : i32
    %ge3A_66 = arith.cmpi sge, %add3A_65, %ge3A : i32
    %jit3A = arith.constant 0 : i32
    %select_n3A_67 = arith.select %ge3A_66, %jit3A, %or3A_43 : i32
    %or3A_68 = arith.constant 1073741824 : i32
    %or3A_69 = arith.ori %select_n3A_67, %or3A_68 : i32
    %lt3A_70 = vector.broadcast %or3A_69 : i32 to vector<128x128xi32>
    %lt3A_71 = arith.cmpi ult, %select_n3A, %lt3A_70 : vector<128x128xi32>
    %convert_element_type3A_72 = arith.extui %lt3A_71 : vector<128x128xi1> to vector<128x128xi32>
    %reduce_sum3A_73 = vector.shape_cast %convert_element_type3A_72 : vector<128x128xi32> to vector<1x128x128xi32>
    %reduce_sum3A_74 = arith.constant dense<0> : vector<1xi32>
    %reduce_sum3A_75 = vector.multi_reduction <add>, %reduce_sum3A_73, %reduce_sum3A_74 [1, 2] : vector<1x128x128xi32> to vector<1xi32>
    %reduce_sum3A_76 = vector.shape_cast %reduce_sum3A_75 : vector<1xi32> to vector<1x1x1xi32>
    %reduce_sum3A_77 = vector.extract %reduce_sum3A_76[0, 0, 0] : i32 from vector<1x1x1xi32>
    %lt3A_78 = vector.broadcast %or3A_69 : i32 to vector<128x128xi32>
    %lt3A_79 = arith.cmpi ult, %select_n3A_24, %lt3A_78 : vector<128x128xi32>
    %convert_element_type3A_80 = arith.extui %lt3A_79 : vector<128x128xi1> to vector<128x128xi32>
    %reduce_sum3A_81 = vector.shape_cast %convert_element_type3A_80 : vector<128x128xi32> to vector<1x128x128xi32>
    %reduce_sum3A_82 = arith.constant dense<0> : vector<1xi32>
    %reduce_sum3A_83 = vector.multi_reduction <add>, %reduce_sum3A_81, %reduce_sum3A_82 [1, 2] : vector<1x128x128xi32> to vector<1xi32>
    %reduce_sum3A_84 = vector.shape_cast %reduce_sum3A_83 : vector<1xi32> to vector<1x1x1xi32>
    %reduce_sum3A_85 = vector.extract %reduce_sum3A_84[0, 0, 0] : i32 from vector<1x1x1xi32>
    %add3A_86 = arith.addi %reduce_sum3A_77, %reduce_sum3A_85 : i32
    %lt3A_87 = vector.broadcast %or3A_69 : i32 to vector<128x64xi32>
    %lt3A_88 = arith.cmpi ult, %select_n3A_40, %lt3A_87 : vector<128x64xi32>
    %convert_element_type3A_89 = arith.extui %lt3A_88 : vector<128x64xi1> to vector<128x64xi32>
    %reduce_sum3A_90 = vector.shape_cast %convert_element_type3A_89 : vector<128x64xi32> to vector<1x128x64xi32>
    %reduce_sum3A_91 = arith.constant dense<0> : vector<1xi32>
    %reduce_sum3A_92 = vector.multi_reduction <add>, %reduce_sum3A_90, %reduce_sum3A_91 [1, 2] : vector<1x128x64xi32> to vector<1xi32>
    %reduce_sum3A_93 = vector.shape_cast %reduce_sum3A_92 : vector<1xi32> to vector<1x1x1xi32>
    %reduce_sum3A_94 = vector.extract %reduce_sum3A_93[0, 0, 0] : i32 from vector<1x1x1xi32>
    %add3A_95 = arith.addi %add3A_86, %reduce_sum3A_94 : i32
    %ge3A_96 = arith.constant 20481 : i32
    %ge3A_97 = arith.cmpi sge, %add3A_95, %ge3A_96 : i32
    %select_n3A_98 = arith.select %ge3A_97, %select_n3A_67, %or3A_69 : i32
    %or3A_99 = arith.constant 536870912 : i32
    %or3A_100 = arith.ori %select_n3A_98, %or3A_99 : i32
    %lt3A_101 = vector.broadcast %or3A_100 : i32 to vector<128x128xi32>
    %lt3A_102 = arith.cmpi ult, %select_n3A, %lt3A_101 : vector<128x128xi32>
    %convert_element_type3A_103 = arith.extui %lt3A_102 : vector<128x128xi1> to vector<128x128xi32>
    %reduce_sum3A_104 = vector.shape_cast %convert_element_type3A_103 : vector<128x128xi32> to vector<1x128x128xi32>
    %reduce_sum3A_105 = arith.constant dense<0> : vector<1xi32>
    %reduce_sum3A_106 = vector.multi_reduction <add>, %reduce_sum3A_104, %reduce_sum3A_105 [1, 2] : vector<1x128x128xi32> to vector<1xi32>
    %reduce_sum3A_107 = vector.shape_cast %reduce_sum3A_106 : vector<1xi32> to vector<1x1x1xi32>
    %reduce_sum3A_108 = vector.extract %reduce_sum3A_107[0, 0, 0] : i32 from vector<1x1x1xi32>
    %lt3A_109 = vector.broadcast %or3A_100 : i32 to vector<128x128xi32>
    %lt3A_110 = arith.cmpi ult, %select_n3A_24, %lt3A_109 : vector<128x128xi32>
    %convert_element_type3A_111 = arith.extui %lt3A_110 : vector<128x128xi1> to vector<128x128xi32>
    %reduce_sum3A_112 = vector.shape_cast %convert_element_type3A_111 : vector<128x128xi32> to vector<1x128x128xi32>
    %reduce_sum3A_113 = arith.constant dense<0> : vector<1xi32>
    %reduce_sum3A_114 = vector.multi_reduction <add>, %reduce_sum3A_112, %reduce_sum3A_113 [1, 2] : vector<1x128x128xi32> to vector<1xi32>
    %reduce_sum3A_115 = vector.shape_cast %reduce_sum3A_114 : vector<1xi32> to vector<1x1x1xi32>
    %reduce_sum3A_116 = vector.extract %reduce_sum3A_115[0, 0, 0] : i32 from vector<1x1x1xi32>
    %add3A_117 = arith.addi %reduce_sum3A_108, %reduce_sum3A_116 : i32
    %lt3A_118 = vector.broadcast %or3A_100 : i32 to vector<128x64xi32>
    %lt3A_119 = arith.cmpi ult, %select_n3A_40, %lt3A_118 : vector<128x64xi32>
    %convert_element_type3A_120 = arith.extui %lt3A_119 : vector<128x64xi1> to vector<128x64xi32>
    %reduce_sum3A_121 = vector.shape_cast %convert_element_type3A_120 : vector<128x64xi32> to vector<1x128x64xi32>
    %reduce_sum3A_122 = arith.constant dense<0> : vector<1xi32>
    %reduce_sum3A_123 = vector.multi_reduction <add>, %reduce_sum3A_121, %reduce_sum3A_122 [1, 2] : vector<1x128x64xi32> to vector<1xi32>
    %reduce_sum3A_124 = vector.shape_cast %reduce_sum3A_123 : vector<1xi32> to vector<1x1x1xi32>
    %reduce_sum3A_125 = vector.extract %reduce_sum3A_124[0, 0, 0] : i32 from vector<1x1x1xi32>
    %add3A_126 = arith.addi %add3A_117, %reduce_sum3A_125 : i32
    %ge3A_127 = arith.constant 20481 : i32
    %ge3A_128 = arith.cmpi sge, %add3A_126, %ge3A_127 : i32
    %select_n3A_129 = arith.select %ge3A_128, %select_n3A_98, %or3A_100 : i32
    %or3A_130 = arith.constant 268435456 : i32
    %or3A_131 = arith.ori %select_n3A_129, %or3A_130 : i32
    %lt3A_132 = vector.broadcast %or3A_131 : i32 to vector<128x128xi32>
    %lt3A_133 = arith.cmpi ult, %select_n3A, %lt3A_132 : vector<128x128xi32>
    %convert_element_type3A_134 = arith.extui %lt3A_133 : vector<128x128xi1> to vector<128x128xi32>
    %reduce_sum3A_135 = vector.shape_cast %convert_element_type3A_134 : vector<128x128xi32> to vector<1x128x128xi32>
    %reduce_sum3A_136 = arith.constant dense<0> : vector<1xi32>
    %reduce_sum3A_137 = vector.multi_reduction <add>, %reduce_sum3A_135, %reduce_sum3A_136 [1, 2] : vector<1x128x128xi32> to vector<1xi32>
    %reduce_sum3A_138 = vector.shape_cast %reduce_sum3A_137 : vector<1xi32> to vector<1x1x1xi32>
    %reduce_sum3A_139 = vector.extract %reduce_sum3A_138[0, 0, 0] : i32 from vector<1x1x1xi32>
    %lt3A_140 = vector.broadcast %or3A_131 : i32 to vector<128x128xi32>
    %lt3A_141 = arith.cmpi ult, %select_n3A_24, %lt3A_140 : vector<128x128xi32>
    %convert_element_type3A_142 = arith.extui %lt3A_141 : vector<128x128xi1> to vector<128x128xi32>
    %reduce_sum3A_143 = vector.shape_cast %convert_element_type3A_142 : vector<128x128xi32> to vector<1x128x128xi32>
    %reduce_sum3A_144 = arith.constant dense<0> : vector<1xi32>
    %reduce_sum3A_145 = vector.multi_reduction <add>, %reduce_sum3A_143, %reduce_sum3A_144 [1, 2] : vector<1x128x128xi32> to vector<1xi32>
    %reduce_sum3A_146 = vector.shape_cast %reduce_sum3A_145 : vector<1xi32> to vector<1x1x1xi32>
    %reduce_sum3A_147 = vector.extract %reduce_sum3A_146[0, 0, 0] : i32 from vector<1x1x1xi32>
    %add3A_148 = arith.addi %reduce_sum3A_139, %reduce_sum3A_147 : i32
    %lt3A_149 = vector.broadcast %or3A_131 : i32 to vector<128x64xi32>
    %lt3A_150 = arith.cmpi ult, %select_n3A_40, %lt3A_149 : vector<128x64xi32>
    %convert_element_type3A_151 = arith.extui %lt3A_150 : vector<128x64xi1> to vector<128x64xi32>
    %reduce_sum3A_152 = vector.shape_cast %convert_element_type3A_151 : vector<128x64xi32> to vector<1x128x64xi32>
    %reduce_sum3A_153 = arith.constant dense<0> : vector<1xi32>
    %reduce_sum3A_154 = vector.multi_reduction <add>, %reduce_sum3A_152, %reduce_sum3A_153 [1, 2] : vector<1x128x64xi32> to vector<1xi32>
    %reduce_sum3A_155 = vector.shape_cast %reduce_sum3A_154 : vector<1xi32> to vector<1x1x1xi32>
    %reduce_sum3A_156 = vector.extract %reduce_sum3A_155[0, 0, 0] : i32 from vector<1x1x1xi32>
    %add3A_157 = arith.addi %add3A_148, %reduce_sum3A_156 : i32
    %ge3A_158 = arith.constant 20481 : i32
    %ge3A_159 = arith.cmpi sge, %add3A_157, %ge3A_158 : i32
    %select_n3A_160 = arith.select %ge3A_159, %select_n3A_129, %or3A_131 : i32
    %or3A_161 = arith.constant 134217728 : i32
    %or3A_162 = arith.ori %select_n3A_160, %or3A_161 : i32
    %lt3A_163 = vector.broadcast %or3A_162 : i32 to vector<128x128xi32>
    %lt3A_164 = arith.cmpi ult, %select_n3A, %lt3A_163 : vector<128x128xi32>
    %convert_element_type3A_165 = arith.extui %lt3A_164 : vector<128x128xi1> to vector<128x128xi32>
    %reduce_sum3A_166 = vector.shape_cast %convert_element_type3A_165 : vector<128x128xi32> to vector<1x128x128xi32>
    %reduce_sum3A_167 = arith.constant dense<0> : vector<1xi32>
    %reduce_sum3A_168 = vector.multi_reduction <add>, %reduce_sum3A_166, %reduce_sum3A_167 [1, 2] : vector<1x128x128xi32> to vector<1xi32>
    %reduce_sum3A_169 = vector.shape_cast %reduce_sum3A_168 : vector<1xi32> to vector<1x1x1xi32>
    %reduce_sum3A_170 = vector.extract %reduce_sum3A_169[0, 0, 0] : i32 from vector<1x1x1xi32>
    %lt3A_171 = vector.broadcast %or3A_162 : i32 to vector<128x128xi32>
    %lt3A_172 = arith.cmpi ult, %select_n3A_24, %lt3A_171 : vector<128x128xi32>
    %convert_element_type3A_173 = arith.extui %lt3A_172 : vector<128x128xi1> to vector<128x128xi32>
    %reduce_sum3A_174 = vector.shape_cast %convert_element_type3A_173 : vector<128x128xi32> to vector<1x128x128xi32>
    %reduce_sum3A_175 = arith.constant dense<0> : vector<1xi32>
    %reduce_sum3A_176 = vector.multi_reduction <add>, %reduce_sum3A_174, %reduce_sum3A_175 [1, 2] : vector<1x128x128xi32> to vector<1xi32>
    %reduce_sum3A_177 = vector.shape_cast %reduce_sum3A_176 : vector<1xi32> to vector<1x1x1xi32>
    %reduce_sum3A_178 = vector.extract %reduce_sum3A_177[0, 0, 0] : i32 from vector<1x1x1xi32>
    %add3A_179 = arith.addi %reduce_sum3A_170, %reduce_sum3A_178 : i32
    %lt3A_180 = vector.broadcast %or3A_162 : i32 to vector<128x64xi32>
    %lt3A_181 = arith.cmpi ult, %select_n3A_40, %lt3A_180 : vector<128x64xi32>
    %convert_element_type3A_182 = arith.extui %lt3A_181 : vector<128x64xi1> to vector<128x64xi32>
    %reduce_sum3A_183 = vector.shape_cast %convert_element_type3A_182 : vector<128x64xi32> to vector<1x128x64xi32>
    %reduce_sum3A_184 = arith.constant dense<0> : vector<1xi32>
    %reduce_sum3A_185 = vector.multi_reduction <add>, %reduce_sum3A_183, %reduce_sum3A_184 [1, 2] : vector<1x128x64xi32> to vector<1xi32>
    %reduce_sum3A_186 = vector.shape_cast %reduce_sum3A_185 : vector<1xi32> to vector<1x1x1xi32>
    %reduce_sum3A_187 = vector.extract %reduce_sum3A_186[0, 0, 0] : i32 from vector<1x1x1xi32>
    %add3A_188 = arith.addi %add3A_179, %reduce_sum3A_187 : i32
    %ge3A_189 = arith.constant 20481 : i32
    %ge3A_190 = arith.cmpi sge, %add3A_188, %ge3A_189 : i32
    %select_n3A_191 = arith.select %ge3A_190, %select_n3A_160, %or3A_162 : i32
    %or3A_192 = arith.constant 67108864 : i32
    %or3A_193 = arith.ori %select_n3A_191, %or3A_192 : i32
    %lt3A_194 = vector.broadcast %or3A_193 : i32 to vector<128x128xi32>
    %lt3A_195 = arith.cmpi ult, %select_n3A, %lt3A_194 : vector<128x128xi32>
    %convert_element_type3A_196 = arith.extui %lt3A_195 : vector<128x128xi1> to vector<128x128xi32>
    %reduce_sum3A_197 = vector.shape_cast %convert_element_type3A_196 : vector<128x128xi32> to vector<1x128x128xi32>
    %reduce_sum3A_198 = arith.constant dense<0> : vector<1xi32>
    %reduce_sum3A_199 = vector.multi_reduction <add>, %reduce_sum3A_197, %reduce_sum3A_198 [1, 2] : vector<1x128x128xi32> to vector<1xi32>
    %reduce_sum3A_200 = vector.shape_cast %reduce_sum3A_199 : vector<1xi32> to vector<1x1x1xi32>
    %reduce_sum3A_201 = vector.extract %reduce_sum3A_200[0, 0, 0] : i32 from vector<1x1x1xi32>
    %lt3A_202 = vector.broadcast %or3A_193 : i32 to vector<128x128xi32>
    %lt3A_203 = arith.cmpi ult, %select_n3A_24, %lt3A_202 : vector<128x128xi32>
    %convert_element_type3A_204 = arith.extui %lt3A_203 : vector<128x128xi1> to vector<128x128xi32>
    %reduce_sum3A_205 = vector.shape_cast %convert_element_type3A_204 : vector<128x128xi32> to vector<1x128x128xi32>
    %reduce_sum3A_206 = arith.constant dense<0> : vector<1xi32>
    %reduce_sum3A_207 = vector.multi_reduction <add>, %reduce_sum3A_205, %reduce_sum3A_206 [1, 2] : vector<1x128x128xi32> to vector<1xi32>
    %reduce_sum3A_208 = vector.shape_cast %reduce_sum3A_207 : vector<1xi32> to vector<1x1x1xi32>
    %reduce_sum3A_209 = vector.extract %reduce_sum3A_208[0, 0, 0] : i32 from vector<1x1x1xi32>
    %add3A_210 = arith.addi %reduce_sum3A_201, %reduce_sum3A_209 : i32
    %lt3A_211 = vector.broadcast %or3A_193 : i32 to vector<128x64xi32>
    %lt3A_212 = arith.cmpi ult, %select_n3A_40, %lt3A_211 : vector<128x64xi32>
    %convert_element_type3A_213 = arith.extui %lt3A_212 : vector<128x64xi1> to vector<128x64xi32>
    %reduce_sum3A_214 = vector.shape_cast %convert_element_type3A_213 : vector<128x64xi32> to vector<1x128x64xi32>
    %reduce_sum3A_215 = arith.constant dense<0> : vector<1xi32>
    %reduce_sum3A_216 = vector.multi_reduction <add>, %reduce_sum3A_214, %reduce_sum3A_215 [1, 2] : vector<1x128x64xi32> to vector<1xi32>
    %reduce_sum3A_217 = vector.shape_cast %reduce_sum3A_216 : vector<1xi32> to vector<1x1x1xi32>
    %reduce_sum3A_218 = vector.extract %reduce_sum3A_217[0, 0, 0] : i32 from vector<1x1x1xi32>
    %add3A_219 = arith.addi %add3A_210, %reduce_sum3A_218 : i32
    %ge3A_220 = arith.constant 20481 : i32
    %ge3A_221 = arith.cmpi sge, %add3A_219, %ge3A_220 : i32
    %select_n3A_222 = arith.select %ge3A_221, %select_n3A_191, %or3A_193 : i32
    %or3A_223 = arith.constant 33554432 : i32
    %or3A_224 = arith.ori %select_n3A_222, %or3A_223 : i32
    %lt3A_225 = vector.broadcast %or3A_224 : i32 to vector<128x128xi32>
    %lt3A_226 = arith.cmpi ult, %select_n3A, %lt3A_225 : vector<128x128xi32>
    %convert_element_type3A_227 = arith.extui %lt3A_226 : vector<128x128xi1> to vector<128x128xi32>
    %reduce_sum3A_228 = vector.shape_cast %convert_element_type3A_227 : vector<128x128xi32> to vector<1x128x128xi32>
    %reduce_sum3A_229 = arith.constant dense<0> : vector<1xi32>
    %reduce_sum3A_230 = vector.multi_reduction <add>, %reduce_sum3A_228, %reduce_sum3A_229 [1, 2] : vector<1x128x128xi32> to vector<1xi32>
    %reduce_sum3A_231 = vector.shape_cast %reduce_sum3A_230 : vector<1xi32> to vector<1x1x1xi32>
    %reduce_sum3A_232 = vector.extract %reduce_sum3A_231[0, 0, 0] : i32 from vector<1x1x1xi32>
    %lt3A_233 = vector.broadcast %or3A_224 : i32 to vector<128x128xi32>
    %lt3A_234 = arith.cmpi ult, %select_n3A_24, %lt3A_233 : vector<128x128xi32>
    %convert_element_type3A_235 = arith.extui %lt3A_234 : vector<128x128xi1> to vector<128x128xi32>
    %reduce_sum3A_236 = vector.shape_cast %convert_element_type3A_235 : vector<128x128xi32> to vector<1x128x128xi32>
    %reduce_sum3A_237 = arith.constant dense<0> : vector<1xi32>
    %reduce_sum3A_238 = vector.multi_reduction <add>, %reduce_sum3A_236, %reduce_sum3A_237 [1, 2] : vector<1x128x128xi32> to vector<1xi32>
    %reduce_sum3A_239 = vector.shape_cast %reduce_sum3A_238 : vector<1xi32> to vector<1x1x1xi32>
    %reduce_sum3A_240 = vector.extract %reduce_sum3A_239[0, 0, 0] : i32 from vector<1x1x1xi32>
    %add3A_241 = arith.addi %reduce_sum3A_232, %reduce_sum3A_240 : i32
    %lt3A_242 = vector.broadcast %or3A_224 : i32 to vector<128x64xi32>
    %lt3A_243 = arith.cmpi ult, %select_n3A_40, %lt3A_242 : vector<128x64xi32>
    %convert_element_type3A_244 = arith.extui %lt3A_243 : vector<128x64xi1> to vector<128x64xi32>
    %reduce_sum3A_245 = vector.shape_cast %convert_element_type3A_244 : vector<128x64xi32> to vector<1x128x64xi32>
    %reduce_sum3A_246 = arith.constant dense<0> : vector<1xi32>
    %reduce_sum3A_247 = vector.multi_reduction <add>, %reduce_sum3A_245, %reduce_sum3A_246 [1, 2] : vector<1x128x64xi32> to vector<1xi32>
    %reduce_sum3A_248 = vector.shape_cast %reduce_sum3A_247 : vector<1xi32> to vector<1x1x1xi32>
    %reduce_sum3A_249 = vector.extract %reduce_sum3A_248[0, 0, 0] : i32 from vector<1x1x1xi32>
    %add3A_250 = arith.addi %add3A_241, %reduce_sum3A_249 : i32
    %ge3A_251 = arith.constant 20481 : i32
    %ge3A_252 = arith.cmpi sge, %add3A_250, %ge3A_251 : i32
    %select_n3A_253 = arith.select %ge3A_252, %select_n3A_222, %or3A_224 : i32
    %or3A_254 = arith.constant 16777216 : i32
    %or3A_255 = arith.ori %select_n3A_253, %or3A_254 : i32
    %lt3A_256 = vector.broadcast %or3A_255 : i32 to vector<128x128xi32>
    %lt3A_257 = arith.cmpi ult, %select_n3A, %lt3A_256 : vector<128x128xi32>
    %convert_element_type3A_258 = arith.extui %lt3A_257 : vector<128x128xi1> to vector<128x128xi32>
    %reduce_sum3A_259 = vector.shape_cast %convert_element_type3A_258 : vector<128x128xi32> to vector<1x128x128xi32>
    %reduce_sum3A_260 = arith.constant dense<0> : vector<1xi32>
    %reduce_sum3A_261 = vector.multi_reduction <add>, %reduce_sum3A_259, %reduce_sum3A_260 [1, 2] : vector<1x128x128xi32> to vector<1xi32>
    %reduce_sum3A_262 = vector.shape_cast %reduce_sum3A_261 : vector<1xi32> to vector<1x1x1xi32>
    %reduce_sum3A_263 = vector.extract %reduce_sum3A_262[0, 0, 0] : i32 from vector<1x1x1xi32>
    %lt3A_264 = vector.broadcast %or3A_255 : i32 to vector<128x128xi32>
    %lt3A_265 = arith.cmpi ult, %select_n3A_24, %lt3A_264 : vector<128x128xi32>
    %convert_element_type3A_266 = arith.extui %lt3A_265 : vector<128x128xi1> to vector<128x128xi32>
    %reduce_sum3A_267 = vector.shape_cast %convert_element_type3A_266 : vector<128x128xi32> to vector<1x128x128xi32>
    %reduce_sum3A_268 = arith.constant dense<0> : vector<1xi32>
    %reduce_sum3A_269 = vector.multi_reduction <add>, %reduce_sum3A_267, %reduce_sum3A_268 [1, 2] : vector<1x128x128xi32> to vector<1xi32>
    %reduce_sum3A_270 = vector.shape_cast %reduce_sum3A_269 : vector<1xi32> to vector<1x1x1xi32>
    %reduce_sum3A_271 = vector.extract %reduce_sum3A_270[0, 0, 0] : i32 from vector<1x1x1xi32>
    %add3A_272 = arith.addi %reduce_sum3A_263, %reduce_sum3A_271 : i32
    %lt3A_273 = vector.broadcast %or3A_255 : i32 to vector<128x64xi32>
    %lt3A_274 = arith.cmpi ult, %select_n3A_40, %lt3A_273 : vector<128x64xi32>
    %convert_element_type3A_275 = arith.extui %lt3A_274 : vector<128x64xi1> to vector<128x64xi32>
    %reduce_sum3A_276 = vector.shape_cast %convert_element_type3A_275 : vector<128x64xi32> to vector<1x128x64xi32>
    %reduce_sum3A_277 = arith.constant dense<0> : vector<1xi32>
    %reduce_sum3A_278 = vector.multi_reduction <add>, %reduce_sum3A_276, %reduce_sum3A_277 [1, 2] : vector<1x128x64xi32> to vector<1xi32>
    %reduce_sum3A_279 = vector.shape_cast %reduce_sum3A_278 : vector<1xi32> to vector<1x1x1xi32>
    %reduce_sum3A_280 = vector.extract %reduce_sum3A_279[0, 0, 0] : i32 from vector<1x1x1xi32>
    %add3A_281 = arith.addi %add3A_272, %reduce_sum3A_280 : i32
    %ge3A_282 = arith.constant 20481 : i32
    %ge3A_283 = arith.cmpi sge, %add3A_281, %ge3A_282 : i32
    %select_n3A_284 = arith.select %ge3A_283, %select_n3A_253, %or3A_255 : i32
    %or3A_285 = arith.constant 8388608 : i32
    %or3A_286 = arith.ori %select_n3A_284, %or3A_285 : i32
    %lt3A_287 = vector.broadcast %or3A_286 : i32 to vector<128x128xi32>
    %lt3A_288 = arith.cmpi ult, %select_n3A, %lt3A_287 : vector<128x128xi32>
    %convert_element_type3A_289 = arith.extui %lt3A_288 : vector<128x128xi1> to vector<128x128xi32>
    %reduce_sum3A_290 = vector.shape_cast %convert_element_type3A_289 : vector<128x128xi32> to vector<1x128x128xi32>
    %reduce_sum3A_291 = arith.constant dense<0> : vector<1xi32>
    %reduce_sum3A_292 = vector.multi_reduction <add>, %reduce_sum3A_290, %reduce_sum3A_291 [1, 2] : vector<1x128x128xi32> to vector<1xi32>
    %reduce_sum3A_293 = vector.shape_cast %reduce_sum3A_292 : vector<1xi32> to vector<1x1x1xi32>
    %reduce_sum3A_294 = vector.extract %reduce_sum3A_293[0, 0, 0] : i32 from vector<1x1x1xi32>
    %lt3A_295 = vector.broadcast %or3A_286 : i32 to vector<128x128xi32>
    %lt3A_296 = arith.cmpi ult, %select_n3A_24, %lt3A_295 : vector<128x128xi32>
    %convert_element_type3A_297 = arith.extui %lt3A_296 : vector<128x128xi1> to vector<128x128xi32>
    %reduce_sum3A_298 = vector.shape_cast %convert_element_type3A_297 : vector<128x128xi32> to vector<1x128x128xi32>
    %reduce_sum3A_299 = arith.constant dense<0> : vector<1xi32>
    %reduce_sum3A_300 = vector.multi_reduction <add>, %reduce_sum3A_298, %reduce_sum3A_299 [1, 2] : vector<1x128x128xi32> to vector<1xi32>
    %reduce_sum3A_301 = vector.shape_cast %reduce_sum3A_300 : vector<1xi32> to vector<1x1x1xi32>
    %reduce_sum3A_302 = vector.extract %reduce_sum3A_301[0, 0, 0] : i32 from vector<1x1x1xi32>
    %add3A_303 = arith.addi %reduce_sum3A_294, %reduce_sum3A_302 : i32
    %lt3A_304 = vector.broadcast %or3A_286 : i32 to vector<128x64xi32>
    %lt3A_305 = arith.cmpi ult, %select_n3A_40, %lt3A_304 : vector<128x64xi32>
    %convert_element_type3A_306 = arith.extui %lt3A_305 : vector<128x64xi1> to vector<128x64xi32>
    %reduce_sum3A_307 = vector.shape_cast %convert_element_type3A_306 : vector<128x64xi32> to vector<1x128x64xi32>
    %reduce_sum3A_308 = arith.constant dense<0> : vector<1xi32>
    %reduce_sum3A_309 = vector.multi_reduction <add>, %reduce_sum3A_307, %reduce_sum3A_308 [1, 2] : vector<1x128x64xi32> to vector<1xi32>
    %reduce_sum3A_310 = vector.shape_cast %reduce_sum3A_309 : vector<1xi32> to vector<1x1x1xi32>
    %reduce_sum3A_311 = vector.extract %reduce_sum3A_310[0, 0, 0] : i32 from vector<1x1x1xi32>
    %add3A_312 = arith.addi %add3A_303, %reduce_sum3A_311 : i32
    %ge3A_313 = arith.constant 20481 : i32
    %ge3A_314 = arith.cmpi sge, %add3A_312, %ge3A_313 : i32
    %select_n3A_315 = arith.select %ge3A_314, %select_n3A_284, %or3A_286 : i32
    %or3A_316 = arith.constant 4194304 : i32
    %or3A_317 = arith.ori %select_n3A_315, %or3A_316 : i32
    %lt3A_318 = vector.broadcast %or3A_317 : i32 to vector<128x128xi32>
    %lt3A_319 = arith.cmpi ult, %select_n3A, %lt3A_318 : vector<128x128xi32>
    %convert_element_type3A_320 = arith.extui %lt3A_319 : vector<128x128xi1> to vector<128x128xi32>
    %reduce_sum3A_321 = vector.shape_cast %convert_element_type3A_320 : vector<128x128xi32> to vector<1x128x128xi32>
    %reduce_sum3A_322 = arith.constant dense<0> : vector<1xi32>
    %reduce_sum3A_323 = vector.multi_reduction <add>, %reduce_sum3A_321, %reduce_sum3A_322 [1, 2] : vector<1x128x128xi32> to vector<1xi32>
    %reduce_sum3A_324 = vector.shape_cast %reduce_sum3A_323 : vector<1xi32> to vector<1x1x1xi32>
    %reduce_sum3A_325 = vector.extract %reduce_sum3A_324[0, 0, 0] : i32 from vector<1x1x1xi32>
    %lt3A_326 = vector.broadcast %or3A_317 : i32 to vector<128x128xi32>
    %lt3A_327 = arith.cmpi ult, %select_n3A_24, %lt3A_326 : vector<128x128xi32>
    %convert_element_type3A_328 = arith.extui %lt3A_327 : vector<128x128xi1> to vector<128x128xi32>
    %reduce_sum3A_329 = vector.shape_cast %convert_element_type3A_328 : vector<128x128xi32> to vector<1x128x128xi32>
    %reduce_sum3A_330 = arith.constant dense<0> : vector<1xi32>
    %reduce_sum3A_331 = vector.multi_reduction <add>, %reduce_sum3A_329, %reduce_sum3A_330 [1, 2] : vector<1x128x128xi32> to vector<1xi32>
    %reduce_sum3A_332 = vector.shape_cast %reduce_sum3A_331 : vector<1xi32> to vector<1x1x1xi32>
    %reduce_sum3A_333 = vector.extract %reduce_sum3A_332[0, 0, 0] : i32 from vector<1x1x1xi32>
    %add3A_334 = arith.addi %reduce_sum3A_325, %reduce_sum3A_333 : i32
    %lt3A_335 = vector.broadcast %or3A_317 : i32 to vector<128x64xi32>
    %lt3A_336 = arith.cmpi ult, %select_n3A_40, %lt3A_335 : vector<128x64xi32>
    %convert_element_type3A_337 = arith.extui %lt3A_336 : vector<128x64xi1> to vector<128x64xi32>
    %reduce_sum3A_338 = vector.shape_cast %convert_element_type3A_337 : vector<128x64xi32> to vector<1x128x64xi32>
    %reduce_sum3A_339 = arith.constant dense<0> : vector<1xi32>
    %reduce_sum3A_340 = vector.multi_reduction <add>, %reduce_sum3A_338, %reduce_sum3A_339 [1, 2] : vector<1x128x64xi32> to vector<1xi32>
    %reduce_sum3A_341 = vector.shape_cast %reduce_sum3A_340 : vector<1xi32> to vector<1x1x1xi32>
    %reduce_sum3A_342 = vector.extract %reduce_sum3A_341[0, 0, 0] : i32 from vector<1x1x1xi32>
    %add3A_343 = arith.addi %add3A_334, %reduce_sum3A_342 : i32
    %ge3A_344 = arith.constant 20481 : i32
    %ge3A_345 = arith.cmpi sge, %add3A_343, %ge3A_344 : i32
    %select_n3A_346 = arith.select %ge3A_345, %select_n3A_315, %or3A_317 : i32
    %or3A_347 = arith.constant 2097152 : i32
    %or3A_348 = arith.ori %select_n3A_346, %or3A_347 : i32
    %lt3A_349 = vector.broadcast %or3A_348 : i32 to vector<128x128xi32>
    %lt3A_350 = arith.cmpi ult, %select_n3A, %lt3A_349 : vector<128x128xi32>
    %convert_element_type3A_351 = arith.extui %lt3A_350 : vector<128x128xi1> to vector<128x128xi32>
    %reduce_sum3A_352 = vector.shape_cast %convert_element_type3A_351 : vector<128x128xi32> to vector<1x128x128xi32>
    %reduce_sum3A_353 = arith.constant dense<0> : vector<1xi32>
    %reduce_sum3A_354 = vector.multi_reduction <add>, %reduce_sum3A_352, %reduce_sum3A_353 [1, 2] : vector<1x128x128xi32> to vector<1xi32>
    %reduce_sum3A_355 = vector.shape_cast %reduce_sum3A_354 : vector<1xi32> to vector<1x1x1xi32>
    %reduce_sum3A_356 = vector.extract %reduce_sum3A_355[0, 0, 0] : i32 from vector<1x1x1xi32>
    %lt3A_357 = vector.broadcast %or3A_348 : i32 to vector<128x128xi32>
    %lt3A_358 = arith.cmpi ult, %select_n3A_24, %lt3A_357 : vector<128x128xi32>
    %convert_element_type3A_359 = arith.extui %lt3A_358 : vector<128x128xi1> to vector<128x128xi32>
    %reduce_sum3A_360 = vector.shape_cast %convert_element_type3A_359 : vector<128x128xi32> to vector<1x128x128xi32>
    %reduce_sum3A_361 = arith.constant dense<0> : vector<1xi32>
    %reduce_sum3A_362 = vector.multi_reduction <add>, %reduce_sum3A_360, %reduce_sum3A_361 [1, 2] : vector<1x128x128xi32> to vector<1xi32>
    %reduce_sum3A_363 = vector.shape_cast %reduce_sum3A_362 : vector<1xi32> to vector<1x1x1xi32>
    %reduce_sum3A_364 = vector.extract %reduce_sum3A_363[0, 0, 0] : i32 from vector<1x1x1xi32>
    %add3A_365 = arith.addi %reduce_sum3A_356, %reduce_sum3A_364 : i32
    %lt3A_366 = vector.broadcast %or3A_348 : i32 to vector<128x64xi32>
    %lt3A_367 = arith.cmpi ult, %select_n3A_40, %lt3A_366 : vector<128x64xi32>
    %convert_element_type3A_368 = arith.extui %lt3A_367 : vector<128x64xi1> to vector<128x64xi32>
    %reduce_sum3A_369 = vector.shape_cast %convert_element_type3A_368 : vector<128x64xi32> to vector<1x128x64xi32>
    %reduce_sum3A_370 = arith.constant dense<0> : vector<1xi32>
    %reduce_sum3A_371 = vector.multi_reduction <add>, %reduce_sum3A_369, %reduce_sum3A_370 [1, 2] : vector<1x128x64xi32> to vector<1xi32>
    %reduce_sum3A_372 = vector.shape_cast %reduce_sum3A_371 : vector<1xi32> to vector<1x1x1xi32>
    %reduce_sum3A_373 = vector.extract %reduce_sum3A_372[0, 0, 0] : i32 from vector<1x1x1xi32>
    %add3A_374 = arith.addi %add3A_365, %reduce_sum3A_373 : i32
    %ge3A_375 = arith.constant 20481 : i32
    %ge3A_376 = arith.cmpi sge, %add3A_374, %ge3A_375 : i32
    %select_n3A_377 = arith.select %ge3A_376, %select_n3A_346, %or3A_348 : i32
    %or3A_378 = arith.constant 1048576 : i32
    %or3A_379 = arith.ori %select_n3A_377, %or3A_378 : i32
    %lt3A_380 = vector.broadcast %or3A_379 : i32 to vector<128x128xi32>
    %lt3A_381 = arith.cmpi ult, %select_n3A, %lt3A_380 : vector<128x128xi32>
    %convert_element_type3A_382 = arith.extui %lt3A_381 : vector<128x128xi1> to vector<128x128xi32>
    %reduce_sum3A_383 = vector.shape_cast %convert_element_type3A_382 : vector<128x128xi32> to vector<1x128x128xi32>
    %reduce_sum3A_384 = arith.constant dense<0> : vector<1xi32>
    %reduce_sum3A_385 = vector.multi_reduction <add>, %reduce_sum3A_383, %reduce_sum3A_384 [1, 2] : vector<1x128x128xi32> to vector<1xi32>
    %reduce_sum3A_386 = vector.shape_cast %reduce_sum3A_385 : vector<1xi32> to vector<1x1x1xi32>
    %reduce_sum3A_387 = vector.extract %reduce_sum3A_386[0, 0, 0] : i32 from vector<1x1x1xi32>
    %lt3A_388 = vector.broadcast %or3A_379 : i32 to vector<128x128xi32>
    %lt3A_389 = arith.cmpi ult, %select_n3A_24, %lt3A_388 : vector<128x128xi32>
    %convert_element_type3A_390 = arith.extui %lt3A_389 : vector<128x128xi1> to vector<128x128xi32>
    %reduce_sum3A_391 = vector.shape_cast %convert_element_type3A_390 : vector<128x128xi32> to vector<1x128x128xi32>
    %reduce_sum3A_392 = arith.constant dense<0> : vector<1xi32>
    %reduce_sum3A_393 = vector.multi_reduction <add>, %reduce_sum3A_391, %reduce_sum3A_392 [1, 2] : vector<1x128x128xi32> to vector<1xi32>
    %reduce_sum3A_394 = vector.shape_cast %reduce_sum3A_393 : vector<1xi32> to vector<1x1x1xi32>
    %reduce_sum3A_395 = vector.extract %reduce_sum3A_394[0, 0, 0] : i32 from vector<1x1x1xi32>
    %add3A_396 = arith.addi %reduce_sum3A_387, %reduce_sum3A_395 : i32
    %lt3A_397 = vector.broadcast %or3A_379 : i32 to vector<128x64xi32>
    %lt3A_398 = arith.cmpi ult, %select_n3A_40, %lt3A_397 : vector<128x64xi32>
    %convert_element_type3A_399 = arith.extui %lt3A_398 : vector<128x64xi1> to vector<128x64xi32>
    %reduce_sum3A_400 = vector.shape_cast %convert_element_type3A_399 : vector<128x64xi32> to vector<1x128x64xi32>
    %reduce_sum3A_401 = arith.constant dense<0> : vector<1xi32>
    %reduce_sum3A_402 = vector.multi_reduction <add>, %reduce_sum3A_400, %reduce_sum3A_401 [1, 2] : vector<1x128x64xi32> to vector<1xi32>
    %reduce_sum3A_403 = vector.shape_cast %reduce_sum3A_402 : vector<1xi32> to vector<1x1x1xi32>
    %reduce_sum3A_404 = vector.extract %reduce_sum3A_403[0, 0, 0] : i32 from vector<1x1x1xi32>
    %add3A_405 = arith.addi %add3A_396, %reduce_sum3A_404 : i32
    %ge3A_406 = arith.constant 20481 : i32
    %ge3A_407 = arith.cmpi sge, %add3A_405, %ge3A_406 : i32
    %select_n3A_408 = arith.select %ge3A_407, %select_n3A_377, %or3A_379 : i32
    %or3A_409 = arith.constant 524288 : i32
    %or3A_410 = arith.ori %select_n3A_408, %or3A_409 : i32
    %lt3A_411 = vector.broadcast %or3A_410 : i32 to vector<128x128xi32>
    %lt3A_412 = arith.cmpi ult, %select_n3A, %lt3A_411 : vector<128x128xi32>
    %convert_element_type3A_413 = arith.extui %lt3A_412 : vector<128x128xi1> to vector<128x128xi32>
    %reduce_sum3A_414 = vector.shape_cast %convert_element_type3A_413 : vector<128x128xi32> to vector<1x128x128xi32>
    %reduce_sum3A_415 = arith.constant dense<0> : vector<1xi32>
    %reduce_sum3A_416 = vector.multi_reduction <add>, %reduce_sum3A_414, %reduce_sum3A_415 [1, 2] : vector<1x128x128xi32> to vector<1xi32>
    %reduce_sum3A_417 = vector.shape_cast %reduce_sum3A_416 : vector<1xi32> to vector<1x1x1xi32>
    %reduce_sum3A_418 = vector.extract %reduce_sum3A_417[0, 0, 0] : i32 from vector<1x1x1xi32>
    %lt3A_419 = vector.broadcast %or3A_410 : i32 to vector<128x128xi32>
    %lt3A_420 = arith.cmpi ult, %select_n3A_24, %lt3A_419 : vector<128x128xi32>
    %convert_element_type3A_421 = arith.extui %lt3A_420 : vector<128x128xi1> to vector<128x128xi32>
    %reduce_sum3A_422 = vector.shape_cast %convert_element_type3A_421 : vector<128x128xi32> to vector<1x128x128xi32>
    %reduce_sum3A_423 = arith.constant dense<0> : vector<1xi32>
    %reduce_sum3A_424 = vector.multi_reduction <add>, %reduce_sum3A_422, %reduce_sum3A_423 [1, 2] : vector<1x128x128xi32> to vector<1xi32>
    %reduce_sum3A_425 = vector.shape_cast %reduce_sum3A_424 : vector<1xi32> to vector<1x1x1xi32>
    %reduce_sum3A_426 = vector.extract %reduce_sum3A_425[0, 0, 0] : i32 from vector<1x1x1xi32>
    %add3A_427 = arith.addi %reduce_sum3A_418, %reduce_sum3A_426 : i32
    %lt3A_428 = vector.broadcast %or3A_410 : i32 to vector<128x64xi32>
    %lt3A_429 = arith.cmpi ult, %select_n3A_40, %lt3A_428 : vector<128x64xi32>
    %convert_element_type3A_430 = arith.extui %lt3A_429 : vector<128x64xi1> to vector<128x64xi32>
    %reduce_sum3A_431 = vector.shape_cast %convert_element_type3A_430 : vector<128x64xi32> to vector<1x128x64xi32>
    %reduce_sum3A_432 = arith.constant dense<0> : vector<1xi32>
    %reduce_sum3A_433 = vector.multi_reduction <add>, %reduce_sum3A_431, %reduce_sum3A_432 [1, 2] : vector<1x128x64xi32> to vector<1xi32>
    %reduce_sum3A_434 = vector.shape_cast %reduce_sum3A_433 : vector<1xi32> to vector<1x1x1xi32>
    %reduce_sum3A_435 = vector.extract %reduce_sum3A_434[0, 0, 0] : i32 from vector<1x1x1xi32>
    %add3A_436 = arith.addi %add3A_427, %reduce_sum3A_435 : i32
    %ge3A_437 = arith.constant 20481 : i32
    %ge3A_438 = arith.cmpi sge, %add3A_436, %ge3A_437 : i32
    %select_n3A_439 = arith.select %ge3A_438, %select_n3A_408, %or3A_410 : i32
    %or3A_440 = arith.constant 262144 : i32
    %or3A_441 = arith.ori %select_n3A_439, %or3A_440 : i32
    %lt3A_442 = vector.broadcast %or3A_441 : i32 to vector<128x128xi32>
    %lt3A_443 = arith.cmpi ult, %select_n3A, %lt3A_442 : vector<128x128xi32>
    %convert_element_type3A_444 = arith.extui %lt3A_443 : vector<128x128xi1> to vector<128x128xi32>
    %reduce_sum3A_445 = vector.shape_cast %convert_element_type3A_444 : vector<128x128xi32> to vector<1x128x128xi32>
    %reduce_sum3A_446 = arith.constant dense<0> : vector<1xi32>
    %reduce_sum3A_447 = vector.multi_reduction <add>, %reduce_sum3A_445, %reduce_sum3A_446 [1, 2] : vector<1x128x128xi32> to vector<1xi32>
    %reduce_sum3A_448 = vector.shape_cast %reduce_sum3A_447 : vector<1xi32> to vector<1x1x1xi32>
    %reduce_sum3A_449 = vector.extract %reduce_sum3A_448[0, 0, 0] : i32 from vector<1x1x1xi32>
    %lt3A_450 = vector.broadcast %or3A_441 : i32 to vector<128x128xi32>
    %lt3A_451 = arith.cmpi ult, %select_n3A_24, %lt3A_450 : vector<128x128xi32>
    %convert_element_type3A_452 = arith.extui %lt3A_451 : vector<128x128xi1> to vector<128x128xi32>
    %reduce_sum3A_453 = vector.shape_cast %convert_element_type3A_452 : vector<128x128xi32> to vector<1x128x128xi32>
    %reduce_sum3A_454 = arith.constant dense<0> : vector<1xi32>
    %reduce_sum3A_455 = vector.multi_reduction <add>, %reduce_sum3A_453, %reduce_sum3A_454 [1, 2] : vector<1x128x128xi32> to vector<1xi32>
    %reduce_sum3A_456 = vector.shape_cast %reduce_sum3A_455 : vector<1xi32> to vector<1x1x1xi32>
    %reduce_sum3A_457 = vector.extract %reduce_sum3A_456[0, 0, 0] : i32 from vector<1x1x1xi32>
    %add3A_458 = arith.addi %reduce_sum3A_449, %reduce_sum3A_457 : i32
    %lt3A_459 = vector.broadcast %or3A_441 : i32 to vector<128x64xi32>
    %lt3A_460 = arith.cmpi ult, %select_n3A_40, %lt3A_459 : vector<128x64xi32>
    %convert_element_type3A_461 = arith.extui %lt3A_460 : vector<128x64xi1> to vector<128x64xi32>
    %reduce_sum3A_462 = vector.shape_cast %convert_element_type3A_461 : vector<128x64xi32> to vector<1x128x64xi32>
    %reduce_sum3A_463 = arith.constant dense<0> : vector<1xi32>
    %reduce_sum3A_464 = vector.multi_reduction <add>, %reduce_sum3A_462, %reduce_sum3A_463 [1, 2] : vector<1x128x64xi32> to vector<1xi32>
    %reduce_sum3A_465 = vector.shape_cast %reduce_sum3A_464 : vector<1xi32> to vector<1x1x1xi32>
    %reduce_sum3A_466 = vector.extract %reduce_sum3A_465[0, 0, 0] : i32 from vector<1x1x1xi32>
    %add3A_467 = arith.addi %add3A_458, %reduce_sum3A_466 : i32
    %ge3A_468 = arith.constant 20481 : i32
    %ge3A_469 = arith.cmpi sge, %add3A_467, %ge3A_468 : i32
    %select_n3A_470 = arith.select %ge3A_469, %select_n3A_439, %or3A_441 : i32
    %or3A_471 = arith.constant 131072 : i32
    %or3A_472 = arith.ori %select_n3A_470, %or3A_471 : i32
    %lt3A_473 = vector.broadcast %or3A_472 : i32 to vector<128x128xi32>
    %lt3A_474 = arith.cmpi ult, %select_n3A, %lt3A_473 : vector<128x128xi32>
    %convert_element_type3A_475 = arith.extui %lt3A_474 : vector<128x128xi1> to vector<128x128xi32>
    %reduce_sum3A_476 = vector.shape_cast %convert_element_type3A_475 : vector<128x128xi32> to vector<1x128x128xi32>
    %reduce_sum3A_477 = arith.constant dense<0> : vector<1xi32>
    %reduce_sum3A_478 = vector.multi_reduction <add>, %reduce_sum3A_476, %reduce_sum3A_477 [1, 2] : vector<1x128x128xi32> to vector<1xi32>
    %reduce_sum3A_479 = vector.shape_cast %reduce_sum3A_478 : vector<1xi32> to vector<1x1x1xi32>
    %reduce_sum3A_480 = vector.extract %reduce_sum3A_479[0, 0, 0] : i32 from vector<1x1x1xi32>
    %lt3A_481 = vector.broadcast %or3A_472 : i32 to vector<128x128xi32>
    %lt3A_482 = arith.cmpi ult, %select_n3A_24, %lt3A_481 : vector<128x128xi32>
    %convert_element_type3A_483 = arith.extui %lt3A_482 : vector<128x128xi1> to vector<128x128xi32>
    %reduce_sum3A_484 = vector.shape_cast %convert_element_type3A_483 : vector<128x128xi32> to vector<1x128x128xi32>
    %reduce_sum3A_485 = arith.constant dense<0> : vector<1xi32>
    %reduce_sum3A_486 = vector.multi_reduction <add>, %reduce_sum3A_484, %reduce_sum3A_485 [1, 2] : vector<1x128x128xi32> to vector<1xi32>
    %reduce_sum3A_487 = vector.shape_cast %reduce_sum3A_486 : vector<1xi32> to vector<1x1x1xi32>
    %reduce_sum3A_488 = vector.extract %reduce_sum3A_487[0, 0, 0] : i32 from vector<1x1x1xi32>
    %add3A_489 = arith.addi %reduce_sum3A_480, %reduce_sum3A_488 : i32
    %lt3A_490 = vector.broadcast %or3A_472 : i32 to vector<128x64xi32>
    %lt3A_491 = arith.cmpi ult, %select_n3A_40, %lt3A_490 : vector<128x64xi32>
    %convert_element_type3A_492 = arith.extui %lt3A_491 : vector<128x64xi1> to vector<128x64xi32>
    %reduce_sum3A_493 = vector.shape_cast %convert_element_type3A_492 : vector<128x64xi32> to vector<1x128x64xi32>
    %reduce_sum3A_494 = arith.constant dense<0> : vector<1xi32>
    %reduce_sum3A_495 = vector.multi_reduction <add>, %reduce_sum3A_493, %reduce_sum3A_494 [1, 2] : vector<1x128x64xi32> to vector<1xi32>
    %reduce_sum3A_496 = vector.shape_cast %reduce_sum3A_495 : vector<1xi32> to vector<1x1x1xi32>
    %reduce_sum3A_497 = vector.extract %reduce_sum3A_496[0, 0, 0] : i32 from vector<1x1x1xi32>
    %add3A_498 = arith.addi %add3A_489, %reduce_sum3A_497 : i32
    %ge3A_499 = arith.constant 20481 : i32
    %ge3A_500 = arith.cmpi sge, %add3A_498, %ge3A_499 : i32
    %select_n3A_501 = arith.select %ge3A_500, %select_n3A_470, %or3A_472 : i32
    %or3A_502 = arith.constant 65536 : i32
    %or3A_503 = arith.ori %select_n3A_501, %or3A_502 : i32
    %lt3A_504 = vector.broadcast %or3A_503 : i32 to vector<128x128xi32>
    %lt3A_505 = arith.cmpi ult, %select_n3A, %lt3A_504 : vector<128x128xi32>
    %convert_element_type3A_506 = arith.extui %lt3A_505 : vector<128x128xi1> to vector<128x128xi32>
    %reduce_sum3A_507 = vector.shape_cast %convert_element_type3A_506 : vector<128x128xi32> to vector<1x128x128xi32>
    %reduce_sum3A_508 = arith.constant dense<0> : vector<1xi32>
    %reduce_sum3A_509 = vector.multi_reduction <add>, %reduce_sum3A_507, %reduce_sum3A_508 [1, 2] : vector<1x128x128xi32> to vector<1xi32>
    %reduce_sum3A_510 = vector.shape_cast %reduce_sum3A_509 : vector<1xi32> to vector<1x1x1xi32>
    %reduce_sum3A_511 = vector.extract %reduce_sum3A_510[0, 0, 0] : i32 from vector<1x1x1xi32>
    %lt3A_512 = vector.broadcast %or3A_503 : i32 to vector<128x128xi32>
    %lt3A_513 = arith.cmpi ult, %select_n3A_24, %lt3A_512 : vector<128x128xi32>
    %convert_element_type3A_514 = arith.extui %lt3A_513 : vector<128x128xi1> to vector<128x128xi32>
    %reduce_sum3A_515 = vector.shape_cast %convert_element_type3A_514 : vector<128x128xi32> to vector<1x128x128xi32>
    %reduce_sum3A_516 = arith.constant dense<0> : vector<1xi32>
    %reduce_sum3A_517 = vector.multi_reduction <add>, %reduce_sum3A_515, %reduce_sum3A_516 [1, 2] : vector<1x128x128xi32> to vector<1xi32>
    %reduce_sum3A_518 = vector.shape_cast %reduce_sum3A_517 : vector<1xi32> to vector<1x1x1xi32>
    %reduce_sum3A_519 = vector.extract %reduce_sum3A_518[0, 0, 0] : i32 from vector<1x1x1xi32>
    %add3A_520 = arith.addi %reduce_sum3A_511, %reduce_sum3A_519 : i32
    %lt3A_521 = vector.broadcast %or3A_503 : i32 to vector<128x64xi32>
    %lt3A_522 = arith.cmpi ult, %select_n3A_40, %lt3A_521 : vector<128x64xi32>
    %convert_element_type3A_523 = arith.extui %lt3A_522 : vector<128x64xi1> to vector<128x64xi32>
    %reduce_sum3A_524 = vector.shape_cast %convert_element_type3A_523 : vector<128x64xi32> to vector<1x128x64xi32>
    %reduce_sum3A_525 = arith.constant dense<0> : vector<1xi32>
    %reduce_sum3A_526 = vector.multi_reduction <add>, %reduce_sum3A_524, %reduce_sum3A_525 [1, 2] : vector<1x128x64xi32> to vector<1xi32>
    %reduce_sum3A_527 = vector.shape_cast %reduce_sum3A_526 : vector<1xi32> to vector<1x1x1xi32>
    %reduce_sum3A_528 = vector.extract %reduce_sum3A_527[0, 0, 0] : i32 from vector<1x1x1xi32>
    %add3A_529 = arith.addi %add3A_520, %reduce_sum3A_528 : i32
    %ge3A_530 = arith.constant 20481 : i32
    %ge3A_531 = arith.cmpi sge, %add3A_529, %ge3A_530 : i32
    %select_n3A_532 = arith.select %ge3A_531, %select_n3A_501, %or3A_503 : i32
    %or3A_533 = arith.constant 32768 : i32
    %or3A_534 = arith.ori %select_n3A_532, %or3A_533 : i32
    %lt3A_535 = vector.broadcast %or3A_534 : i32 to vector<128x128xi32>
    %lt3A_536 = arith.cmpi ult, %select_n3A, %lt3A_535 : vector<128x128xi32>
    %convert_element_type3A_537 = arith.extui %lt3A_536 : vector<128x128xi1> to vector<128x128xi32>
    %reduce_sum3A_538 = vector.shape_cast %convert_element_type3A_537 : vector<128x128xi32> to vector<1x128x128xi32>
    %reduce_sum3A_539 = arith.constant dense<0> : vector<1xi32>
    %reduce_sum3A_540 = vector.multi_reduction <add>, %reduce_sum3A_538, %reduce_sum3A_539 [1, 2] : vector<1x128x128xi32> to vector<1xi32>
    %reduce_sum3A_541 = vector.shape_cast %reduce_sum3A_540 : vector<1xi32> to vector<1x1x1xi32>
    %reduce_sum3A_542 = vector.extract %reduce_sum3A_541[0, 0, 0] : i32 from vector<1x1x1xi32>
    %lt3A_543 = vector.broadcast %or3A_534 : i32 to vector<128x128xi32>
    %lt3A_544 = arith.cmpi ult, %select_n3A_24, %lt3A_543 : vector<128x128xi32>
    %convert_element_type3A_545 = arith.extui %lt3A_544 : vector<128x128xi1> to vector<128x128xi32>
    %reduce_sum3A_546 = vector.shape_cast %convert_element_type3A_545 : vector<128x128xi32> to vector<1x128x128xi32>
    %reduce_sum3A_547 = arith.constant dense<0> : vector<1xi32>
    %reduce_sum3A_548 = vector.multi_reduction <add>, %reduce_sum3A_546, %reduce_sum3A_547 [1, 2] : vector<1x128x128xi32> to vector<1xi32>
    %reduce_sum3A_549 = vector.shape_cast %reduce_sum3A_548 : vector<1xi32> to vector<1x1x1xi32>
    %reduce_sum3A_550 = vector.extract %reduce_sum3A_549[0, 0, 0] : i32 from vector<1x1x1xi32>
    %add3A_551 = arith.addi %reduce_sum3A_542, %reduce_sum3A_550 : i32
    %lt3A_552 = vector.broadcast %or3A_534 : i32 to vector<128x64xi32>
    %lt3A_553 = arith.cmpi ult, %select_n3A_40, %lt3A_552 : vector<128x64xi32>
    %convert_element_type3A_554 = arith.extui %lt3A_553 : vector<128x64xi1> to vector<128x64xi32>
    %reduce_sum3A_555 = vector.shape_cast %convert_element_type3A_554 : vector<128x64xi32> to vector<1x128x64xi32>
    %reduce_sum3A_556 = arith.constant dense<0> : vector<1xi32>
    %reduce_sum3A_557 = vector.multi_reduction <add>, %reduce_sum3A_555, %reduce_sum3A_556 [1, 2] : vector<1x128x64xi32> to vector<1xi32>
    %reduce_sum3A_558 = vector.shape_cast %reduce_sum3A_557 : vector<1xi32> to vector<1x1x1xi32>
    %reduce_sum3A_559 = vector.extract %reduce_sum3A_558[0, 0, 0] : i32 from vector<1x1x1xi32>
    %add3A_560 = arith.addi %add3A_551, %reduce_sum3A_559 : i32
    %ge3A_561 = arith.constant 20481 : i32
    %ge3A_562 = arith.cmpi sge, %add3A_560, %ge3A_561 : i32
    %select_n3A_563 = arith.select %ge3A_562, %select_n3A_532, %or3A_534 : i32
    %or3A_564 = arith.constant 16384 : i32
    %or3A_565 = arith.ori %select_n3A_563, %or3A_564 : i32
    %lt3A_566 = vector.broadcast %or3A_565 : i32 to vector<128x128xi32>
    %lt3A_567 = arith.cmpi ult, %select_n3A, %lt3A_566 : vector<128x128xi32>
    %convert_element_type3A_568 = arith.extui %lt3A_567 : vector<128x128xi1> to vector<128x128xi32>
    %reduce_sum3A_569 = vector.shape_cast %convert_element_type3A_568 : vector<128x128xi32> to vector<1x128x128xi32>
    %reduce_sum3A_570 = arith.constant dense<0> : vector<1xi32>
    %reduce_sum3A_571 = vector.multi_reduction <add>, %reduce_sum3A_569, %reduce_sum3A_570 [1, 2] : vector<1x128x128xi32> to vector<1xi32>
    %reduce_sum3A_572 = vector.shape_cast %reduce_sum3A_571 : vector<1xi32> to vector<1x1x1xi32>
    %reduce_sum3A_573 = vector.extract %reduce_sum3A_572[0, 0, 0] : i32 from vector<1x1x1xi32>
    %lt3A_574 = vector.broadcast %or3A_565 : i32 to vector<128x128xi32>
    %lt3A_575 = arith.cmpi ult, %select_n3A_24, %lt3A_574 : vector<128x128xi32>
    %convert_element_type3A_576 = arith.extui %lt3A_575 : vector<128x128xi1> to vector<128x128xi32>
    %reduce_sum3A_577 = vector.shape_cast %convert_element_type3A_576 : vector<128x128xi32> to vector<1x128x128xi32>
    %reduce_sum3A_578 = arith.constant dense<0> : vector<1xi32>
    %reduce_sum3A_579 = vector.multi_reduction <add>, %reduce_sum3A_577, %reduce_sum3A_578 [1, 2] : vector<1x128x128xi32> to vector<1xi32>
    %reduce_sum3A_580 = vector.shape_cast %reduce_sum3A_579 : vector<1xi32> to vector<1x1x1xi32>
    %reduce_sum3A_581 = vector.extract %reduce_sum3A_580[0, 0, 0] : i32 from vector<1x1x1xi32>
    %add3A_582 = arith.addi %reduce_sum3A_573, %reduce_sum3A_581 : i32
    %lt3A_583 = vector.broadcast %or3A_565 : i32 to vector<128x64xi32>
    %lt3A_584 = arith.cmpi ult, %select_n3A_40, %lt3A_583 : vector<128x64xi32>
    %convert_element_type3A_585 = arith.extui %lt3A_584 : vector<128x64xi1> to vector<128x64xi32>
    %reduce_sum3A_586 = vector.shape_cast %convert_element_type3A_585 : vector<128x64xi32> to vector<1x128x64xi32>
    %reduce_sum3A_587 = arith.constant dense<0> : vector<1xi32>
    %reduce_sum3A_588 = vector.multi_reduction <add>, %reduce_sum3A_586, %reduce_sum3A_587 [1, 2] : vector<1x128x64xi32> to vector<1xi32>
    %reduce_sum3A_589 = vector.shape_cast %reduce_sum3A_588 : vector<1xi32> to vector<1x1x1xi32>
    %reduce_sum3A_590 = vector.extract %reduce_sum3A_589[0, 0, 0] : i32 from vector<1x1x1xi32>
    %add3A_591 = arith.addi %add3A_582, %reduce_sum3A_590 : i32
    %ge3A_592 = arith.constant 20481 : i32
    %ge3A_593 = arith.cmpi sge, %add3A_591, %ge3A_592 : i32
    %select_n3A_594 = arith.select %ge3A_593, %select_n3A_563, %or3A_565 : i32
    %or3A_595 = arith.constant 8192 : i32
    %or3A_596 = arith.ori %select_n3A_594, %or3A_595 : i32
    %lt3A_597 = vector.broadcast %or3A_596 : i32 to vector<128x128xi32>
    %lt3A_598 = arith.cmpi ult, %select_n3A, %lt3A_597 : vector<128x128xi32>
    %convert_element_type3A_599 = arith.extui %lt3A_598 : vector<128x128xi1> to vector<128x128xi32>
    %reduce_sum3A_600 = vector.shape_cast %convert_element_type3A_599 : vector<128x128xi32> to vector<1x128x128xi32>
    %reduce_sum3A_601 = arith.constant dense<0> : vector<1xi32>
    %reduce_sum3A_602 = vector.multi_reduction <add>, %reduce_sum3A_600, %reduce_sum3A_601 [1, 2] : vector<1x128x128xi32> to vector<1xi32>
    %reduce_sum3A_603 = vector.shape_cast %reduce_sum3A_602 : vector<1xi32> to vector<1x1x1xi32>
    %reduce_sum3A_604 = vector.extract %reduce_sum3A_603[0, 0, 0] : i32 from vector<1x1x1xi32>
    %lt3A_605 = vector.broadcast %or3A_596 : i32 to vector<128x128xi32>
    %lt3A_606 = arith.cmpi ult, %select_n3A_24, %lt3A_605 : vector<128x128xi32>
    %convert_element_type3A_607 = arith.extui %lt3A_606 : vector<128x128xi1> to vector<128x128xi32>
    %reduce_sum3A_608 = vector.shape_cast %convert_element_type3A_607 : vector<128x128xi32> to vector<1x128x128xi32>
    %reduce_sum3A_609 = arith.constant dense<0> : vector<1xi32>
    %reduce_sum3A_610 = vector.multi_reduction <add>, %reduce_sum3A_608, %reduce_sum3A_609 [1, 2] : vector<1x128x128xi32> to vector<1xi32>
    %reduce_sum3A_611 = vector.shape_cast %reduce_sum3A_610 : vector<1xi32> to vector<1x1x1xi32>
    %reduce_sum3A_612 = vector.extract %reduce_sum3A_611[0, 0, 0] : i32 from vector<1x1x1xi32>
    %add3A_613 = arith.addi %reduce_sum3A_604, %reduce_sum3A_612 : i32
    %lt3A_614 = vector.broadcast %or3A_596 : i32 to vector<128x64xi32>
    %lt3A_615 = arith.cmpi ult, %select_n3A_40, %lt3A_614 : vector<128x64xi32>
    %convert_element_type3A_616 = arith.extui %lt3A_615 : vector<128x64xi1> to vector<128x64xi32>
    %reduce_sum3A_617 = vector.shape_cast %convert_element_type3A_616 : vector<128x64xi32> to vector<1x128x64xi32>
    %reduce_sum3A_618 = arith.constant dense<0> : vector<1xi32>
    %reduce_sum3A_619 = vector.multi_reduction <add>, %reduce_sum3A_617, %reduce_sum3A_618 [1, 2] : vector<1x128x64xi32> to vector<1xi32>
    %reduce_sum3A_620 = vector.shape_cast %reduce_sum3A_619 : vector<1xi32> to vector<1x1x1xi32>
    %reduce_sum3A_621 = vector.extract %reduce_sum3A_620[0, 0, 0] : i32 from vector<1x1x1xi32>
    %add3A_622 = arith.addi %add3A_613, %reduce_sum3A_621 : i32
    %ge3A_623 = arith.constant 20481 : i32
    %ge3A_624 = arith.cmpi sge, %add3A_622, %ge3A_623 : i32
    %select_n3A_625 = arith.select %ge3A_624, %select_n3A_594, %or3A_596 : i32
    %or3A_626 = arith.constant 4096 : i32
    %or3A_627 = arith.ori %select_n3A_625, %or3A_626 : i32
    %lt3A_628 = vector.broadcast %or3A_627 : i32 to vector<128x128xi32>
    %lt3A_629 = arith.cmpi ult, %select_n3A, %lt3A_628 : vector<128x128xi32>
    %convert_element_type3A_630 = arith.extui %lt3A_629 : vector<128x128xi1> to vector<128x128xi32>
    %reduce_sum3A_631 = vector.shape_cast %convert_element_type3A_630 : vector<128x128xi32> to vector<1x128x128xi32>
    %reduce_sum3A_632 = arith.constant dense<0> : vector<1xi32>
    %reduce_sum3A_633 = vector.multi_reduction <add>, %reduce_sum3A_631, %reduce_sum3A_632 [1, 2] : vector<1x128x128xi32> to vector<1xi32>
    %reduce_sum3A_634 = vector.shape_cast %reduce_sum3A_633 : vector<1xi32> to vector<1x1x1xi32>
    %reduce_sum3A_635 = vector.extract %reduce_sum3A_634[0, 0, 0] : i32 from vector<1x1x1xi32>
    %lt3A_636 = vector.broadcast %or3A_627 : i32 to vector<128x128xi32>
    %lt3A_637 = arith.cmpi ult, %select_n3A_24, %lt3A_636 : vector<128x128xi32>
    %convert_element_type3A_638 = arith.extui %lt3A_637 : vector<128x128xi1> to vector<128x128xi32>
    %reduce_sum3A_639 = vector.shape_cast %convert_element_type3A_638 : vector<128x128xi32> to vector<1x128x128xi32>
    %reduce_sum3A_640 = arith.constant dense<0> : vector<1xi32>
    %reduce_sum3A_641 = vector.multi_reduction <add>, %reduce_sum3A_639, %reduce_sum3A_640 [1, 2] : vector<1x128x128xi32> to vector<1xi32>
    %reduce_sum3A_642 = vector.shape_cast %reduce_sum3A_641 : vector<1xi32> to vector<1x1x1xi32>
    %reduce_sum3A_643 = vector.extract %reduce_sum3A_642[0, 0, 0] : i32 from vector<1x1x1xi32>
    %add3A_644 = arith.addi %reduce_sum3A_635, %reduce_sum3A_643 : i32
    %lt3A_645 = vector.broadcast %or3A_627 : i32 to vector<128x64xi32>
    %lt3A_646 = arith.cmpi ult, %select_n3A_40, %lt3A_645 : vector<128x64xi32>
    %convert_element_type3A_647 = arith.extui %lt3A_646 : vector<128x64xi1> to vector<128x64xi32>
    %reduce_sum3A_648 = vector.shape_cast %convert_element_type3A_647 : vector<128x64xi32> to vector<1x128x64xi32>
    %reduce_sum3A_649 = arith.constant dense<0> : vector<1xi32>
    %reduce_sum3A_650 = vector.multi_reduction <add>, %reduce_sum3A_648, %reduce_sum3A_649 [1, 2] : vector<1x128x64xi32> to vector<1xi32>
    %reduce_sum3A_651 = vector.shape_cast %reduce_sum3A_650 : vector<1xi32> to vector<1x1x1xi32>
    %reduce_sum3A_652 = vector.extract %reduce_sum3A_651[0, 0, 0] : i32 from vector<1x1x1xi32>
    %add3A_653 = arith.addi %add3A_644, %reduce_sum3A_652 : i32
    %ge3A_654 = arith.constant 20481 : i32
    %ge3A_655 = arith.cmpi sge, %add3A_653, %ge3A_654 : i32
    %select_n3A_656 = arith.select %ge3A_655, %select_n3A_625, %or3A_627 : i32
    %or3A_657 = arith.constant 2048 : i32
    %or3A_658 = arith.ori %select_n3A_656, %or3A_657 : i32
    %lt3A_659 = vector.broadcast %or3A_658 : i32 to vector<128x128xi32>
    %lt3A_660 = arith.cmpi ult, %select_n3A, %lt3A_659 : vector<128x128xi32>
    %convert_element_type3A_661 = arith.extui %lt3A_660 : vector<128x128xi1> to vector<128x128xi32>
    %reduce_sum3A_662 = vector.shape_cast %convert_element_type3A_661 : vector<128x128xi32> to vector<1x128x128xi32>
    %reduce_sum3A_663 = arith.constant dense<0> : vector<1xi32>
    %reduce_sum3A_664 = vector.multi_reduction <add>, %reduce_sum3A_662, %reduce_sum3A_663 [1, 2] : vector<1x128x128xi32> to vector<1xi32>
    %reduce_sum3A_665 = vector.shape_cast %reduce_sum3A_664 : vector<1xi32> to vector<1x1x1xi32>
    %reduce_sum3A_666 = vector.extract %reduce_sum3A_665[0, 0, 0] : i32 from vector<1x1x1xi32>
    %lt3A_667 = vector.broadcast %or3A_658 : i32 to vector<128x128xi32>
    %lt3A_668 = arith.cmpi ult, %select_n3A_24, %lt3A_667 : vector<128x128xi32>
    %convert_element_type3A_669 = arith.extui %lt3A_668 : vector<128x128xi1> to vector<128x128xi32>
    %reduce_sum3A_670 = vector.shape_cast %convert_element_type3A_669 : vector<128x128xi32> to vector<1x128x128xi32>
    %reduce_sum3A_671 = arith.constant dense<0> : vector<1xi32>
    %reduce_sum3A_672 = vector.multi_reduction <add>, %reduce_sum3A_670, %reduce_sum3A_671 [1, 2] : vector<1x128x128xi32> to vector<1xi32>
    %reduce_sum3A_673 = vector.shape_cast %reduce_sum3A_672 : vector<1xi32> to vector<1x1x1xi32>
    %reduce_sum3A_674 = vector.extract %reduce_sum3A_673[0, 0, 0] : i32 from vector<1x1x1xi32>
    %add3A_675 = arith.addi %reduce_sum3A_666, %reduce_sum3A_674 : i32
    %lt3A_676 = vector.broadcast %or3A_658 : i32 to vector<128x64xi32>
    %lt3A_677 = arith.cmpi ult, %select_n3A_40, %lt3A_676 : vector<128x64xi32>
    %convert_element_type3A_678 = arith.extui %lt3A_677 : vector<128x64xi1> to vector<128x64xi32>
    %reduce_sum3A_679 = vector.shape_cast %convert_element_type3A_678 : vector<128x64xi32> to vector<1x128x64xi32>
    %reduce_sum3A_680 = arith.constant dense<0> : vector<1xi32>
    %reduce_sum3A_681 = vector.multi_reduction <add>, %reduce_sum3A_679, %reduce_sum3A_680 [1, 2] : vector<1x128x64xi32> to vector<1xi32>
    %reduce_sum3A_682 = vector.shape_cast %reduce_sum3A_681 : vector<1xi32> to vector<1x1x1xi32>
    %reduce_sum3A_683 = vector.extract %reduce_sum3A_682[0, 0, 0] : i32 from vector<1x1x1xi32>
    %add3A_684 = arith.addi %add3A_675, %reduce_sum3A_683 : i32
    %ge3A_685 = arith.constant 20481 : i32
    %ge3A_686 = arith.cmpi sge, %add3A_684, %ge3A_685 : i32
    %select_n3A_687 = arith.select %ge3A_686, %select_n3A_656, %or3A_658 : i32
    %or3A_688 = arith.constant 1024 : i32
    %or3A_689 = arith.ori %select_n3A_687, %or3A_688 : i32
    %lt3A_690 = vector.broadcast %or3A_689 : i32 to vector<128x128xi32>
    %lt3A_691 = arith.cmpi ult, %select_n3A, %lt3A_690 : vector<128x128xi32>
    %convert_element_type3A_692 = arith.extui %lt3A_691 : vector<128x128xi1> to vector<128x128xi32>
    %reduce_sum3A_693 = vector.shape_cast %convert_element_type3A_692 : vector<128x128xi32> to vector<1x128x128xi32>
    %reduce_sum3A_694 = arith.constant dense<0> : vector<1xi32>
    %reduce_sum3A_695 = vector.multi_reduction <add>, %reduce_sum3A_693, %reduce_sum3A_694 [1, 2] : vector<1x128x128xi32> to vector<1xi32>
    %reduce_sum3A_696 = vector.shape_cast %reduce_sum3A_695 : vector<1xi32> to vector<1x1x1xi32>
    %reduce_sum3A_697 = vector.extract %reduce_sum3A_696[0, 0, 0] : i32 from vector<1x1x1xi32>
    %lt3A_698 = vector.broadcast %or3A_689 : i32 to vector<128x128xi32>
    %lt3A_699 = arith.cmpi ult, %select_n3A_24, %lt3A_698 : vector<128x128xi32>
    %convert_element_type3A_700 = arith.extui %lt3A_699 : vector<128x128xi1> to vector<128x128xi32>
    %reduce_sum3A_701 = vector.shape_cast %convert_element_type3A_700 : vector<128x128xi32> to vector<1x128x128xi32>
    %reduce_sum3A_702 = arith.constant dense<0> : vector<1xi32>
    %reduce_sum3A_703 = vector.multi_reduction <add>, %reduce_sum3A_701, %reduce_sum3A_702 [1, 2] : vector<1x128x128xi32> to vector<1xi32>
    %reduce_sum3A_704 = vector.shape_cast %reduce_sum3A_703 : vector<1xi32> to vector<1x1x1xi32>
    %reduce_sum3A_705 = vector.extract %reduce_sum3A_704[0, 0, 0] : i32 from vector<1x1x1xi32>
    %add3A_706 = arith.addi %reduce_sum3A_697, %reduce_sum3A_705 : i32
    %lt3A_707 = vector.broadcast %or3A_689 : i32 to vector<128x64xi32>
    %lt3A_708 = arith.cmpi ult, %select_n3A_40, %lt3A_707 : vector<128x64xi32>
    %convert_element_type3A_709 = arith.extui %lt3A_708 : vector<128x64xi1> to vector<128x64xi32>
    %reduce_sum3A_710 = vector.shape_cast %convert_element_type3A_709 : vector<128x64xi32> to vector<1x128x64xi32>
    %reduce_sum3A_711 = arith.constant dense<0> : vector<1xi32>
    %reduce_sum3A_712 = vector.multi_reduction <add>, %reduce_sum3A_710, %reduce_sum3A_711 [1, 2] : vector<1x128x64xi32> to vector<1xi32>
    %reduce_sum3A_713 = vector.shape_cast %reduce_sum3A_712 : vector<1xi32> to vector<1x1x1xi32>
    %reduce_sum3A_714 = vector.extract %reduce_sum3A_713[0, 0, 0] : i32 from vector<1x1x1xi32>
    %add3A_715 = arith.addi %add3A_706, %reduce_sum3A_714 : i32
    %ge3A_716 = arith.constant 20481 : i32
    %ge3A_717 = arith.cmpi sge, %add3A_715, %ge3A_716 : i32
    %select_n3A_718 = arith.select %ge3A_717, %select_n3A_687, %or3A_689 : i32
    %or3A_719 = arith.constant 512 : i32
    %or3A_720 = arith.ori %select_n3A_718, %or3A_719 : i32
    %lt3A_721 = vector.broadcast %or3A_720 : i32 to vector<128x128xi32>
    %lt3A_722 = arith.cmpi ult, %select_n3A, %lt3A_721 : vector<128x128xi32>
    %convert_element_type3A_723 = arith.extui %lt3A_722 : vector<128x128xi1> to vector<128x128xi32>
    %reduce_sum3A_724 = vector.shape_cast %convert_element_type3A_723 : vector<128x128xi32> to vector<1x128x128xi32>
    %reduce_sum3A_725 = arith.constant dense<0> : vector<1xi32>
    %reduce_sum3A_726 = vector.multi_reduction <add>, %reduce_sum3A_724, %reduce_sum3A_725 [1, 2] : vector<1x128x128xi32> to vector<1xi32>
    %reduce_sum3A_727 = vector.shape_cast %reduce_sum3A_726 : vector<1xi32> to vector<1x1x1xi32>
    %reduce_sum3A_728 = vector.extract %reduce_sum3A_727[0, 0, 0] : i32 from vector<1x1x1xi32>
    %lt3A_729 = vector.broadcast %or3A_720 : i32 to vector<128x128xi32>
    %lt3A_730 = arith.cmpi ult, %select_n3A_24, %lt3A_729 : vector<128x128xi32>
    %convert_element_type3A_731 = arith.extui %lt3A_730 : vector<128x128xi1> to vector<128x128xi32>
    %reduce_sum3A_732 = vector.shape_cast %convert_element_type3A_731 : vector<128x128xi32> to vector<1x128x128xi32>
    %reduce_sum3A_733 = arith.constant dense<0> : vector<1xi32>
    %reduce_sum3A_734 = vector.multi_reduction <add>, %reduce_sum3A_732, %reduce_sum3A_733 [1, 2] : vector<1x128x128xi32> to vector<1xi32>
    %reduce_sum3A_735 = vector.shape_cast %reduce_sum3A_734 : vector<1xi32> to vector<1x1x1xi32>
    %reduce_sum3A_736 = vector.extract %reduce_sum3A_735[0, 0, 0] : i32 from vector<1x1x1xi32>
    %add3A_737 = arith.addi %reduce_sum3A_728, %reduce_sum3A_736 : i32
    %lt3A_738 = vector.broadcast %or3A_720 : i32 to vector<128x64xi32>
    %lt3A_739 = arith.cmpi ult, %select_n3A_40, %lt3A_738 : vector<128x64xi32>
    %convert_element_type3A_740 = arith.extui %lt3A_739 : vector<128x64xi1> to vector<128x64xi32>
    %reduce_sum3A_741 = vector.shape_cast %convert_element_type3A_740 : vector<128x64xi32> to vector<1x128x64xi32>
    %reduce_sum3A_742 = arith.constant dense<0> : vector<1xi32>
    %reduce_sum3A_743 = vector.multi_reduction <add>, %reduce_sum3A_741, %reduce_sum3A_742 [1, 2] : vector<1x128x64xi32> to vector<1xi32>
    %reduce_sum3A_744 = vector.shape_cast %reduce_sum3A_743 : vector<1xi32> to vector<1x1x1xi32>
    %reduce_sum3A_745 = vector.extract %reduce_sum3A_744[0, 0, 0] : i32 from vector<1x1x1xi32>
    %add3A_746 = arith.addi %add3A_737, %reduce_sum3A_745 : i32
    %ge3A_747 = arith.constant 20481 : i32
    %ge3A_748 = arith.cmpi sge, %add3A_746, %ge3A_747 : i32
    %select_n3A_749 = arith.select %ge3A_748, %select_n3A_718, %or3A_720 : i32
    %or3A_750 = arith.constant 256 : i32
    %or3A_751 = arith.ori %select_n3A_749, %or3A_750 : i32
    %lt3A_752 = vector.broadcast %or3A_751 : i32 to vector<128x128xi32>
    %lt3A_753 = arith.cmpi ult, %select_n3A, %lt3A_752 : vector<128x128xi32>
    %convert_element_type3A_754 = arith.extui %lt3A_753 : vector<128x128xi1> to vector<128x128xi32>
    %reduce_sum3A_755 = vector.shape_cast %convert_element_type3A_754 : vector<128x128xi32> to vector<1x128x128xi32>
    %reduce_sum3A_756 = arith.constant dense<0> : vector<1xi32>
    %reduce_sum3A_757 = vector.multi_reduction <add>, %reduce_sum3A_755, %reduce_sum3A_756 [1, 2] : vector<1x128x128xi32> to vector<1xi32>
    %reduce_sum3A_758 = vector.shape_cast %reduce_sum3A_757 : vector<1xi32> to vector<1x1x1xi32>
    %reduce_sum3A_759 = vector.extract %reduce_sum3A_758[0, 0, 0] : i32 from vector<1x1x1xi32>
    %lt3A_760 = vector.broadcast %or3A_751 : i32 to vector<128x128xi32>
    %lt3A_761 = arith.cmpi ult, %select_n3A_24, %lt3A_760 : vector<128x128xi32>
    %convert_element_type3A_762 = arith.extui %lt3A_761 : vector<128x128xi1> to vector<128x128xi32>
    %reduce_sum3A_763 = vector.shape_cast %convert_element_type3A_762 : vector<128x128xi32> to vector<1x128x128xi32>
    %reduce_sum3A_764 = arith.constant dense<0> : vector<1xi32>
    %reduce_sum3A_765 = vector.multi_reduction <add>, %reduce_sum3A_763, %reduce_sum3A_764 [1, 2] : vector<1x128x128xi32> to vector<1xi32>
    %reduce_sum3A_766 = vector.shape_cast %reduce_sum3A_765 : vector<1xi32> to vector<1x1x1xi32>
    %reduce_sum3A_767 = vector.extract %reduce_sum3A_766[0, 0, 0] : i32 from vector<1x1x1xi32>
    %add3A_768 = arith.addi %reduce_sum3A_759, %reduce_sum3A_767 : i32
    %lt3A_769 = vector.broadcast %or3A_751 : i32 to vector<128x64xi32>
    %lt3A_770 = arith.cmpi ult, %select_n3A_40, %lt3A_769 : vector<128x64xi32>
    %convert_element_type3A_771 = arith.extui %lt3A_770 : vector<128x64xi1> to vector<128x64xi32>
    %reduce_sum3A_772 = vector.shape_cast %convert_element_type3A_771 : vector<128x64xi32> to vector<1x128x64xi32>
    %reduce_sum3A_773 = arith.constant dense<0> : vector<1xi32>
    %reduce_sum3A_774 = vector.multi_reduction <add>, %reduce_sum3A_772, %reduce_sum3A_773 [1, 2] : vector<1x128x64xi32> to vector<1xi32>
    %reduce_sum3A_775 = vector.shape_cast %reduce_sum3A_774 : vector<1xi32> to vector<1x1x1xi32>
    %reduce_sum3A_776 = vector.extract %reduce_sum3A_775[0, 0, 0] : i32 from vector<1x1x1xi32>
    %add3A_777 = arith.addi %add3A_768, %reduce_sum3A_776 : i32
    %ge3A_778 = arith.constant 20481 : i32
    %ge3A_779 = arith.cmpi sge, %add3A_777, %ge3A_778 : i32
    %select_n3A_780 = arith.select %ge3A_779, %select_n3A_749, %or3A_751 : i32
    %or3A_781 = arith.constant 128 : i32
    %or3A_782 = arith.ori %select_n3A_780, %or3A_781 : i32
    %lt3A_783 = vector.broadcast %or3A_782 : i32 to vector<128x128xi32>
    %lt3A_784 = arith.cmpi ult, %select_n3A, %lt3A_783 : vector<128x128xi32>
    %convert_element_type3A_785 = arith.extui %lt3A_784 : vector<128x128xi1> to vector<128x128xi32>
    %reduce_sum3A_786 = vector.shape_cast %convert_element_type3A_785 : vector<128x128xi32> to vector<1x128x128xi32>
    %reduce_sum3A_787 = arith.constant dense<0> : vector<1xi32>
    %reduce_sum3A_788 = vector.multi_reduction <add>, %reduce_sum3A_786, %reduce_sum3A_787 [1, 2] : vector<1x128x128xi32> to vector<1xi32>
    %reduce_sum3A_789 = vector.shape_cast %reduce_sum3A_788 : vector<1xi32> to vector<1x1x1xi32>
    %reduce_sum3A_790 = vector.extract %reduce_sum3A_789[0, 0, 0] : i32 from vector<1x1x1xi32>
    %lt3A_791 = vector.broadcast %or3A_782 : i32 to vector<128x128xi32>
    %lt3A_792 = arith.cmpi ult, %select_n3A_24, %lt3A_791 : vector<128x128xi32>
    %convert_element_type3A_793 = arith.extui %lt3A_792 : vector<128x128xi1> to vector<128x128xi32>
    %reduce_sum3A_794 = vector.shape_cast %convert_element_type3A_793 : vector<128x128xi32> to vector<1x128x128xi32>
    %reduce_sum3A_795 = arith.constant dense<0> : vector<1xi32>
    %reduce_sum3A_796 = vector.multi_reduction <add>, %reduce_sum3A_794, %reduce_sum3A_795 [1, 2] : vector<1x128x128xi32> to vector<1xi32>
    %reduce_sum3A_797 = vector.shape_cast %reduce_sum3A_796 : vector<1xi32> to vector<1x1x1xi32>
    %reduce_sum3A_798 = vector.extract %reduce_sum3A_797[0, 0, 0] : i32 from vector<1x1x1xi32>
    %add3A_799 = arith.addi %reduce_sum3A_790, %reduce_sum3A_798 : i32
    %lt3A_800 = vector.broadcast %or3A_782 : i32 to vector<128x64xi32>
    %lt3A_801 = arith.cmpi ult, %select_n3A_40, %lt3A_800 : vector<128x64xi32>
    %convert_element_type3A_802 = arith.extui %lt3A_801 : vector<128x64xi1> to vector<128x64xi32>
    %reduce_sum3A_803 = vector.shape_cast %convert_element_type3A_802 : vector<128x64xi32> to vector<1x128x64xi32>
    %reduce_sum3A_804 = arith.constant dense<0> : vector<1xi32>
    %reduce_sum3A_805 = vector.multi_reduction <add>, %reduce_sum3A_803, %reduce_sum3A_804 [1, 2] : vector<1x128x64xi32> to vector<1xi32>
    %reduce_sum3A_806 = vector.shape_cast %reduce_sum3A_805 : vector<1xi32> to vector<1x1x1xi32>
    %reduce_sum3A_807 = vector.extract %reduce_sum3A_806[0, 0, 0] : i32 from vector<1x1x1xi32>
    %add3A_808 = arith.addi %add3A_799, %reduce_sum3A_807 : i32
    %ge3A_809 = arith.constant 20481 : i32
    %ge3A_810 = arith.cmpi sge, %add3A_808, %ge3A_809 : i32
    %select_n3A_811 = arith.select %ge3A_810, %select_n3A_780, %or3A_782 : i32
    %or3A_812 = arith.constant 64 : i32
    %or3A_813 = arith.ori %select_n3A_811, %or3A_812 : i32
    %lt3A_814 = vector.broadcast %or3A_813 : i32 to vector<128x128xi32>
    %lt3A_815 = arith.cmpi ult, %select_n3A, %lt3A_814 : vector<128x128xi32>
    %convert_element_type3A_816 = arith.extui %lt3A_815 : vector<128x128xi1> to vector<128x128xi32>
    %reduce_sum3A_817 = vector.shape_cast %convert_element_type3A_816 : vector<128x128xi32> to vector<1x128x128xi32>
    %reduce_sum3A_818 = arith.constant dense<0> : vector<1xi32>
    %reduce_sum3A_819 = vector.multi_reduction <add>, %reduce_sum3A_817, %reduce_sum3A_818 [1, 2] : vector<1x128x128xi32> to vector<1xi32>
    %reduce_sum3A_820 = vector.shape_cast %reduce_sum3A_819 : vector<1xi32> to vector<1x1x1xi32>
    %reduce_sum3A_821 = vector.extract %reduce_sum3A_820[0, 0, 0] : i32 from vector<1x1x1xi32>
    %lt3A_822 = vector.broadcast %or3A_813 : i32 to vector<128x128xi32>
    %lt3A_823 = arith.cmpi ult, %select_n3A_24, %lt3A_822 : vector<128x128xi32>
    %convert_element_type3A_824 = arith.extui %lt3A_823 : vector<128x128xi1> to vector<128x128xi32>
    %reduce_sum3A_825 = vector.shape_cast %convert_element_type3A_824 : vector<128x128xi32> to vector<1x128x128xi32>
    %reduce_sum3A_826 = arith.constant dense<0> : vector<1xi32>
    %reduce_sum3A_827 = vector.multi_reduction <add>, %reduce_sum3A_825, %reduce_sum3A_826 [1, 2] : vector<1x128x128xi32> to vector<1xi32>
    %reduce_sum3A_828 = vector.shape_cast %reduce_sum3A_827 : vector<1xi32> to vector<1x1x1xi32>
    %reduce_sum3A_829 = vector.extract %reduce_sum3A_828[0, 0, 0] : i32 from vector<1x1x1xi32>
    %add3A_830 = arith.addi %reduce_sum3A_821, %reduce_sum3A_829 : i32
    %lt3A_831 = vector.broadcast %or3A_813 : i32 to vector<128x64xi32>
    %lt3A_832 = arith.cmpi ult, %select_n3A_40, %lt3A_831 : vector<128x64xi32>
    %convert_element_type3A_833 = arith.extui %lt3A_832 : vector<128x64xi1> to vector<128x64xi32>
    %reduce_sum3A_834 = vector.shape_cast %convert_element_type3A_833 : vector<128x64xi32> to vector<1x128x64xi32>
    %reduce_sum3A_835 = arith.constant dense<0> : vector<1xi32>
    %reduce_sum3A_836 = vector.multi_reduction <add>, %reduce_sum3A_834, %reduce_sum3A_835 [1, 2] : vector<1x128x64xi32> to vector<1xi32>
    %reduce_sum3A_837 = vector.shape_cast %reduce_sum3A_836 : vector<1xi32> to vector<1x1x1xi32>
    %reduce_sum3A_838 = vector.extract %reduce_sum3A_837[0, 0, 0] : i32 from vector<1x1x1xi32>
    %add3A_839 = arith.addi %add3A_830, %reduce_sum3A_838 : i32
    %ge3A_840 = arith.constant 20481 : i32
    %ge3A_841 = arith.cmpi sge, %add3A_839, %ge3A_840 : i32
    %select_n3A_842 = arith.select %ge3A_841, %select_n3A_811, %or3A_813 : i32
    %or3A_843 = arith.constant 32 : i32
    %or3A_844 = arith.ori %select_n3A_842, %or3A_843 : i32
    %lt3A_845 = vector.broadcast %or3A_844 : i32 to vector<128x128xi32>
    %lt3A_846 = arith.cmpi ult, %select_n3A, %lt3A_845 : vector<128x128xi32>
    %convert_element_type3A_847 = arith.extui %lt3A_846 : vector<128x128xi1> to vector<128x128xi32>
    %reduce_sum3A_848 = vector.shape_cast %convert_element_type3A_847 : vector<128x128xi32> to vector<1x128x128xi32>
    %reduce_sum3A_849 = arith.constant dense<0> : vector<1xi32>
    %reduce_sum3A_850 = vector.multi_reduction <add>, %reduce_sum3A_848, %reduce_sum3A_849 [1, 2] : vector<1x128x128xi32> to vector<1xi32>
    %reduce_sum3A_851 = vector.shape_cast %reduce_sum3A_850 : vector<1xi32> to vector<1x1x1xi32>
    %reduce_sum3A_852 = vector.extract %reduce_sum3A_851[0, 0, 0] : i32 from vector<1x1x1xi32>
    %lt3A_853 = vector.broadcast %or3A_844 : i32 to vector<128x128xi32>
    %lt3A_854 = arith.cmpi ult, %select_n3A_24, %lt3A_853 : vector<128x128xi32>
    %convert_element_type3A_855 = arith.extui %lt3A_854 : vector<128x128xi1> to vector<128x128xi32>
    %reduce_sum3A_856 = vector.shape_cast %convert_element_type3A_855 : vector<128x128xi32> to vector<1x128x128xi32>
    %reduce_sum3A_857 = arith.constant dense<0> : vector<1xi32>
    %reduce_sum3A_858 = vector.multi_reduction <add>, %reduce_sum3A_856, %reduce_sum3A_857 [1, 2] : vector<1x128x128xi32> to vector<1xi32>
    %reduce_sum3A_859 = vector.shape_cast %reduce_sum3A_858 : vector<1xi32> to vector<1x1x1xi32>
    %reduce_sum3A_860 = vector.extract %reduce_sum3A_859[0, 0, 0] : i32 from vector<1x1x1xi32>
    %add3A_861 = arith.addi %reduce_sum3A_852, %reduce_sum3A_860 : i32
    %lt3A_862 = vector.broadcast %or3A_844 : i32 to vector<128x64xi32>
    %lt3A_863 = arith.cmpi ult, %select_n3A_40, %lt3A_862 : vector<128x64xi32>
    %convert_element_type3A_864 = arith.extui %lt3A_863 : vector<128x64xi1> to vector<128x64xi32>
    %reduce_sum3A_865 = vector.shape_cast %convert_element_type3A_864 : vector<128x64xi32> to vector<1x128x64xi32>
    %reduce_sum3A_866 = arith.constant dense<0> : vector<1xi32>
    %reduce_sum3A_867 = vector.multi_reduction <add>, %reduce_sum3A_865, %reduce_sum3A_866 [1, 2] : vector<1x128x64xi32> to vector<1xi32>
    %reduce_sum3A_868 = vector.shape_cast %reduce_sum3A_867 : vector<1xi32> to vector<1x1x1xi32>
    %reduce_sum3A_869 = vector.extract %reduce_sum3A_868[0, 0, 0] : i32 from vector<1x1x1xi32>
    %add3A_870 = arith.addi %add3A_861, %reduce_sum3A_869 : i32
    %ge3A_871 = arith.constant 20481 : i32
    %ge3A_872 = arith.cmpi sge, %add3A_870, %ge3A_871 : i32
    %select_n3A_873 = arith.select %ge3A_872, %select_n3A_842, %or3A_844 : i32
    %or3A_874 = arith.constant 16 : i32
    %or3A_875 = arith.ori %select_n3A_873, %or3A_874 : i32
    %lt3A_876 = vector.broadcast %or3A_875 : i32 to vector<128x128xi32>
    %lt3A_877 = arith.cmpi ult, %select_n3A, %lt3A_876 : vector<128x128xi32>
    %convert_element_type3A_878 = arith.extui %lt3A_877 : vector<128x128xi1> to vector<128x128xi32>
    %reduce_sum3A_879 = vector.shape_cast %convert_element_type3A_878 : vector<128x128xi32> to vector<1x128x128xi32>
    %reduce_sum3A_880 = arith.constant dense<0> : vector<1xi32>
    %reduce_sum3A_881 = vector.multi_reduction <add>, %reduce_sum3A_879, %reduce_sum3A_880 [1, 2] : vector<1x128x128xi32> to vector<1xi32>
    %reduce_sum3A_882 = vector.shape_cast %reduce_sum3A_881 : vector<1xi32> to vector<1x1x1xi32>
    %reduce_sum3A_883 = vector.extract %reduce_sum3A_882[0, 0, 0] : i32 from vector<1x1x1xi32>
    %lt3A_884 = vector.broadcast %or3A_875 : i32 to vector<128x128xi32>
    %lt3A_885 = arith.cmpi ult, %select_n3A_24, %lt3A_884 : vector<128x128xi32>
    %convert_element_type3A_886 = arith.extui %lt3A_885 : vector<128x128xi1> to vector<128x128xi32>
    %reduce_sum3A_887 = vector.shape_cast %convert_element_type3A_886 : vector<128x128xi32> to vector<1x128x128xi32>
    %reduce_sum3A_888 = arith.constant dense<0> : vector<1xi32>
    %reduce_sum3A_889 = vector.multi_reduction <add>, %reduce_sum3A_887, %reduce_sum3A_888 [1, 2] : vector<1x128x128xi32> to vector<1xi32>
    %reduce_sum3A_890 = vector.shape_cast %reduce_sum3A_889 : vector<1xi32> to vector<1x1x1xi32>
    %reduce_sum3A_891 = vector.extract %reduce_sum3A_890[0, 0, 0] : i32 from vector<1x1x1xi32>
    %add3A_892 = arith.addi %reduce_sum3A_883, %reduce_sum3A_891 : i32
    %lt3A_893 = vector.broadcast %or3A_875 : i32 to vector<128x64xi32>
    %lt3A_894 = arith.cmpi ult, %select_n3A_40, %lt3A_893 : vector<128x64xi32>
    %convert_element_type3A_895 = arith.extui %lt3A_894 : vector<128x64xi1> to vector<128x64xi32>
    %reduce_sum3A_896 = vector.shape_cast %convert_element_type3A_895 : vector<128x64xi32> to vector<1x128x64xi32>
    %reduce_sum3A_897 = arith.constant dense<0> : vector<1xi32>
    %reduce_sum3A_898 = vector.multi_reduction <add>, %reduce_sum3A_896, %reduce_sum3A_897 [1, 2] : vector<1x128x64xi32> to vector<1xi32>
    %reduce_sum3A_899 = vector.shape_cast %reduce_sum3A_898 : vector<1xi32> to vector<1x1x1xi32>
    %reduce_sum3A_900 = vector.extract %reduce_sum3A_899[0, 0, 0] : i32 from vector<1x1x1xi32>
    %add3A_901 = arith.addi %add3A_892, %reduce_sum3A_900 : i32
    %ge3A_902 = arith.constant 20481 : i32
    %ge3A_903 = arith.cmpi sge, %add3A_901, %ge3A_902 : i32
    %select_n3A_904 = arith.select %ge3A_903, %select_n3A_873, %or3A_875 : i32
    %or3A_905 = arith.constant 8 : i32
    %or3A_906 = arith.ori %select_n3A_904, %or3A_905 : i32
    %lt3A_907 = vector.broadcast %or3A_906 : i32 to vector<128x128xi32>
    %lt3A_908 = arith.cmpi ult, %select_n3A, %lt3A_907 : vector<128x128xi32>
    %convert_element_type3A_909 = arith.extui %lt3A_908 : vector<128x128xi1> to vector<128x128xi32>
    %reduce_sum3A_910 = vector.shape_cast %convert_element_type3A_909 : vector<128x128xi32> to vector<1x128x128xi32>
    %reduce_sum3A_911 = arith.constant dense<0> : vector<1xi32>
    %reduce_sum3A_912 = vector.multi_reduction <add>, %reduce_sum3A_910, %reduce_sum3A_911 [1, 2] : vector<1x128x128xi32> to vector<1xi32>
    %reduce_sum3A_913 = vector.shape_cast %reduce_sum3A_912 : vector<1xi32> to vector<1x1x1xi32>
    %reduce_sum3A_914 = vector.extract %reduce_sum3A_913[0, 0, 0] : i32 from vector<1x1x1xi32>
    %lt3A_915 = vector.broadcast %or3A_906 : i32 to vector<128x128xi32>
    %lt3A_916 = arith.cmpi ult, %select_n3A_24, %lt3A_915 : vector<128x128xi32>
    %convert_element_type3A_917 = arith.extui %lt3A_916 : vector<128x128xi1> to vector<128x128xi32>
    %reduce_sum3A_918 = vector.shape_cast %convert_element_type3A_917 : vector<128x128xi32> to vector<1x128x128xi32>
    %reduce_sum3A_919 = arith.constant dense<0> : vector<1xi32>
    %reduce_sum3A_920 = vector.multi_reduction <add>, %reduce_sum3A_918, %reduce_sum3A_919 [1, 2] : vector<1x128x128xi32> to vector<1xi32>
    %reduce_sum3A_921 = vector.shape_cast %reduce_sum3A_920 : vector<1xi32> to vector<1x1x1xi32>
    %reduce_sum3A_922 = vector.extract %reduce_sum3A_921[0, 0, 0] : i32 from vector<1x1x1xi32>
    %add3A_923 = arith.addi %reduce_sum3A_914, %reduce_sum3A_922 : i32
    %lt3A_924 = vector.broadcast %or3A_906 : i32 to vector<128x64xi32>
    %lt3A_925 = arith.cmpi ult, %select_n3A_40, %lt3A_924 : vector<128x64xi32>
    %convert_element_type3A_926 = arith.extui %lt3A_925 : vector<128x64xi1> to vector<128x64xi32>
    %reduce_sum3A_927 = vector.shape_cast %convert_element_type3A_926 : vector<128x64xi32> to vector<1x128x64xi32>
    %reduce_sum3A_928 = arith.constant dense<0> : vector<1xi32>
    %reduce_sum3A_929 = vector.multi_reduction <add>, %reduce_sum3A_927, %reduce_sum3A_928 [1, 2] : vector<1x128x64xi32> to vector<1xi32>
    %reduce_sum3A_930 = vector.shape_cast %reduce_sum3A_929 : vector<1xi32> to vector<1x1x1xi32>
    %reduce_sum3A_931 = vector.extract %reduce_sum3A_930[0, 0, 0] : i32 from vector<1x1x1xi32>
    %add3A_932 = arith.addi %add3A_923, %reduce_sum3A_931 : i32
    %ge3A_933 = arith.constant 20481 : i32
    %ge3A_934 = arith.cmpi sge, %add3A_932, %ge3A_933 : i32
    %select_n3A_935 = arith.select %ge3A_934, %select_n3A_904, %or3A_906 : i32
    %or3A_936 = arith.constant 4 : i32
    %or3A_937 = arith.ori %select_n3A_935, %or3A_936 : i32
    %lt3A_938 = vector.broadcast %or3A_937 : i32 to vector<128x128xi32>
    %lt3A_939 = arith.cmpi ult, %select_n3A, %lt3A_938 : vector<128x128xi32>
    %convert_element_type3A_940 = arith.extui %lt3A_939 : vector<128x128xi1> to vector<128x128xi32>
    %reduce_sum3A_941 = vector.shape_cast %convert_element_type3A_940 : vector<128x128xi32> to vector<1x128x128xi32>
    %reduce_sum3A_942 = arith.constant dense<0> : vector<1xi32>
    %reduce_sum3A_943 = vector.multi_reduction <add>, %reduce_sum3A_941, %reduce_sum3A_942 [1, 2] : vector<1x128x128xi32> to vector<1xi32>
    %reduce_sum3A_944 = vector.shape_cast %reduce_sum3A_943 : vector<1xi32> to vector<1x1x1xi32>
    %reduce_sum3A_945 = vector.extract %reduce_sum3A_944[0, 0, 0] : i32 from vector<1x1x1xi32>
    %lt3A_946 = vector.broadcast %or3A_937 : i32 to vector<128x128xi32>
    %lt3A_947 = arith.cmpi ult, %select_n3A_24, %lt3A_946 : vector<128x128xi32>
    %convert_element_type3A_948 = arith.extui %lt3A_947 : vector<128x128xi1> to vector<128x128xi32>
    %reduce_sum3A_949 = vector.shape_cast %convert_element_type3A_948 : vector<128x128xi32> to vector<1x128x128xi32>
    %reduce_sum3A_950 = arith.constant dense<0> : vector<1xi32>
    %reduce_sum3A_951 = vector.multi_reduction <add>, %reduce_sum3A_949, %reduce_sum3A_950 [1, 2] : vector<1x128x128xi32> to vector<1xi32>
    %reduce_sum3A_952 = vector.shape_cast %reduce_sum3A_951 : vector<1xi32> to vector<1x1x1xi32>
    %reduce_sum3A_953 = vector.extract %reduce_sum3A_952[0, 0, 0] : i32 from vector<1x1x1xi32>
    %add3A_954 = arith.addi %reduce_sum3A_945, %reduce_sum3A_953 : i32
    %lt3A_955 = vector.broadcast %or3A_937 : i32 to vector<128x64xi32>
    %lt3A_956 = arith.cmpi ult, %select_n3A_40, %lt3A_955 : vector<128x64xi32>
    %convert_element_type3A_957 = arith.extui %lt3A_956 : vector<128x64xi1> to vector<128x64xi32>
    %reduce_sum3A_958 = vector.shape_cast %convert_element_type3A_957 : vector<128x64xi32> to vector<1x128x64xi32>
    %reduce_sum3A_959 = arith.constant dense<0> : vector<1xi32>
    %reduce_sum3A_960 = vector.multi_reduction <add>, %reduce_sum3A_958, %reduce_sum3A_959 [1, 2] : vector<1x128x64xi32> to vector<1xi32>
    %reduce_sum3A_961 = vector.shape_cast %reduce_sum3A_960 : vector<1xi32> to vector<1x1x1xi32>
    %reduce_sum3A_962 = vector.extract %reduce_sum3A_961[0, 0, 0] : i32 from vector<1x1x1xi32>
    %add3A_963 = arith.addi %add3A_954, %reduce_sum3A_962 : i32
    %ge3A_964 = arith.constant 20481 : i32
    %ge3A_965 = arith.cmpi sge, %add3A_963, %ge3A_964 : i32
    %select_n3A_966 = arith.select %ge3A_965, %select_n3A_935, %or3A_937 : i32
    %or3A_967 = arith.constant 2 : i32
    %or3A_968 = arith.ori %select_n3A_966, %or3A_967 : i32
    %lt3A_969 = vector.broadcast %or3A_968 : i32 to vector<128x128xi32>
    %lt3A_970 = arith.cmpi ult, %select_n3A, %lt3A_969 : vector<128x128xi32>
    %convert_element_type3A_971 = arith.extui %lt3A_970 : vector<128x128xi1> to vector<128x128xi32>
    %reduce_sum3A_972 = vector.shape_cast %convert_element_type3A_971 : vector<128x128xi32> to vector<1x128x128xi32>
    %reduce_sum3A_973 = arith.constant dense<0> : vector<1xi32>
    %reduce_sum3A_974 = vector.multi_reduction <add>, %reduce_sum3A_972, %reduce_sum3A_973 [1, 2] : vector<1x128x128xi32> to vector<1xi32>
    %reduce_sum3A_975 = vector.shape_cast %reduce_sum3A_974 : vector<1xi32> to vector<1x1x1xi32>
    %reduce_sum3A_976 = vector.extract %reduce_sum3A_975[0, 0, 0] : i32 from vector<1x1x1xi32>
    %lt3A_977 = vector.broadcast %or3A_968 : i32 to vector<128x128xi32>
    %lt3A_978 = arith.cmpi ult, %select_n3A_24, %lt3A_977 : vector<128x128xi32>
    %convert_element_type3A_979 = arith.extui %lt3A_978 : vector<128x128xi1> to vector<128x128xi32>
    %reduce_sum3A_980 = vector.shape_cast %convert_element_type3A_979 : vector<128x128xi32> to vector<1x128x128xi32>
    %reduce_sum3A_981 = arith.constant dense<0> : vector<1xi32>
    %reduce_sum3A_982 = vector.multi_reduction <add>, %reduce_sum3A_980, %reduce_sum3A_981 [1, 2] : vector<1x128x128xi32> to vector<1xi32>
    %reduce_sum3A_983 = vector.shape_cast %reduce_sum3A_982 : vector<1xi32> to vector<1x1x1xi32>
    %reduce_sum3A_984 = vector.extract %reduce_sum3A_983[0, 0, 0] : i32 from vector<1x1x1xi32>
    %add3A_985 = arith.addi %reduce_sum3A_976, %reduce_sum3A_984 : i32
    %lt3A_986 = vector.broadcast %or3A_968 : i32 to vector<128x64xi32>
    %lt3A_987 = arith.cmpi ult, %select_n3A_40, %lt3A_986 : vector<128x64xi32>
    %convert_element_type3A_988 = arith.extui %lt3A_987 : vector<128x64xi1> to vector<128x64xi32>
    %reduce_sum3A_989 = vector.shape_cast %convert_element_type3A_988 : vector<128x64xi32> to vector<1x128x64xi32>
    %reduce_sum3A_990 = arith.constant dense<0> : vector<1xi32>
    %reduce_sum3A_991 = vector.multi_reduction <add>, %reduce_sum3A_989, %reduce_sum3A_990 [1, 2] : vector<1x128x64xi32> to vector<1xi32>
    %reduce_sum3A_992 = vector.shape_cast %reduce_sum3A_991 : vector<1xi32> to vector<1x1x1xi32>
    %reduce_sum3A_993 = vector.extract %reduce_sum3A_992[0, 0, 0] : i32 from vector<1x1x1xi32>
    %add3A_994 = arith.addi %add3A_985, %reduce_sum3A_993 : i32
    %ge3A_995 = arith.constant 20481 : i32
    %ge3A_996 = arith.cmpi sge, %add3A_994, %ge3A_995 : i32
    %select_n3A_997 = arith.select %ge3A_996, %select_n3A_966, %or3A_968 : i32
    %or3A_998 = arith.constant 1 : i32
    %or3A_999 = arith.ori %select_n3A_997, %or3A_998 : i32
    %lt3A_1000 = vector.broadcast %or3A_999 : i32 to vector<128x128xi32>
    %lt3A_1001 = arith.cmpi ult, %select_n3A, %lt3A_1000 : vector<128x128xi32>
    %convert_element_type3A_1002 = arith.extui %lt3A_1001 : vector<128x128xi1> to vector<128x128xi32>
    %reduce_sum3A_1003 = vector.shape_cast %convert_element_type3A_1002 : vector<128x128xi32> to vector<1x128x128xi32>
    %reduce_sum3A_1004 = arith.constant dense<0> : vector<1xi32>
    %reduce_sum3A_1005 = vector.multi_reduction <add>, %reduce_sum3A_1003, %reduce_sum3A_1004 [1, 2] : vector<1x128x128xi32> to vector<1xi32>
    %reduce_sum3A_1006 = vector.shape_cast %reduce_sum3A_1005 : vector<1xi32> to vector<1x1x1xi32>
    %reduce_sum3A_1007 = vector.extract %reduce_sum3A_1006[0, 0, 0] : i32 from vector<1x1x1xi32>
    %lt3A_1008 = vector.broadcast %or3A_999 : i32 to vector<128x128xi32>
    %lt3A_1009 = arith.cmpi ult, %select_n3A_24, %lt3A_1008 : vector<128x128xi32>
    %convert_element_type3A_1010 = arith.extui %lt3A_1009 : vector<128x128xi1> to vector<128x128xi32>
    %reduce_sum3A_1011 = vector.shape_cast %convert_element_type3A_1010 : vector<128x128xi32> to vector<1x128x128xi32>
    %reduce_sum3A_1012 = arith.constant dense<0> : vector<1xi32>
    %reduce_sum3A_1013 = vector.multi_reduction <add>, %reduce_sum3A_1011, %reduce_sum3A_1012 [1, 2] : vector<1x128x128xi32> to vector<1xi32>
    %reduce_sum3A_1014 = vector.shape_cast %reduce_sum3A_1013 : vector<1xi32> to vector<1x1x1xi32>
    %reduce_sum3A_1015 = vector.extract %reduce_sum3A_1014[0, 0, 0] : i32 from vector<1x1x1xi32>
    %add3A_1016 = arith.addi %reduce_sum3A_1007, %reduce_sum3A_1015 : i32
    %lt3A_1017 = vector.broadcast %or3A_999 : i32 to vector<128x64xi32>
    %lt3A_1018 = arith.cmpi ult, %select_n3A_40, %lt3A_1017 : vector<128x64xi32>
    %convert_element_type3A_1019 = arith.extui %lt3A_1018 : vector<128x64xi1> to vector<128x64xi32>
    %reduce_sum3A_1020 = vector.shape_cast %convert_element_type3A_1019 : vector<128x64xi32> to vector<1x128x64xi32>
    %reduce_sum3A_1021 = arith.constant dense<0> : vector<1xi32>
    %reduce_sum3A_1022 = vector.multi_reduction <add>, %reduce_sum3A_1020, %reduce_sum3A_1021 [1, 2] : vector<1x128x64xi32> to vector<1xi32>
    %reduce_sum3A_1023 = vector.shape_cast %reduce_sum3A_1022 : vector<1xi32> to vector<1x1x1xi32>
    %reduce_sum3A_1024 = vector.extract %reduce_sum3A_1023[0, 0, 0] : i32 from vector<1x1x1xi32>
    %add3A_1025 = arith.addi %add3A_1016, %reduce_sum3A_1024 : i32
    %ge3A_1026 = arith.constant 20481 : i32
    %ge3A_1027 = arith.cmpi sge, %add3A_1025, %ge3A_1026 : i32
    %select_n3A_1028 = arith.select %ge3A_1027, %select_n3A_997, %or3A_999 : i32
    %shift_right_logical3A_1029 = arith.constant 31 : i32
    %shift_right_logical3A_1030 = arith.shrui %select_n3A_1028, %shift_right_logical3A_1029 : i32
    %eq3A_1031 = arith.constant 1 : i32
    %eq3A_1032 = arith.cmpi eq, %shift_right_logical3A_1030, %eq3A_1031 : i32
    %xor3A = arith.constant -2147483648 : i32
    %xor3A_1033 = arith.xori %select_n3A_1028, %xor3A : i32
    %not3A_1034 = arith.constant -1 : i32
    %not3A_1035 = arith.xori %select_n3A_1028, %not3A_1034 : i32
    %select_n3A_1036 = arith.select %eq3A_1032, %xor3A_1033, %not3A_1035 : i32
    %bitcast_convert_type3A_1037 = arith.bitcast %select_n3A_1036 : i32 to f32
    %get3A_1038 = arith.constant 0 : index
    %get3A_1039 = arith.constant 0 : index
    %get3A_1040 = vector.load %arg3[%get3A_1038, %get3A_1039] : memref<128x128xf32, #tpu.memory_space<vmem>>, vector<128x128xf32>
    %get3A_1041 = arith.constant 0 : index
    %get3A_1042 = arith.constant 0 : index
    %get3A_1043 = vector.load %arg0[%get3A_1041, %get3A_1042] : memref<128x128xf32, #tpu.memory_space<vmem>>, vector<128x128xf32>
    %ge3A_1044 = vector.broadcast %bitcast_convert_type3A_1037 : f32 to vector<128x128xf32>
    %ge3A_1045 = arith.cmpf oge, %get3A_1043, %ge3A_1044 : vector<128x128xf32>
    %convert_element_type3A_1046 = arith.extui %ge3A_1045 : vector<128x128xi1> to vector<128x128xi32>
    %convert_element_type3A_1047 = arith.sitofp %convert_element_type3A_1046 : vector<128x128xi32> to vector<128x128xf32>
    %mul3A = arith.mulf %get3A_1040, %convert_element_type3A_1047 : vector<128x128xf32>
    %swap3A = arith.constant 0 : index
    %swap3A_1048 = arith.constant 0 : index
    %swap3A_1049 = vector.load %arg6[%swap3A, %swap3A_1048] : memref<128x128xf32, #tpu.memory_space<vmem>>, vector<128x128xf32>
    tpu.vector_store %arg6[%swap3A, %swap3A_1048], %mul3A {strides = array<i32>} : memref<128x128xf32, #tpu.memory_space<vmem>>, vector<128x128xf32>,
    %get3A_1050 = arith.constant 0 : index
    %get3A_1051 = arith.constant 0 : index
    %get3A_1052 = vector.load %arg4[%get3A_1050, %get3A_1051] : memref<128x128xf32, #tpu.memory_space<vmem>>, vector<128x128xf32>
    %get3A_1053 = arith.constant 0 : index
    %get3A_1054 = arith.constant 0 : index
    %get3A_1055 = vector.load %arg1[%get3A_1053, %get3A_1054] : memref<128x128xf32, #tpu.memory_space<vmem>>, vector<128x128xf32>
    %ge3A_1056 = vector.broadcast %bitcast_convert_type3A_1037 : f32 to vector<128x128xf32>
    %ge3A_1057 = arith.cmpf oge, %get3A_1055, %ge3A_1056 : vector<128x128xf32>
    %convert_element_type3A_1058 = arith.extui %ge3A_1057 : vector<128x128xi1> to vector<128x128xi32>
    %convert_element_type3A_1059 = arith.sitofp %convert_element_type3A_1058 : vector<128x128xi32> to vector<128x128xf32>
    %mul3A_1060 = arith.mulf %get3A_1052, %convert_element_type3A_1059 : vector<128x128xf32>
    %swap3A_1061 = arith.constant 0 : index
    %swap3A_1062 = arith.constant 0 : index
    %swap3A_1063 = vector.load %arg7[%swap3A_1061, %swap3A_1062] : memref<128x128xf32, #tpu.memory_space<vmem>>, vector<128x128xf32>
    tpu.vector_store %arg7[%swap3A_1061, %swap3A_1062], %mul3A_1060 {strides = array<i32>} : memref<128x128xf32, #tpu.memory_space<vmem>>, vector<128x128xf32>,
    %get3A_1064 = arith.constant 0 : index
    %get3A_1065 = arith.constant 0 : index
    %get3A_1066 = vector.load %arg5[%get3A_1064, %get3A_1065] : memref<128x64xf32, #tpu.memory_space<vmem>>, vector<128x64xf32>
    %get3A_1067 = arith.constant 0 : index
    %get3A_1068 = arith.constant 0 : index
    %get3A_1069 = vector.load %arg2[%get3A_1067, %get3A_1068] : memref<128x64xf32, #tpu.memory_space<vmem>>, vector<128x64xf32>
    %ge3A_1070 = vector.broadcast %bitcast_convert_type3A_1037 : f32 to vector<128x64xf32>
    %ge3A_1071 = arith.cmpf oge, %get3A_1069, %ge3A_1070 : vector<128x64xf32>
    %convert_element_type3A_1072 = arith.extui %ge3A_1071 : vector<128x64xi1> to vector<128x64xi32>
    %convert_element_type3A_1073 = arith.sitofp %convert_element_type3A_1072 : vector<128x64xi32> to vector<128x64xf32>
    %mul3A_1074 = arith.mulf %get3A_1066, %convert_element_type3A_1073 : vector<128x64xf32>
    %jit3A_1075 = arith.constant 0 : i32
    %convert_element_type3A_1076 = arith.sitofp %jit3A_1075 : i32 to f32
    %pad3A = vector.broadcast %convert_element_type3A_1076 : f32 to vector<128x64xf32>
    %pad3A_1077 = tpu.concatenate %mul3A_1074, %pad3A in 1 : vector<128x64xf32>, vector<128x64xf32> -> vector<128x128xf32>
    %swap3A_1078 = arith.constant 0 : index
    %swap3A_1079 = arith.constant 0 : index
    %swap3A_1080 = vector.load %arg8[%swap3A_1078, %swap3A_1079] : memref<128x128xf32, #tpu.memory_space<vmem>>, vector<128x128xf32>
    tpu.vector_store %arg8[%swap3A_1078, %swap3A_1079], %pad3A_1077 {strides = array<i32>} : memref<128x128xf32, #tpu.memory_space<vmem>>, vector<128x128xf32>,
    return
  }
}

module attributes {stable_mosaic.version = 14 : i64} {
  func.func @_layer0_body(%arg0: i32, %arg1: memref<1024x128xf32, #tpu.memory_space<vmem>>, %arg2: memref<128x128xf32, #tpu.memory_space<vmem>>, %arg3: memref<1x1024x128xf32, #tpu.memory_space<vmem>>, %arg4: memref<1x1024x128xf32, #tpu.memory_space<vmem>>, %arg5: memref<1024x128xf32, #tpu.memory_space<vmem>>) attributes {dimension_semantics = [#tpu.dimension_semantics<arbitrary>], iteration_bounds = array<i64: 10>, scalar_prefetch = 0 : i64, scratch_operands = 0 : i64, tpu.core_type = #tpu.core_type<tc>, window_params = [{transform_indices = @transform_0, window_bounds = array<i64: 1024, 128>}, {pipeline_mode = #tpu.pipeline_mode<synchronous>, transform_indices = @transform_1, window_bounds = array<i64: 128, 128>}, {transform_indices = @transform_2, window_bounds = array<i64: 1, 1024, 128>}, {transform_indices = @transform_3, window_bounds = array<i64: 1, 1024, 128>}, {transform_indices = @transform_4, window_bounds = array<i64: 1024, 128>}]} {
    %get3A = arith.constant 0 : index
    %get3A_0 = arith.constant 0 : index
    %get3A_1 = arith.constant 0 : index
    %get3A_2 = vector.load %arg3[%get3A, %get3A_0, %get3A_1] : memref<1x1024x128xf32, #tpu.memory_space<vmem>>, vector<1x1024x1xf32>
    %get3A_3 = vector.shape_cast %get3A_2 : vector<1x1024x1xf32> to vector<1024x1xf32>
    %get3A_4 = arith.constant 0 : index
    %get3A_5 = arith.constant 0 : index
    %get3A_6 = arith.constant 0 : index
    %get3A_7 = vector.load %arg4[%get3A_4, %get3A_5, %get3A_6] : memref<1x1024x128xf32, #tpu.memory_space<vmem>>, vector<1x1024x1xf32>
    %get3A_8 = vector.shape_cast %get3A_7 : vector<1x1024x1xf32> to vector<1024x1xf32>
    %add3A = arith.addf %get3A_3, %get3A_8 : vector<1024x1xf32>
    %add3A_9 = arith.constant 1.000000e+00 : f32
    %add3A_10 = vector.broadcast %add3A_9 : f32 to vector<1024x1xf32>
    %add3A_11 = arith.addf %add3A, %add3A_10 : vector<1024x1xf32>
    %rsqrt3A = math.rsqrt %add3A_11 : vector<1024x1xf32>
    %get3A_12 = arith.constant 0 : index
    %get3A_13 = arith.constant 0 : index
    %get3A_14 = vector.load %arg1[%get3A_12, %get3A_13] : memref<1024x128xf32, #tpu.memory_space<vmem>>, vector<1024x128xf32>
    %get3A_15 = arith.constant 0 : index
    %get3A_16 = arith.constant 0 : index
    %get3A_17 = vector.load %arg2[%get3A_15, %get3A_16] : memref<128x128xf32, #tpu.memory_space<vmem>>, vector<128x128xf32>
    %dot_general3A = arith.constant dense<0.000000e+00> : vector<1024x128xf32>
    %dot_general3A_18 = tpu.matmul %get3A_14, %get3A_17, %dot_general3A {dimension_numbers = #tpu.dot_dimension_numbers<[1], [0], [0], [1], [0, 0, 1, 1], [], []>, transpose_lhs_hint = false} : vector<1024x128xf32>, vector<128x128xf32>, vector<1024x128xf32> -> vector<1024x128xf32>
    %mul3A = vector.broadcast %rsqrt3A : vector<1024x1xf32> to vector<1024x128xf32>
    %mul3A_19 = arith.mulf %dot_general3A_18, %mul3A : vector<1024x128xf32>
    %swap3A = arith.constant 0 : index
    %swap3A_20 = arith.constant 0 : index
    %swap3A_21 = vector.load %arg5[%swap3A, %swap3A_20] : memref<1024x128xf32, #tpu.memory_space<vmem>>, vector<1024x128xf32>
    tpu.vector_store %arg5[%swap3A, %swap3A_20], %mul3A_19 {strides = array<i32>} : memref<1024x128xf32, #tpu.memory_space<vmem>>, vector<1024x128xf32>,
    return
  }
  func.func @transform_0(%arg0: i32) -> (i32, i32) {
    %c0_i32 = arith.constant 0 : i32
    %c0_i32_0 = arith.constant 0 : i32
    return %arg0, %c0_i32 : i32, i32
  }
  func.func @transform_1(%arg0: i32) -> (i32, i32) {
    %c0_i32 = arith.constant 0 : i32
    %c0_i32_0 = arith.constant 0 : i32
    %c0_i32_1 = arith.constant 0 : i32
    return %c0_i32, %c0_i32_0 : i32, i32
  }
  func.func @transform_2(%arg0: i32) -> (i32, i32, i32) {
    %c0_i32 = arith.constant 0 : i32
    %c0_i32_0 = arith.constant 0 : i32
    %c0_i32_1 = arith.constant 0 : i32
    return %c0_i32, %arg0, %c0_i32_0 : i32, i32, i32
  }
  func.func @transform_3(%arg0: i32) -> (i32, i32, i32) {
    %c1_i32 = arith.constant 1 : i32
    %c0_i32 = arith.constant 0 : i32
    %c0_i32_0 = arith.constant 0 : i32
    return %c1_i32, %arg0, %c0_i32 : i32, i32, i32
  }
  func.func @transform_4(%arg0: i32) -> (i32, i32) {
    %c0_i32 = arith.constant 0 : i32
    %c0_i32_0 = arith.constant 0 : i32
    return %arg0, %c0_i32 : i32, i32
  }
}

module attributes {stable_mosaic.version = 14 : i64} {
  func.func @_layer_body(%arg0: i32, %arg1: memref<1x1024x128xf32, #tpu.memory_space<vmem>>, %arg2: memref<1x1024x128xf32, #tpu.memory_space<vmem>>, %arg3: memref<1024x128xf32, #tpu.memory_space<vmem>>, %arg4: memref<128x128xf32, #tpu.memory_space<vmem>>, %arg5: memref<1x1024x128xf32, #tpu.memory_space<vmem>>, %arg6: memref<1x1024x128xf32, #tpu.memory_space<vmem>>, %arg7: memref<1024x128xf32, #tpu.memory_space<vmem>>) attributes {dimension_semantics = [#tpu.dimension_semantics<arbitrary>], iteration_bounds = array<i64: 10>, scalar_prefetch = 0 : i64, scratch_operands = 0 : i64, tpu.core_type = #tpu.core_type<tc>, window_params = [{transform_indices = @transform_0, window_bounds = array<i64: 1, 1024, 128>}, {transform_indices = @transform_1, window_bounds = array<i64: 1, 1024, 128>}, {transform_indices = @transform_2, window_bounds = array<i64: 1024, 128>}, {pipeline_mode = #tpu.pipeline_mode<synchronous>, transform_indices = @transform_3, window_bounds = array<i64: 128, 128>}, {transform_indices = @transform_4, window_bounds = array<i64: 1, 1024, 128>}, {transform_indices = @transform_5, window_bounds = array<i64: 1, 1024, 128>}, {transform_indices = @transform_6, window_bounds = array<i64: 1024, 128>}]} {
    %get3A = arith.constant 0 : index
    %get3A_0 = arith.constant 0 : index
    %get3A_1 = arith.constant 0 : index
    %get3A_2 = vector.load %arg5[%get3A, %get3A_0, %get3A_1] : memref<1x1024x128xf32, #tpu.memory_space<vmem>>, vector<1x1024x1xf32>
    %get3A_3 = vector.shape_cast %get3A_2 : vector<1x1024x1xf32> to vector<1024x1xf32>
    %get3A_4 = arith.constant 0 : index
    %get3A_5 = arith.constant 0 : index
    %get3A_6 = arith.constant 0 : index
    %get3A_7 = vector.load %arg6[%get3A_4, %get3A_5, %get3A_6] : memref<1x1024x128xf32, #tpu.memory_space<vmem>>, vector<1x1024x1xf32>
    %get3A_8 = vector.shape_cast %get3A_7 : vector<1x1024x1xf32> to vector<1024x1xf32>
    %add3A = arith.addf %get3A_3, %get3A_8 : vector<1024x1xf32>
    %add3A_9 = arith.constant 1.000000e+00 : f32
    %add3A_10 = vector.broadcast %add3A_9 : f32 to vector<1024x1xf32>
    %add3A_11 = arith.addf %add3A, %add3A_10 : vector<1024x1xf32>
    %rsqrt3A = math.rsqrt %add3A_11 : vector<1024x1xf32>
    %get3A_12 = arith.constant 0 : index
    %get3A_13 = arith.constant 0 : index
    %get3A_14 = arith.constant 0 : index
    %get3A_15 = vector.load %arg1[%get3A_12, %get3A_13, %get3A_14] : memref<1x1024x128xf32, #tpu.memory_space<vmem>>, vector<1x1024x128xf32>
    %get3A_16 = vector.shape_cast %get3A_15 : vector<1x1024x128xf32> to vector<1024x128xf32>
    %get3A_17 = arith.constant 0 : index
    %get3A_18 = arith.constant 0 : index
    %get3A_19 = arith.constant 0 : index
    %get3A_20 = vector.load %arg2[%get3A_17, %get3A_18, %get3A_19] : memref<1x1024x128xf32, #tpu.memory_space<vmem>>, vector<1x1024x128xf32>
    %get3A_21 = vector.shape_cast %get3A_20 : vector<1x1024x128xf32> to vector<1024x128xf32>
    %add3A_22 = arith.addf %get3A_16, %get3A_21 : vector<1024x128xf32>
    %get3A_23 = arith.constant 0 : index
    %get3A_24 = arith.constant 0 : index
    %get3A_25 = vector.load %arg3[%get3A_23, %get3A_24] : memref<1024x128xf32, #tpu.memory_space<vmem>>, vector<1024x128xf32>
    %sub3A = arith.subf %add3A_22, %get3A_25 : vector<1024x128xf32>
    %mul3A = vector.broadcast %rsqrt3A : vector<1024x1xf32> to vector<1024x128xf32>
    %mul3A_26 = arith.mulf %sub3A, %mul3A : vector<1024x128xf32>
    %max3A = arith.constant 0.000000e+00 : f32
    %max3A_27 = vector.broadcast %max3A : f32 to vector<1024x128xf32>
    %max3A_28 = arith.maximumf %mul3A_26, %max3A_27 : vector<1024x128xf32>
    %get3A_29 = arith.constant 0 : index
    %get3A_30 = arith.constant 0 : index
    %get3A_31 = vector.load %arg4[%get3A_29, %get3A_30] : memref<128x128xf32, #tpu.memory_space<vmem>>, vector<128x128xf32>
    %dot_general3A = arith.constant dense<0.000000e+00> : vector<1024x128xf32>
    %dot_general3A_32 = tpu.matmul %max3A_28, %get3A_31, %dot_general3A {dimension_numbers = #tpu.dot_dimension_numbers<[1], [0], [0], [1], [0, 0, 1, 1], [], []>, transpose_lhs_hint = false} : vector<1024x128xf32>, vector<128x128xf32>, vector<1024x128xf32> -> vector<1024x128xf32>
    %mul3A_33 = vector.broadcast %rsqrt3A : vector<1024x1xf32> to vector<1024x128xf32>
    %mul3A_34 = arith.mulf %dot_general3A_32, %mul3A_33 : vector<1024x128xf32>
    %swap3A = arith.constant 0 : index
    %swap3A_35 = arith.constant 0 : index
    %swap3A_36 = vector.load %arg7[%swap3A, %swap3A_35] : memref<1024x128xf32, #tpu.memory_space<vmem>>, vector<1024x128xf32>
    tpu.vector_store %arg7[%swap3A, %swap3A_35], %mul3A_34 {strides = array<i32>} : memref<1024x128xf32, #tpu.memory_space<vmem>>, vector<1024x128xf32>,
    return
  }
  func.func @transform_0(%arg0: i32) -> (i32, i32, i32) {
    %c0_i32 = arith.constant 0 : i32
    %c0_i32_0 = arith.constant 0 : i32
    %c0_i32_1 = arith.constant 0 : i32
    return %c0_i32, %arg0, %c0_i32_0 : i32, i32, i32
  }
  func.func @transform_1(%arg0: i32) -> (i32, i32, i32) {
    %c1_i32 = arith.constant 1 : i32
    %c0_i32 = arith.constant 0 : i32
    %c0_i32_0 = arith.constant 0 : i32
    return %c1_i32, %arg0, %c0_i32 : i32, i32, i32
  }
  func.func @transform_2(%arg0: i32) -> (i32, i32) {
    %c0_i32 = arith.constant 0 : i32
    %c0_i32_0 = arith.constant 0 : i32
    return %arg0, %c0_i32 : i32, i32
  }
  func.func @transform_3(%arg0: i32) -> (i32, i32) {
    %c0_i32 = arith.constant 0 : i32
    %c0_i32_0 = arith.constant 0 : i32
    %c0_i32_1 = arith.constant 0 : i32
    return %c0_i32, %c0_i32_0 : i32, i32
  }
  func.func @transform_4(%arg0: i32) -> (i32, i32, i32) {
    %c0_i32 = arith.constant 0 : i32
    %c0_i32_0 = arith.constant 0 : i32
    %c0_i32_1 = arith.constant 0 : i32
    return %c0_i32, %arg0, %c0_i32_0 : i32, i32, i32
  }
  func.func @transform_5(%arg0: i32) -> (i32, i32, i32) {
    %c1_i32 = arith.constant 1 : i32
    %c0_i32 = arith.constant 0 : i32
    %c0_i32_0 = arith.constant 0 : i32
    return %c1_i32, %arg0, %c0_i32 : i32, i32, i32
  }
  func.func @transform_6(%arg0: i32) -> (i32, i32) {
    %c0_i32 = arith.constant 0 : i32
    %c0_i32_0 = arith.constant 0 : i32
    return %arg0, %c0_i32 : i32, i32
  }
}

module attributes {stable_mosaic.version = 14 : i64} {
  func.func @_final_body(%arg0: i32, %arg1: memref<1x1024x128xf32, #tpu.memory_space<vmem>>, %arg2: memref<1x1024x128xf32, #tpu.memory_space<vmem>>, %arg3: memref<1024x128xf32, #tpu.memory_space<vmem>>, %arg4: memref<1x1024x128xf32, #tpu.memory_space<vmem>>, %arg5: memref<1x1024x128xf32, #tpu.memory_space<vmem>>, %arg6: memref<1024x64xf32, #tpu.memory_space<vmem>>) attributes {dimension_semantics = [#tpu.dimension_semantics<arbitrary>], iteration_bounds = array<i64: 10>, scalar_prefetch = 0 : i64, scratch_operands = 0 : i64, tpu.core_type = #tpu.core_type<tc>, window_params = [{transform_indices = @transform_0, window_bounds = array<i64: 1, 1024, 128>}, {transform_indices = @transform_1, window_bounds = array<i64: 1, 1024, 128>}, {transform_indices = @transform_2, window_bounds = array<i64: 1024, 128>}, {transform_indices = @transform_3, window_bounds = array<i64: 1, 1024, 128>}, {transform_indices = @transform_4, window_bounds = array<i64: 1, 1024, 128>}, {transform_indices = @transform_5, window_bounds = array<i64: 1024, 64>}]} {
    %get3A = arith.constant 0 : index
    %get3A_0 = arith.constant 0 : index
    %get3A_1 = arith.constant 0 : index
    %get3A_2 = vector.load %arg4[%get3A, %get3A_0, %get3A_1] : memref<1x1024x128xf32, #tpu.memory_space<vmem>>, vector<1x1024x1xf32>
    %get3A_3 = vector.shape_cast %get3A_2 : vector<1x1024x1xf32> to vector<1024x1xf32>
    %get3A_4 = arith.constant 0 : index
    %get3A_5 = arith.constant 0 : index
    %get3A_6 = arith.constant 0 : index
    %get3A_7 = vector.load %arg5[%get3A_4, %get3A_5, %get3A_6] : memref<1x1024x128xf32, #tpu.memory_space<vmem>>, vector<1x1024x1xf32>
    %get3A_8 = vector.shape_cast %get3A_7 : vector<1x1024x1xf32> to vector<1024x1xf32>
    %add3A = arith.addf %get3A_3, %get3A_8 : vector<1024x1xf32>
    %add3A_9 = arith.constant 1.000000e+00 : f32
    %add3A_10 = vector.broadcast %add3A_9 : f32 to vector<1024x1xf32>
    %add3A_11 = arith.addf %add3A, %add3A_10 : vector<1024x1xf32>
    %rsqrt3A = math.rsqrt %add3A_11 : vector<1024x1xf32>
    %get3A_12 = arith.constant 0 : index
    %get3A_13 = arith.constant 0 : index
    %get3A_14 = arith.constant 0 : index
    %get3A_15 = vector.load %arg1[%get3A_12, %get3A_13, %get3A_14] : memref<1x1024x128xf32, #tpu.memory_space<vmem>>, vector<1x1024x128xf32>
    %get3A_16 = vector.shape_cast %get3A_15 : vector<1x1024x128xf32> to vector<1024x128xf32>
    %get3A_17 = arith.constant 0 : index
    %get3A_18 = arith.constant 0 : index
    %get3A_19 = arith.constant 0 : index
    %get3A_20 = vector.load %arg2[%get3A_17, %get3A_18, %get3A_19] : memref<1x1024x128xf32, #tpu.memory_space<vmem>>, vector<1x1024x128xf32>
    %get3A_21 = vector.shape_cast %get3A_20 : vector<1x1024x128xf32> to vector<1024x128xf32>
    %add3A_22 = arith.addf %get3A_16, %get3A_21 : vector<1024x128xf32>
    %get3A_23 = arith.constant 0 : index
    %get3A_24 = arith.constant 0 : index
    %get3A_25 = vector.load %arg3[%get3A_23, %get3A_24] : memref<1024x128xf32, #tpu.memory_space<vmem>>, vector<1024x128xf32>
    %sub3A = arith.subf %add3A_22, %get3A_25 : vector<1024x128xf32>
    %mul3A = vector.broadcast %rsqrt3A : vector<1024x1xf32> to vector<1024x128xf32>
    %mul3A_26 = arith.mulf %sub3A, %mul3A : vector<1024x128xf32>
    %slice3A = vector.extract_strided_slice %mul3A_26 {offsets = [0, 0], sizes = [1024, 64], strides = [1, 1]} : vector<1024x128xf32> to vector<1024x64xf32>
    %swap3A = arith.constant 0 : index
    %swap3A_27 = arith.constant 0 : index
    %swap3A_28 = vector.load %arg6[%swap3A, %swap3A_27] : memref<1024x64xf32, #tpu.memory_space<vmem>>, vector<1024x64xf32>
    tpu.vector_store %arg6[%swap3A, %swap3A_27], %slice3A {strides = array<i32>} : memref<1024x64xf32, #tpu.memory_space<vmem>>, vector<1024x64xf32>,
    return
  }
  func.func @transform_0(%arg0: i32) -> (i32, i32, i32) {
    %c0_i32 = arith.constant 0 : i32
    %c0_i32_0 = arith.constant 0 : i32
    %c0_i32_1 = arith.constant 0 : i32
    return %c0_i32, %arg0, %c0_i32_0 : i32, i32, i32
  }
  func.func @transform_1(%arg0: i32) -> (i32, i32, i32) {
    %c1_i32 = arith.constant 1 : i32
    %c0_i32 = arith.constant 0 : i32
    %c0_i32_0 = arith.constant 0 : i32
    return %c1_i32, %arg0, %c0_i32 : i32, i32, i32
  }
  func.func @transform_2(%arg0: i32) -> (i32, i32) {
    %c0_i32 = arith.constant 0 : i32
    %c0_i32_0 = arith.constant 0 : i32
    return %arg0, %c0_i32 : i32, i32
  }
  func.func @transform_3(%arg0: i32) -> (i32, i32, i32) {
    %c0_i32 = arith.constant 0 : i32
    %c0_i32_0 = arith.constant 0 : i32
    %c0_i32_1 = arith.constant 0 : i32
    return %c0_i32, %arg0, %c0_i32_0 : i32, i32, i32
  }
  func.func @transform_4(%arg0: i32) -> (i32, i32, i32) {
    %c1_i32 = arith.constant 1 : i32
    %c0_i32 = arith.constant 0 : i32
    %c0_i32_0 = arith.constant 0 : i32
    return %c1_i32, %arg0, %c0_i32 : i32, i32, i32
  }
  func.func @transform_5(%arg0: i32) -> (i32, i32) {
    %c0_i32 = arith.constant 0 : i32
    %c0_i32_0 = arith.constant 0 : i32
    return %arg0, %c0_i32 : i32, i32
  }
}

</mosaic_0001>

<sc_bundles>
// kernel: kernel.11.cloned.1.call-start
scs
__scs_entry_jumppad:
0x0: {  	(pc) =	sbr.rel $0x88, $3  }
0x1: {  	(tag) =	ssettag $0x0;
	lr =	simm.s32 $0x1  }
0x2: {  	[smem:$0x3F99] =	sst lr;
	_ =	strace $0xD0000000  }
0x3: {  	_ = 	snop  }
0x4: {  	_ = 	snop  }
0x5: {  	_ = 	snop  }
0x6: {  	_ = 	snop  }
0x7: {  	_ = 	snop  }
__scs_overlays_trampoline_lowered:
0x8: {  	[smem:$0x3FA8] =	sst s0  }
0x9: {  	[smem:$0x3FA9] =	sst s1  }
0xa: {  	[smem:$0x3FAA] =	sst s2  }
0xb: {  	[smem:$0x3FAB] =	sst s3  }
0xc: {  	[smem:$0x3FAC] =	sst s4  }
0xd: {  	[smem:$0x3FAD] =	sst s5  }
0xe: {  	[smem:$0x3FAE] =	sst s6  }
0xf: {  	[smem:$0x3FAF] =	sst s7  }
0x10: {  	[smem:$0x3FB0] =	sst s8  }
0x11: {  	[smem:$0x3FB1] =	sst s9;
	s0 =	simm.s32 @!p0 $0x0  }
0x12: {  	s1 =	sld [smem:$0x3F97];
	s0 =	simm.s32 @p0 $0x1  }
0x13: {  	[smem:$0x3FB2] =	sst s0;
	s0 =	simm.s32 @!p1 $0x0  }
0x14: {  	s2 =	sld [smem:$0x3F96];
	s0 =	simm.s32 @p1 $0x1  }
0x15: {  	[smem:$0x3FB3] =	sst s0;
	s0 =	simm.s32 @!p2 $0x0  }
0x16: {  	s3 =	sld [smem:$0x3FDB];
	s0 =	simm.s32 @p2 $0x1  }
0x17: {  	s4 =	simm.s32 $0x1BF5;
	[smem:$0x3FB5] =	sst s0  }
0x18: {  	s0 =	sld [smem:$0x3F98];
	_ =	swait.ge [sflag:s4], $0x0  }
0x19: {  	s7 =	sld [smem:$0x3F99]  }
0x1a: {  	s8 =	sadd.s32 $0xFFFFE003, lr  }
0x1b: {  	s9 =	sadd.s32 $0xFFFFFEF7, lr;
	s5 =	simm.s32 $0xFFFFFFFF;
	p2 =	slt.u32 s8, $0xFFFFF086  }
0x1c: {  	p1 =	slt.u32 s9, $0xF7A;
	s5 =	simm.s32 @!p2 $0x0  }
0x1d: {  	s5 =	simm.s32 @p1 $0x1;
	p0 =	seq.s32 s7, s2  }
0x1e: {  	s7 =	smul.u32 @!p0 $0xF7A, s2;
	p2 =	seq.s32 @!p0 s5, $0x0  }
0x1f: {  	s9 =	smul.u32 $0xF7A, s1;
	s8 =	simm.s32 @!p0 $0x1BF5;
	p2 =	por !p2, p0  }
0x20: {  	[sflag:s8] =	ssyncset.s32 @!p0 $0xFFFFF086;
	s6 =	sadd.s32 @!p0 s3, s7;
	s7 =	simm.s32 @!p0 $0x108  }
0x21: {  	s3 =	sadd.s32 s3, s9;
	s6 =	sadd.s32 @!p0 $0x88, s6;
	s7 =	simm.s32 @p2 $0x1082  }
0x22: {  	[simem:s7], [sflag:s8] =	dma.local @!p0 [hbm:s6], $0xF7A  }
0x23: {  	s9 =	sor.u32 $0xD0000000, s2;
	s6 =	simm.s32 $0x108;
	_ =	swait.ge @!p0 [sflag:s8], $0x0  }
0x24: {  	s3 =	sadd.s32 $0x88, s3;
	s6 =	simm.s32 @!p1 $0x1082;
	[sflag:s4] =	ssyncset.s32 $0xFFFFF086  }
0x25: {  	[simem:s6], [sflag:s4] =	dma.local [hbm:s3], $0xF7A  }
0x26: {  	[smem:$0x3F99] =	sst s1;
	(tag) =	ssettag s2;
	_ =	strace s9  }
0x27: {  	s1 =	sld [smem:$0x3FA9]  }
0x28: {  	s2 =	sld [smem:$0x3FAA]  }
0x29: {  	s4 =	sld [smem:$0x3FAC]  }
0x2a: {  	p0 =	seq.s32 s5, $0x0;
	s5 =	sld [smem:$0x3FAD]  }
0x2b: {  	s6 =	sld [smem:$0x3FAE]  }
0x2c: {  	s7 =	sld [smem:$0x3FAF]  }
0x2d: {  	s3 =	simm.s32 $0x108;
	s8 =	sld [smem:$0x3FB0]  }
0x2e: {  	s3 =	simm.s32 @!p0 $0x1082;
	s9 =	sld [smem:$0x3FB1]  }
0x2f: {  	lr =	sadd.s32 s0, s3;
	s0 =	sld [smem:$0x3FA8]  }
0x30: {  	s3 =	sld [smem:$0x3FAB]  }
0x31: {  	[smem:$0x3FB4] =	sst s10  }
0x32: {  	s10 =	sld [smem:$0x3FB2];
	_ =	sdelay $0x3  }
0x33: {  	p0 =	seq.s32 s10, $0x1;
	s10 =	sld [smem:$0x3FB4];
	_ =	sdelay $0x3  }
0x34: {  	[smem:$0x3FB4] =	sst s10  }
0x35: {  	s10 =	sld [smem:$0x3FB3];
	_ =	sdelay $0x3  }
0x36: {  	p1 =	seq.s32 s10, $0x1;
	s10 =	sld [smem:$0x3FB4];
	_ =	sdelay $0x3  }
0x37: {  	[smem:$0x3FB4] =	sst s10  }
0x38: {  	s10 =	sld [smem:$0x3FB5]  }
0x39: {  	_ = 	snop;
	(pc) =	sbr.ind lr, $3  }
0x3a: {  	_ = 	snop  }
0x3b: {  	_ = 	snop  }
0x3c: {  	p2 =	seq.s32 s10, $0x1;
	s10 =	sld [smem:$0x3FB4]  }
0x3d: {  	_ =	shalt  }
0x3e: {  	_ =	shalt  }
0x3f: {  	_ =	shalt  }
0x40: {  	_ =	shalt  }
0x41: {  	_ =	shalt  }
0x42: {  	_ =	shalt  }
0x43: {  	_ =	shalt  }
0x44: {  	_ =	shalt  }
0x45: {  	_ =	shalt  }
0x46: {  	_ =	shalt  }
0x47: {  	_ =	shalt  }
0x48: {  	_ =	shalt  }
0x49: {  	_ =	shalt  }
0x4a: {  	_ =	shalt  }
0x4b: {  	_ =	shalt  }
0x4c: {  	_ =	shalt  }
0x4d: {  	_ =	shalt  }
0x4e: {  	_ =	shalt  }
0x4f: {  	_ =	shalt  }
0x50: {  	_ =	shalt  }
0x51: {  	_ =	shalt  }
0x52: {  	_ =	shalt  }
0x53: {  	_ =	shalt  }
0x54: {  	_ =	shalt  }
0x55: {  	_ =	shalt  }
0x56: {  	_ =	shalt  }
0x57: {  	_ =	shalt  }
0x58: {  	_ =	shalt  }
0x59: {  	_ =	shalt  }
0x5a: {  	_ =	shalt  }
0x5b: {  	_ =	shalt  }
0x5c: {  	_ =	shalt  }
0x5d: {  	_ =	shalt  }
0x5e: {  	_ =	shalt  }
0x5f: {  	_ =	shalt  }
0x60: {  	_ =	shalt  }
0x61: {  	_ =	shalt  }
0x62: {  	_ =	shalt  }
0x63: {  	_ =	shalt  }
0x64: {  	_ =	shalt  }
0x65: {  	_ =	shalt  }
0x66: {  	_ =	shalt  }
0x67: {  	_ =	shalt  }
0x68: {  	_ =	shalt  }
0x69: {  	_ =	shalt  }
0x6a: {  	_ =	shalt  }
0x6b: {  	_ =	shalt  }
0x6c: {  	_ =	shalt  }
0x6d: {  	_ =	shalt  }
0x6e: {  	_ =	shalt  }
0x6f: {  	_ =	shalt  }
0x70: {  	_ =	shalt  }
0x71: {  	_ =	shalt  }
0x72: {  	_ =	shalt  }
0x73: {  	_ =	shalt  }
0x74: {  	_ =	shalt  }
0x75: {  	_ =	shalt  }
0x76: {  	_ =	shalt  }
0x77: {  	_ =	shalt  }
0x78: {  	_ =	shalt  }
0x79: {  	_ =	shalt  }
0x7a: {  	_ =	shalt  }
0x7b: {  	_ =	shalt  }
0x7c: {  	_ =	shalt  }
0x7d: {  	_ =	shalt  }
0x7e: {  	_ =	shalt  }
0x7f: {  	_ =	shalt  }
0x80: {  	_ =	shalt  }
0x81: {  	_ =	shalt  }
0x82: {  	_ =	shalt  }
0x83: {  	_ =	shalt  }
0x84: {  	_ =	shalt  }
0x85: {  	_ =	shalt  }
0x86: {  	_ =	shalt  }
0x87: {  	_ =	shalt  }
.Lfunc_end0:
.L_simem_size_0:
called_computation_lowered:
.L_overlay_start_0:
0x88: {  	s2 =	sld [smem:$0x3FD9]  }
0x89: {  	s3 =	sld [smem:$0x3FFE];
	_ =	sdelay $0x1  }
0x8a: {  	s1 =	srdreg.scid  }
0x8b: {  	s0 =	sand.u32 $0x1, s1  }
0x8c: {  	s17 =	sshll.u32 s0, $0xA;
	s2 =	sadd.s32 s3, s2  }
0x8d: {  	s2 =	sadd.s32 s2, s17  }
0x8e: {  	[smem:$0x3FC0] =	sst s2  }
0x8f: {  	_ = 	snop  }
0x90: {  	s2 =	sld [smem:$0x3FD0];
	(tm) =	ssettm $0x1  }
0x91: {  	s18 =	sld [smem:$0x3FFB];
	_ =	sdelay $0x3  }
0x92: {  	_ =	strace s18  }
0x93: {  	s3 =	sld [smem:$0x3FFC];
	_ =	sdelay $0x3  }
0x94: {  	_ =	strace s3  }
0x95: {  	s3 =	sld [smem:$0x3FFD];
	_ =	sdelay $0x3  }
0x96: {  	_ =	strace s3  }
0x97: {  	_ =	strace $0x8FFFFFFF  }
0x98: {  	s19 =	sld [smem:$0x3FDB];
	_ =	sdelay $0x1  }
0x99: {  	s4 =	simm.s32 $_scs_section_size  }
0x9a: {  	s5 =	simm.s32 $_size__tile_overlayer_lowered;
	s6 =	simm.s32 $_tile_overlayer_lowered  }
0x9b: {  	s22 =	simm.s32 $0x1BFF;
	s21 =	sshll.u32 s6, $0x1;
	s3 =	sadd.s32 s4, s19  }
0x9c: {  	s7 =	simm.s32 $0x0;
	s20 =	sshll.u32 s5, $0x1;
	s5 =	sadd.s32 s21, s3  }
0x9d: {  	[timem:s7], [sflag:s22] =	dma.local [hbm:s5], s20  }
0x9e: {  	_ =	swait.ge [sflag:s22], s20  }
0x9f: {  	s4 =	ssub.s32 $0x0, s20;
	[sflag:s22] =	ssyncset.done $0x0  }
0xa0: {  	[sflag:s22] =	ssyncadd.s32 s4;
	_ =	sdelay $0x1  }
0xa1: {  	s23 =	simm.s32 $0x1B8B  }
0xa2: {  	_ =	swait.ge [sflag:s23], $0x1  }
0xa3: {  	[sflag:s23] =	ssyncset.done $0x0  }
0xa4: {  	s25 =	simm.s32 $0x1B8E;
	s24 =	sld [smem:$0x3FFE];
	[sflag:s23] =	ssyncadd.s32 $0xFFFFFFFF  }
0xa5: {  	s26 =	simm.s32 $execute0_lowered;
	[smem:$0x3FD2] =	sst s25  }
0xa6: {  	s5 =	sshll.u32 s26, $0x1;
	_ =	strace $0x80000046;
	[dreg:$0x1] =	wrdreg $0xFFFFFFFF  }
0xa7: {  	s28 =	simm.s32 $_size_execute0_lowered;
	s3 =	sadd.s32 s3, s5;
	[dreg:$0x0] =	wrdreg $0x0  }
0xa8: {  	s5 =	sshll.u32 s28, $0x1;
	[dreg:$0x2] =	wrdreg s3  }
0xa9: {  	[dreg:$0x3] =	wrdreg s5  }
0xaa: {  	[dreg:$0x4] =	wrdreg $0xC0  }
0xab: {  	_ =	task [dreg:s7], $0x5FFFF  }
0xac: {  	[dreg:$0x1] =	wrdreg $0xFFFFFFFF  }
0xad: {  	[dreg:$0x0] =	wrdreg $0x60  }
0xae: {  	[dreg:$0x2] =	wrdreg s2  }
0xaf: {  	[dreg:$0x3] =	wrdreg s24  }
0xb0: {  	[dreg:$0x4] =	wrdreg $0x67800  }
0xb1: {  	[dreg:$0x5] =	wrdreg $0x9  }
0xb2: {  	_ =	task.clear_ibuf [dreg:s7], $0x6FFFF;
	_ =	strace $0x90000046  }
0xb3: {  	s29 =	simm.s32 $0x9;
	_ =	strace $0x80000048  }
0xb4: {  	_ =	swait.ge [sflag:s29], $0x1  }
0xb5: {  	[sflag:s29] =	ssyncadd.s32 $0xFFFFFFFF  }
0xb6: {  	_ =	strace $0x90000048  }
0xb7: {  	_ =	sfence  }
0xb8: {  	s30 =	sld [smem:$0x0];
	_ =	sdelay $0x2  }
0xb9: {  	s31 =	sshll.u32 s1, $0xD;
	s1 =	sshrl.u32 s1, $0x2  }
0xba: {  	s3 =	sand.u32 $0x4000, s31;
	s1 =	sadd.s32 s1, s30  }
0xbb: {  	s0 =	sor.u32 s3, s0;
	s1 =	sshll.u32 s1, $0x11  }
0xbc: {  	s0 =	sor.u32 s1, s0  }
0xbd: {  	s0 =	sadd.s32 $0x8F2B, s0  }
0xbe: {  	[sflag:s0] =	ssyncadd.remote.s32 $0x1  }
0xbf: {  	_ =	sfence.sel $0xFFFF  }
0xc0: {  	[dreg:$0x0] =	wrdreg $0xFFFFFFFF;
	(pc) =	sbr.abs _section_cstart, $3  }
0xc1: {  	[dreg:$0x1] =	wrdreg $0xFFFFFFFF  }
0xc2: {  	_ =	task.clear_ibuf [dreg:s7], $0x2FFFF;
	_ =	strace $0x9FFFFFFF  }
0xc3: {  	(tm) =	ssettm $0x7FFFFFFF  }
tec
execute0_lowered:
.L_overlay_start_1:
0x0: {  	(tag) =	ssettag $0x1  }
0x1: {  	s5 =	rddreg [dreg:$0x0]  }
0x2: {  	s6 =	rddreg [dreg:$0x1]  }
0x3: {  	s2 =	rddreg [dreg:$0x2]  }
0x4: {  	s0 =	rddreg [dreg:$0x3];
	s3 =	simm.s32 $0x0;
	s1 =	stileid.u32  }
0x5: {  	s4 =	srdreg.scid;
	s13 =	simm.s32 $0x80;
	s14 =	simm.s32 $0x0  }
0x6: {  	[smem:$0x7FF] =	sst s3;
	s7 =	smul.u32 $0x14000, s1;
	s8 =	sand.u32 $0x1, s4  }
0x7: {  	s4 =	sadd.s32 $0x4600, s6;
	s11 =	sshll.u32 s1, $0x1;
	s31 =	sshll.u32 s1, $0x6  }
0x8: {  	_ =	strace $0x80000047;
	s9 =	smul.u32 $0x140000, s8;
	s12 =	ssub.s32 $0x2, s8  }
0x9: {  	s8 =	sor.u32 s8, s11;
	s10 =	sshrl.u32 s7, $0x3;
	s29 =	sshrl.u32 s12, $0x1  }
0xa: {  	s8 =	smul.u32 $0x4F0, s8;
	s30 =	sadd.s32 s7, s2;
	s9 =	sadd.s32 s7, s9  }
0xb: {  	s10 =	sadd.s32 s10, s6;
	s11 =	ssub.s32 s12, s29;
	s12 =	sshrl.u32 s30, $0x3  }
0xc: {  	s9 =	sshrl.u32 s9, $0x3;
	s5 =	sadd.s32 s5, s8;
	s8 =	smax.u32 s11, $0x1  }
0xd: {  	s11 =	sor.u32 $0x1C01, s31;
	s9 =	sadd.s32 s9, s6;
	s6 =	sadd.s32 $0x4E00, s10  }
0xe: {  	s10 =	simm.s32 $0x2780;
	s7 =	sadd.s32 $0x2CE00, s9;
	s9 =	simm.s32 $0x1  }
.LBB2_1:
0xf: {  	[tilespmem:s3], [sflag:$0x1] =	stream.linear.gather [hbm4b:s5+s3], $0x2780, $0x38;
	[tilespmem:$0x1A780] =	vst v63  }
0x10: {  	_ =	swait.ge [sflag:s9], $0x2780  }
0x11: {  	[sflag:s9] =	ssyncset.done $0x0  }
0x12: {  	[sflag:s9] =	ssyncadd.s32 $0xFFFFD880  }
0x13: {  	[tilespmem:s10], [sflag:$0x1] =	stream.linear.gather [hbm4b:s4+s3], $0x4000, $0x38;
	[tilespmem:$0x1A780] =	vst v63  }
0x14: {  	_ =	swait.ge [sflag:s9], $0x4000  }
0x15: {  	[sflag:s9] =	ssyncset.done $0x0  }
0x16: {  	[sflag:s9] =	ssyncadd.s32 $0xFFFFC000  }
0x17: {  	[spmem:s12], [sflag:s11] =	dma.local [hbm:s6], $0x2800  }
0x18: {  	_ =	swait.ge [sflag:s9], $0x2800  }
0x19: {  	[sflag:s9] =	ssyncset.done $0x0  }
0x1a: {  	[sflag:s9] =	ssyncadd.s32 $0xFFFFD800  }
0x1b: {  	s15 =	simm.s32 $0x0;
	[bflag:$0x0] =	sbarrier.arrive $0xFFFF  }
0x1c: {  	[spmem:s2] =	stream.indirect.scatter.add.f32 [tilespmem:s10], [sflag:$0x1], $0x80, s15, s13, $0xb8;
	[tilespmem:$0x1A780] =	vst v63  }
0x1d: {  	_ =	swait.ge [sflag:s9], $0x4000  }
0x1e: {  	s15 =	simm.s32 $0x200;
	[sflag:s9] =	ssyncset.done $0x0  }
.LBB2_2:
0x1f: {  	s16 =	sshra.s32 s15, $0x2;
	[sflag:s9] =	ssyncadd.s32 $0xFFFFC000;
	p0 =	sne.s32 s15, $0x9C00  }
0x20: {  	[spmem:s2] =	stream.indirect.scatter.add.f32 [tilespmem:s10], [sflag:$0x1], $0x80, s16, s13, $0xb8;
	[tilespmem:$0x1A780] =	vst v63  }
.Ltmp0:
0x21: {  	_ = 	snop;
	(pc) =	sbr.rel @p0 .LBB2_2-.Ltmp0, $4  }
0x22: {  	_ = 	snop  }
0x23: {  	s15 =	sadd.s32 $0x200, s15  }
0x24: {  	_ =	swait.ge [sflag:s9], $0x4000  }
0x25: {  	[sflag:s9] =	ssyncset.done $0x0  }
0x26: {  	s14 =	sadd.s32 $0x1, s14  }
0x27: {  	[sflag:s9] =	ssyncadd.s32 $0xFFFFC000;
	p0 =	sne.s32 s14, s8  }
.Ltmp1:
0x28: {  	[bflag:$0x0] =	sbarrier.arrive $0xFFFF;
	(pc) =	sbr.rel @p0 .LBB2_1-.Ltmp1, $4  }
0x29: {  	[hbm:s7], [sflag:s11] =	dma.local [spmem:s12], $0x2800  }
0x2a: {  	_ =	swait.ge [sflag:s9], $0x2800  }
0x2b: {  	[sflag:s9] =	ssyncset.done $0x0  }
0x2c: {  	[sflag:s9] =	ssyncadd.s32 $0xFFFFD800  }
0x2d: {  	_ =	sfence.sel $0x180000  }
0x2e: {  	[bflag:$0x0] =	sbarrier.arrive $0xFFFF  }
0x2f: {  	p0 =	sne.s32 s1, $0x0;
	_ =	strace $0x90000047  }
0x30: {  	s0 =	sadd.s32 @!p0 $0x100000, s0;
	[bflag:$0x2] =	sbarrier.arrive $0xFFFF  }
0x31: {  	[sflag:s0] =	ssyncadd.tile.s32 @!p0 $0x1;
	_ =	shalt  }
.Lfunc_end2:
_tile_overlayer_lowered:
.L_overlay_start_2:
0x32: {  	(tag) =	ssettag $0x2  }
0x33: {  	s0 =	rddreg [dreg:$0x0];
	s2 =	stileid.u32  }
0x34: {  	s1 =	rddreg [dreg:$0x1];
	p0 =	sne.s32 s2, $0x0  }
0x35: {  	s3 =	rddreg [dreg:$0x2];
	[bflag:$0x3] =	sbarrier.arrive $0xFFFF;
	s2 =	simm.s32 @!p0 $0x1C01  }
0x36: {  	[timem:s3], [sflag:s2] =	dma.local @!p0 [hbm:s0], s1  }
0x37: {  	s0 =	simm.s32 @!p0 $0x1  }
0x38: {  	_ =	swait.ge @!p0 [sflag:s0], s1  }
0x39: {  	s1 =	ssub.s32 @!p0 $0x0, s1;
	[sflag:s0] =	ssyncset.done @!p0 $0x0  }
0x3a: {  	[sflag:s0] =	ssyncadd.s32 @!p0 s1  }
0x3b: {  	[bflag:$0x3] =	sbarrier.arrive $0xFFFF  }
0x3c: {  	_ =	shalt  }

// kernel: kernel.14.cloned.1.call-start
scs
__scs_entry_jumppad:
0x0: {  	(pc) =	sbr.rel $0x88, $3  }
0x1: {  	(tag) =	ssettag $0x0;
	lr =	simm.s32 $0x1  }
0x2: {  	[smem:$0x3F99] =	sst lr;
	_ =	strace $0xD0000000  }
0x3: {  	_ = 	snop  }
0x4: {  	_ = 	snop  }
0x5: {  	_ = 	snop  }
0x6: {  	_ = 	snop  }
0x7: {  	_ = 	snop  }
__scs_overlays_trampoline_lowered:
0x8: {  	[smem:$0x3FA8] =	sst s0  }
0x9: {  	[smem:$0x3FA9] =	sst s1  }
0xa: {  	[smem:$0x3FAA] =	sst s2  }
0xb: {  	[smem:$0x3FAB] =	sst s3  }
0xc: {  	[smem:$0x3FAC] =	sst s4  }
0xd: {  	[smem:$0x3FAD] =	sst s5  }
0xe: {  	[smem:$0x3FAE] =	sst s6  }
0xf: {  	[smem:$0x3FAF] =	sst s7  }
0x10: {  	[smem:$0x3FB0] =	sst s8  }
0x11: {  	[smem:$0x3FB1] =	sst s9;
	s0 =	simm.s32 @!p0 $0x0  }
0x12: {  	s1 =	sld [smem:$0x3F97];
	s0 =	simm.s32 @p0 $0x1  }
0x13: {  	[smem:$0x3FB2] =	sst s0;
	s0 =	simm.s32 @!p1 $0x0  }
0x14: {  	s2 =	sld [smem:$0x3F96];
	s0 =	simm.s32 @p1 $0x1  }
0x15: {  	[smem:$0x3FB3] =	sst s0;
	s0 =	simm.s32 @!p2 $0x0  }
0x16: {  	s3 =	sld [smem:$0x3FDB];
	s0 =	simm.s32 @p2 $0x1  }
0x17: {  	s4 =	simm.s32 $0x1BF5;
	[smem:$0x3FB5] =	sst s0  }
0x18: {  	s0 =	sld [smem:$0x3F98];
	_ =	swait.ge [sflag:s4], $0x0  }
0x19: {  	s7 =	sld [smem:$0x3F99]  }
0x1a: {  	s8 =	sadd.s32 $0xFFFFE003, lr  }
0x1b: {  	s9 =	sadd.s32 $0xFFFFFEF7, lr;
	s5 =	simm.s32 $0xFFFFFFFF;
	p2 =	slt.u32 s8, $0xFFFFF086  }
0x1c: {  	p1 =	slt.u32 s9, $0xF7A;
	s5 =	simm.s32 @!p2 $0x0  }
0x1d: {  	s5 =	simm.s32 @p1 $0x1;
	p0 =	seq.s32 s7, s2  }
0x1e: {  	s7 =	smul.u32 @!p0 $0xF7A, s2;
	p2 =	seq.s32 @!p0 s5, $0x0  }
0x1f: {  	s9 =	smul.u32 $0xF7A, s1;
	s8 =	simm.s32 @!p0 $0x1BF5;
	p2 =	por !p2, p0  }
0x20: {  	[sflag:s8] =	ssyncset.s32 @!p0 $0xFFFFF086;
	s6 =	sadd.s32 @!p0 s3, s7;
	s7 =	simm.s32 @!p0 $0x108  }
0x21: {  	s3 =	sadd.s32 s3, s9;
	s6 =	sadd.s32 @!p0 $0x88, s6;
	s7 =	simm.s32 @p2 $0x1082  }
0x22: {  	[simem:s7], [sflag:s8] =	dma.local @!p0 [hbm:s6], $0xF7A  }
0x23: {  	s9 =	sor.u32 $0xD0000000, s2;
	s6 =	simm.s32 $0x108;
	_ =	swait.ge @!p0 [sflag:s8], $0x0  }
0x24: {  	s3 =	sadd.s32 $0x88, s3;
	s6 =	simm.s32 @!p1 $0x1082;
	[sflag:s4] =	ssyncset.s32 $0xFFFFF086  }
0x25: {  	[simem:s6], [sflag:s4] =	dma.local [hbm:s3], $0xF7A  }
0x26: {  	[smem:$0x3F99] =	sst s1;
	(tag) =	ssettag s2;
	_ =	strace s9  }
0x27: {  	s1 =	sld [smem:$0x3FA9]  }
0x28: {  	s2 =	sld [smem:$0x3FAA]  }
0x29: {  	s4 =	sld [smem:$0x3FAC]  }
0x2a: {  	p0 =	seq.s32 s5, $0x0;
	s5 =	sld [smem:$0x3FAD]  }
0x2b: {  	s6 =	sld [smem:$0x3FAE]  }
0x2c: {  	s7 =	sld [smem:$0x3FAF]  }
0x2d: {  	s3 =	simm.s32 $0x108;
	s8 =	sld [smem:$0x3FB0]  }
0x2e: {  	s3 =	simm.s32 @!p0 $0x1082;
	s9 =	sld [smem:$0x3FB1]  }
0x2f: {  	lr =	sadd.s32 s0, s3;
	s0 =	sld [smem:$0x3FA8]  }
0x30: {  	s3 =	sld [smem:$0x3FAB]  }
0x31: {  	[smem:$0x3FB4] =	sst s10  }
0x32: {  	s10 =	sld [smem:$0x3FB2];
	_ =	sdelay $0x3  }
0x33: {  	p0 =	seq.s32 s10, $0x1;
	s10 =	sld [smem:$0x3FB4];
	_ =	sdelay $0x3  }
0x34: {  	[smem:$0x3FB4] =	sst s10  }
0x35: {  	s10 =	sld [smem:$0x3FB3];
	_ =	sdelay $0x3  }
0x36: {  	p1 =	seq.s32 s10, $0x1;
	s10 =	sld [smem:$0x3FB4];
	_ =	sdelay $0x3  }
0x37: {  	[smem:$0x3FB4] =	sst s10  }
0x38: {  	s10 =	sld [smem:$0x3FB5]  }
0x39: {  	_ = 	snop;
	(pc) =	sbr.ind lr, $3  }
0x3a: {  	_ = 	snop  }
0x3b: {  	_ = 	snop  }
0x3c: {  	p2 =	seq.s32 s10, $0x1;
	s10 =	sld [smem:$0x3FB4]  }
0x3d: {  	_ =	shalt  }
0x3e: {  	_ =	shalt  }
0x3f: {  	_ =	shalt  }
0x40: {  	_ =	shalt  }
0x41: {  	_ =	shalt  }
0x42: {  	_ =	shalt  }
0x43: {  	_ =	shalt  }
0x44: {  	_ =	shalt  }
0x45: {  	_ =	shalt  }
0x46: {  	_ =	shalt  }
0x47: {  	_ =	shalt  }
0x48: {  	_ =	shalt  }
0x49: {  	_ =	shalt  }
0x4a: {  	_ =	shalt  }
0x4b: {  	_ =	shalt  }
0x4c: {  	_ =	shalt  }
0x4d: {  	_ =	shalt  }
0x4e: {  	_ =	shalt  }
0x4f: {  	_ =	shalt  }
0x50: {  	_ =	shalt  }
0x51: {  	_ =	shalt  }
0x52: {  	_ =	shalt  }
0x53: {  	_ =	shalt  }
0x54: {  	_ =	shalt  }
0x55: {  	_ =	shalt  }
0x56: {  	_ =	shalt  }
0x57: {  	_ =	shalt  }
0x58: {  	_ =	shalt  }
0x59: {  	_ =	shalt  }
0x5a: {  	_ =	shalt  }
0x5b: {  	_ =	shalt  }
0x5c: {  	_ =	shalt  }
0x5d: {  	_ =	shalt  }
0x5e: {  	_ =	shalt  }
0x5f: {  	_ =	shalt  }
0x60: {  	_ =	shalt  }
0x61: {  	_ =	shalt  }
0x62: {  	_ =	shalt  }
0x63: {  	_ =	shalt  }
0x64: {  	_ =	shalt  }
0x65: {  	_ =	shalt  }
0x66: {  	_ =	shalt  }
0x67: {  	_ =	shalt  }
0x68: {  	_ =	shalt  }
0x69: {  	_ =	shalt  }
0x6a: {  	_ =	shalt  }
0x6b: {  	_ =	shalt  }
0x6c: {  	_ =	shalt  }
0x6d: {  	_ =	shalt  }
0x6e: {  	_ =	shalt  }
0x6f: {  	_ =	shalt  }
0x70: {  	_ =	shalt  }
0x71: {  	_ =	shalt  }
0x72: {  	_ =	shalt  }
0x73: {  	_ =	shalt  }
0x74: {  	_ =	shalt  }
0x75: {  	_ =	shalt  }
0x76: {  	_ =	shalt  }
0x77: {  	_ =	shalt  }
0x78: {  	_ =	shalt  }
0x79: {  	_ =	shalt  }
0x7a: {  	_ =	shalt  }
0x7b: {  	_ =	shalt  }
0x7c: {  	_ =	shalt  }
0x7d: {  	_ =	shalt  }
0x7e: {  	_ =	shalt  }
0x7f: {  	_ =	shalt  }
0x80: {  	_ =	shalt  }
0x81: {  	_ =	shalt  }
0x82: {  	_ =	shalt  }
0x83: {  	_ =	shalt  }
0x84: {  	_ =	shalt  }
0x85: {  	_ =	shalt  }
0x86: {  	_ =	shalt  }
0x87: {  	_ =	shalt  }
.Lfunc_end0:
.L_simem_size_0:
called_computation.1_lowered:
.L_overlay_start_0:
0x88: {  	s2 =	sld [smem:$0x3FD9]  }
0x89: {  	s3 =	sld [smem:$0x3FFE];
	_ =	sdelay $0x1  }
0x8a: {  	s1 =	srdreg.scid  }
0x8b: {  	s0 =	sand.u32 $0x1, s1  }
0x8c: {  	s17 =	sshll.u32 s0, $0xA;
	s2 =	sadd.s32 s3, s2  }
0x8d: {  	s2 =	sadd.s32 s2, s17  }
0x8e: {  	[smem:$0x3FC0] =	sst s2  }
0x8f: {  	_ = 	snop  }
0x90: {  	s2 =	sld [smem:$0x3FD0];
	(tm) =	ssettm $0x1  }
0x91: {  	s18 =	sld [smem:$0x3FFB];
	_ =	sdelay $0x3  }
0x92: {  	_ =	strace s18  }
0x93: {  	s3 =	sld [smem:$0x3FFC];
	_ =	sdelay $0x3  }
0x94: {  	_ =	strace s3  }
0x95: {  	s3 =	sld [smem:$0x3FFD];
	_ =	sdelay $0x3  }
0x96: {  	_ =	strace s3  }
0x97: {  	_ =	strace $0x8FFFFFFF  }
0x98: {  	s19 =	sld [smem:$0x3FDB];
	_ =	sdelay $0x1  }
0x99: {  	s4 =	simm.s32 $_scs_section_size  }
0x9a: {  	s5 =	simm.s32 $_size__tile_overlayer_lowered;
	s6 =	simm.s32 $_tile_overlayer_lowered  }
0x9b: {  	s22 =	simm.s32 $0x1BFF;
	s21 =	sshll.u32 s6, $0x1;
	s3 =	sadd.s32 s4, s19  }
0x9c: {  	s7 =	simm.s32 $0x0;
	s20 =	sshll.u32 s5, $0x1;
	s5 =	sadd.s32 s21, s3  }
0x9d: {  	[timem:s7], [sflag:s22] =	dma.local [hbm:s5], s20  }
0x9e: {  	_ =	swait.ge [sflag:s22], s20  }
0x9f: {  	s4 =	ssub.s32 $0x0, s20;
	[sflag:s22] =	ssyncset.done $0x0  }
0xa0: {  	[sflag:s22] =	ssyncadd.s32 s4;
	_ =	sdelay $0x1  }
0xa1: {  	s23 =	simm.s32 $0x1B8B  }
0xa2: {  	_ =	swait.ge [sflag:s23], $0x1  }
0xa3: {  	[sflag:s23] =	ssyncset.done $0x0  }
0xa4: {  	s25 =	simm.s32 $0x1B8E;
	s24 =	sld [smem:$0x3FFE];
	[sflag:s23] =	ssyncadd.s32 $0xFFFFFFFF  }
0xa5: {  	s26 =	simm.s32 $execute0_lowered;
	[smem:$0x3FD2] =	sst s25  }
0xa6: {  	s5 =	sshll.u32 s26, $0x1;
	_ =	strace $0x80000049;
	[dreg:$0x1] =	wrdreg $0xFFFFFFFF  }
0xa7: {  	s28 =	simm.s32 $_size_execute0_lowered;
	s3 =	sadd.s32 s3, s5;
	[dreg:$0x0] =	wrdreg $0x0  }
0xa8: {  	s5 =	sshll.u32 s28, $0x1;
	[dreg:$0x2] =	wrdreg s3  }
0xa9: {  	[dreg:$0x3] =	wrdreg s5  }
0xaa: {  	[dreg:$0x4] =	wrdreg $0xC0  }
0xab: {  	_ =	task [dreg:s7], $0x5FFFF  }
0xac: {  	[dreg:$0x1] =	wrdreg $0xFFFFFFFF  }
0xad: {  	[dreg:$0x0] =	wrdreg $0x60  }
0xae: {  	[dreg:$0x2] =	wrdreg s24  }
0xaf: {  	[dreg:$0x3] =	wrdreg s2  }
0xb0: {  	[dreg:$0x4] =	wrdreg $0x8F000  }
0xb1: {  	[dreg:$0x5] =	wrdreg $0x9  }
0xb2: {  	_ =	task.clear_ibuf [dreg:s7], $0x6FFFF;
	_ =	strace $0x90000049  }
0xb3: {  	s29 =	simm.s32 $0x9;
	_ =	strace $0x8000004B  }
0xb4: {  	_ =	swait.ge [sflag:s29], $0x1  }
0xb5: {  	[sflag:s29] =	ssyncadd.s32 $0xFFFFFFFF  }
0xb6: {  	_ =	strace $0x9000004B  }
0xb7: {  	_ =	sfence  }
0xb8: {  	s30 =	sld [smem:$0x0];
	_ =	sdelay $0x2  }
0xb9: {  	s31 =	sshll.u32 s1, $0xD;
	s1 =	sshrl.u32 s1, $0x2  }
0xba: {  	s3 =	sand.u32 $0x4000, s31;
	s1 =	sadd.s32 s1, s30  }
0xbb: {  	s0 =	sor.u32 s3, s0;
	s1 =	sshll.u32 s1, $0x11  }
0xbc: {  	s0 =	sor.u32 s1, s0  }
0xbd: {  	s0 =	sadd.s32 $0x8F2B, s0  }
0xbe: {  	[sflag:s0] =	ssyncadd.remote.s32 $0x1  }
0xbf: {  	_ =	sfence.sel $0xFFFF  }
0xc0: {  	[dreg:$0x0] =	wrdreg $0xFFFFFFFF;
	(pc) =	sbr.abs _section_cstart, $3  }
0xc1: {  	[dreg:$0x1] =	wrdreg $0xFFFFFFFF  }
0xc2: {  	_ =	task.clear_ibuf [dreg:s7], $0x2FFFF;
	_ =	strace $0x9FFFFFFF  }
0xc3: {  	(tm) =	ssettm $0x7FFFFFFF  }
tec
execute0_lowered:
.L_overlay_start_1:
0x0: {  	(tag) =	ssettag $0x1  }
0x1: {  	s5 =	rddreg [dreg:$0x0]  }
0x2: {  	s6 =	rddreg [dreg:$0x1]  }
0x3: {  	s2 =	rddreg [dreg:$0x2]  }
0x4: {  	s0 =	rddreg [dreg:$0x3];
	s4 =	srdreg.scid  }
0x5: {  	s1 =	stileid.u32;
	s3 =	simm.s32 $0x0;
	s14 =	simm.s32 $0x80  }
0x6: {  	s15 =	simm.s32 $0x4F00;
	s16 =	simm.s32 $0x0;
	s4 =	sand.u32 $0x1, s4  }
0x7: {  	s7 =	smul.u32 $0x14000, s1;
	[smem:$0x7FF] =	sst s3;
	s8 =	sshll.u32 s1, $0x1  }
0x8: {  	s31 =	sshll.u32 s1, $0x6;
	s9 =	smul.u32 $0x140000, s4;
	_ =	strace $0x8000004A  }
0x9: {  	s8 =	sor.u32 s4, s8;
	s10 =	ssub.s32 $0x2, s4;
	s4 =	sadd.s32 $0x4600, s5  }
0xa: {  	s8 =	smul.u32 $0x4F0, s8;
	s11 =	sshrl.u32 s10, $0x1;
	s30 =	sshrl.u32 s7, $0x3  }
0xb: {  	s13 =	sadd.s32 s7, s2;
	s9 =	sadd.s32 s7, s9;
	s10 =	ssub.s32 s10, s11  }
0xc: {  	s7 =	sadd.s32 s4, s30;
	s11 =	simm.s32 $0x2780;
	s13 =	sshrl.u32 s13, $0x3  }
0xd: {  	s9 =	sshrl.u32 s9, $0x3;
	s12 =	sadd.s32 s8, s5;
	s6 =	sadd.s32 s6, s8  }
0xe: {  	s9 =	sadd.s32 s9, s5;
	s5 =	sadd.s32 $0x7CE00, s12;
	s12 =	sor.u32 $0x1C01, s31  }
0xf: {  	s8 =	sadd.s32 $0x86C00, s9;
	s9 =	smax.u32 s10, $0x1;
	s10 =	simm.s32 $0x1  }
.LBB2_1:
0x10: {  	[tilespmem:s3], [sflag:$0x1] =	stream.linear.gather [hbm4b:s5+s3], $0x2780, $0x38;
	[tilespmem:$0x1CF00] =	vst v63  }
0x11: {  	_ =	swait.ge [sflag:s10], $0x2780  }
0x12: {  	[sflag:s10] =	ssyncset.done $0x0  }
0x13: {  	[sflag:s10] =	ssyncadd.s32 $0xFFFFD880  }
0x14: {  	[tilespmem:s11], [sflag:$0x1] =	stream.linear.gather [hbm4b:s6+s3], $0x2780, $0x38;
	[tilespmem:$0x1CF00] =	vst v63  }
0x15: {  	_ =	swait.ge [sflag:s10], $0x2780  }
0x16: {  	[sflag:s10] =	ssyncset.done $0x0  }
0x17: {  	[sflag:s10] =	ssyncadd.s32 $0xFFFFD880  }
0x18: {  	[spmem:s13], [sflag:s12] =	dma.local [hbm:s7], $0x2800  }
0x19: {  	_ =	swait.ge [sflag:s10], $0x2800  }
0x1a: {  	[sflag:s10] =	ssyncset.done $0x0  }
0x1b: {  	[sflag:s10] =	ssyncadd.s32 $0xFFFFD800  }
0x1c: {  	s17 =	simm.s32 $0x0;
	[bflag:$0x0] =	sbarrier.arrive $0xFFFF  }
0x1d: {  	[tilespmem:s15], [sflag:$0x1] =	stream.indirect.gather [hbm4b:s4+s14], $0x80, s17, s14, $0xb8;
	[tilespmem:$0x1CF00] =	vst v63  }
0x1e: {  	_ =	swait.ge [sflag:s10], $0x4000  }
0x1f: {  	[sflag:s10] =	ssyncset.done $0x0  }
0x20: {  	s31 =	simm.s32 $0x2780;
	[sflag:s10] =	ssyncadd.s32 $0xFFFFC000  }
0x21: {  	[spmem:s2] =	stream.indirect.scatter.add.f32 [tilespmem:s15], [sflag:$0x1], $0x80, s31, s14, $0xb8;
	[tilespmem:$0x1CF00] =	vst v63  }
0x22: {  	_ =	swait.ge [sflag:s10], $0x4000  }
0x23: {  	s18 =	simm.s32 $0x400;
	s17 =	simm.s32 $0x200;
	[sflag:s10] =	ssyncset.done $0x0  }
.LBB2_2:
0x24: {  	s19 =	sshra.s32 s17, $0x2  }
0x25: {  	[sflag:s10] =	ssyncadd.s32 $0xFFFFC000;
	s17 =	smov.u32 s18;
	s20 =	sadd.s32 $0x200, s18  }
0x26: {  	[tilespmem:s15], [sflag:$0x1] =	stream.indirect.gather [hbm4b:s4+s14], $0x80, s19, s14, $0xb8;
	[tilespmem:$0x1CF00] =	vst v63  }
0x27: {  	p0 =	sne.s32 s18, $0x9C00;
	_ =	swait.ge [sflag:s10], $0x4000  }
.Ltmp0:
0x28: {  	[sflag:s10] =	ssyncset.done $0x0;
	(pc) =	sbr.rel @p0 .LBB2_2-.Ltmp0, $4  }
0x29: {  	s18 =	sadd.s32 $0x2780, s19;
	[sflag:s10] =	ssyncadd.s32 $0xFFFFC000  }
0x2a: {  	[spmem:s2] =	stream.indirect.scatter.add.f32 [tilespmem:s15], [sflag:$0x1], $0x80, s18, s14, $0xb8;
	[tilespmem:$0x1CF00] =	vst v63  }
0x2b: {  	_ =	swait.ge [sflag:s10], $0x4000  }
0x2c: {  	s18 =	smov.u32 s20;
	[sflag:s10] =	ssyncset.done $0x0  }
0x2d: {  	s17 =	sshra.s32 s17, $0x2;
	[sflag:s10] =	ssyncadd.s32 $0xFFFFC000  }
0x2e: {  	[tilespmem:s15], [sflag:$0x1] =	stream.indirect.gather [hbm4b:s4+s14], $0x80, s17, s14, $0xb8;
	[tilespmem:$0x1CF00] =	vst v63  }
0x2f: {  	_ =	swait.ge [sflag:s10], $0x4000  }
0x30: {  	[sflag:s10] =	ssyncset.done $0x0  }
0x31: {  	s17 =	sadd.s32 $0x2780, s17;
	[sflag:s10] =	ssyncadd.s32 $0xFFFFC000  }
0x32: {  	[spmem:s2] =	stream.indirect.scatter.add.f32 [tilespmem:s15], [sflag:$0x1], $0x80, s17, s14, $0xb8;
	[tilespmem:$0x1CF00] =	vst v63  }
0x33: {  	_ =	swait.ge [sflag:s10], $0x4000  }
0x34: {  	s16 =	sadd.s32 $0x1, s16;
	[sflag:s10] =	ssyncset.done $0x0  }
0x35: {  	p0 =	sne.s32 s16, s9;
	[sflag:s10] =	ssyncadd.s32 $0xFFFFC000  }
.Ltmp1:
0x36: {  	[bflag:$0x0] =	sbarrier.arrive $0xFFFF;
	(pc) =	sbr.rel @p0 .LBB2_1-.Ltmp1, $4  }
0x37: {  	[hbm:s8], [sflag:s12] =	dma.local [spmem:s13], $0x2800  }
0x38: {  	_ =	swait.ge [sflag:s10], $0x2800  }
0x39: {  	[sflag:s10] =	ssyncset.done $0x0  }
0x3a: {  	[sflag:s10] =	ssyncadd.s32 $0xFFFFD800  }
0x3b: {  	_ =	sfence.sel $0x180000  }
0x3c: {  	[bflag:$0x0] =	sbarrier.arrive $0xFFFF  }
0x3d: {  	p0 =	sne.s32 s1, $0x0;
	_ =	strace $0x9000004A  }
0x3e: {  	s0 =	sadd.s32 @!p0 $0x100000, s0;
	[bflag:$0x2] =	sbarrier.arrive $0xFFFF  }
0x3f: {  	[sflag:s0] =	ssyncadd.tile.s32 @!p0 $0x1;
	_ =	shalt  }
.Lfunc_end2:
_tile_overlayer_lowered:
.L_overlay_start_2:
0x40: {  	(tag) =	ssettag $0x2  }
0x41: {  	s0 =	rddreg [dreg:$0x0];
	s2 =	stileid.u32  }
0x42: {  	s1 =	rddreg [dreg:$0x1];
	p0 =	sne.s32 s2, $0x0  }
0x43: {  	s3 =	rddreg [dreg:$0x2];
	[bflag:$0x3] =	sbarrier.arrive $0xFFFF;
	s2 =	simm.s32 @!p0 $0x1C01  }
0x44: {  	[timem:s3], [sflag:s2] =	dma.local @!p0 [hbm:s0], s1  }
0x45: {  	s0 =	simm.s32 @!p0 $0x1  }
0x46: {  	_ =	swait.ge @!p0 [sflag:s0], s1  }
0x47: {  	s1 =	ssub.s32 @!p0 $0x0, s1;
	[sflag:s0] =	ssyncset.done @!p0 $0x0  }
0x48: {  	[sflag:s0] =	ssyncadd.s32 @!p0 s1  }
0x49: {  	[bflag:$0x3] =	sbarrier.arrive $0xFFFF  }
0x4a: {  	_ =	shalt  }

// kernel: kernel.17.cloned.1.call-start
scs
__scs_entry_jumppad:
0x0: {  	(pc) =	sbr.rel $0x88, $3  }
0x1: {  	(tag) =	ssettag $0x0;
	lr =	simm.s32 $0x1  }
0x2: {  	[smem:$0x3F99] =	sst lr;
	_ =	strace $0xD0000000  }
0x3: {  	_ = 	snop  }
0x4: {  	_ = 	snop  }
0x5: {  	_ = 	snop  }
0x6: {  	_ = 	snop  }
0x7: {  	_ = 	snop  }
__scs_overlays_trampoline_lowered:
0x8: {  	[smem:$0x3FA8] =	sst s0  }
0x9: {  	[smem:$0x3FA9] =	sst s1  }
0xa: {  	[smem:$0x3FAA] =	sst s2  }
0xb: {  	[smem:$0x3FAB] =	sst s3  }
0xc: {  	[smem:$0x3FAC] =	sst s4  }
0xd: {  	[smem:$0x3FAD] =	sst s5  }
0xe: {  	[smem:$0x3FAE] =	sst s6  }
0xf: {  	[smem:$0x3FAF] =	sst s7  }
0x10: {  	[smem:$0x3FB0] =	sst s8  }
0x11: {  	[smem:$0x3FB1] =	sst s9;
	s0 =	simm.s32 @!p0 $0x0  }
0x12: {  	s1 =	sld [smem:$0x3F97];
	s0 =	simm.s32 @p0 $0x1  }
0x13: {  	[smem:$0x3FB2] =	sst s0;
	s0 =	simm.s32 @!p1 $0x0  }
0x14: {  	s2 =	sld [smem:$0x3F96];
	s0 =	simm.s32 @p1 $0x1  }
0x15: {  	[smem:$0x3FB3] =	sst s0;
	s0 =	simm.s32 @!p2 $0x0  }
0x16: {  	s3 =	sld [smem:$0x3FDB];
	s0 =	simm.s32 @p2 $0x1  }
0x17: {  	s4 =	simm.s32 $0x1BF5;
	[smem:$0x3FB5] =	sst s0  }
0x18: {  	s0 =	sld [smem:$0x3F98];
	_ =	swait.ge [sflag:s4], $0x0  }
0x19: {  	s7 =	sld [smem:$0x3F99]  }
0x1a: {  	s8 =	sadd.s32 $0xFFFFE003, lr  }
0x1b: {  	s9 =	sadd.s32 $0xFFFFFEF7, lr;
	s5 =	simm.s32 $0xFFFFFFFF;
	p2 =	slt.u32 s8, $0xFFFFF086  }
0x1c: {  	p1 =	slt.u32 s9, $0xF7A;
	s5 =	simm.s32 @!p2 $0x0  }
0x1d: {  	s5 =	simm.s32 @p1 $0x1;
	p0 =	seq.s32 s7, s2  }
0x1e: {  	s7 =	smul.u32 @!p0 $0xF7A, s2;
	p2 =	seq.s32 @!p0 s5, $0x0  }
0x1f: {  	s9 =	smul.u32 $0xF7A, s1;
	s8 =	simm.s32 @!p0 $0x1BF5;
	p2 =	por !p2, p0  }
0x20: {  	[sflag:s8] =	ssyncset.s32 @!p0 $0xFFFFF086;
	s6 =	sadd.s32 @!p0 s3, s7;
	s7 =	simm.s32 @!p0 $0x108  }
0x21: {  	s3 =	sadd.s32 s3, s9;
	s6 =	sadd.s32 @!p0 $0x88, s6;
	s7 =	simm.s32 @p2 $0x1082  }
0x22: {  	[simem:s7], [sflag:s8] =	dma.local @!p0 [hbm:s6], $0xF7A  }
0x23: {  	s9 =	sor.u32 $0xD0000000, s2;
	s6 =	simm.s32 $0x108;
	_ =	swait.ge @!p0 [sflag:s8], $0x0  }
0x24: {  	s3 =	sadd.s32 $0x88, s3;
	s6 =	simm.s32 @!p1 $0x1082;
	[sflag:s4] =	ssyncset.s32 $0xFFFFF086  }
0x25: {  	[simem:s6], [sflag:s4] =	dma.local [hbm:s3], $0xF7A  }
0x26: {  	[smem:$0x3F99] =	sst s1;
	(tag) =	ssettag s2;
	_ =	strace s9  }
0x27: {  	s1 =	sld [smem:$0x3FA9]  }
0x28: {  	s2 =	sld [smem:$0x3FAA]  }
0x29: {  	s4 =	sld [smem:$0x3FAC]  }
0x2a: {  	p0 =	seq.s32 s5, $0x0;
	s5 =	sld [smem:$0x3FAD]  }
0x2b: {  	s6 =	sld [smem:$0x3FAE]  }
0x2c: {  	s7 =	sld [smem:$0x3FAF]  }
0x2d: {  	s3 =	simm.s32 $0x108;
	s8 =	sld [smem:$0x3FB0]  }
0x2e: {  	s3 =	simm.s32 @!p0 $0x1082;
	s9 =	sld [smem:$0x3FB1]  }
0x2f: {  	lr =	sadd.s32 s0, s3;
	s0 =	sld [smem:$0x3FA8]  }
0x30: {  	s3 =	sld [smem:$0x3FAB]  }
0x31: {  	[smem:$0x3FB4] =	sst s10  }
0x32: {  	s10 =	sld [smem:$0x3FB2];
	_ =	sdelay $0x3  }
0x33: {  	p0 =	seq.s32 s10, $0x1;
	s10 =	sld [smem:$0x3FB4];
	_ =	sdelay $0x3  }
0x34: {  	[smem:$0x3FB4] =	sst s10  }
0x35: {  	s10 =	sld [smem:$0x3FB3];
	_ =	sdelay $0x3  }
0x36: {  	p1 =	seq.s32 s10, $0x1;
	s10 =	sld [smem:$0x3FB4];
	_ =	sdelay $0x3  }
0x37: {  	[smem:$0x3FB4] =	sst s10  }
0x38: {  	s10 =	sld [smem:$0x3FB5]  }
0x39: {  	_ = 	snop;
	(pc) =	sbr.ind lr, $3  }
0x3a: {  	_ = 	snop  }
0x3b: {  	_ = 	snop  }
0x3c: {  	p2 =	seq.s32 s10, $0x1;
	s10 =	sld [smem:$0x3FB4]  }
0x3d: {  	_ =	shalt  }
0x3e: {  	_ =	shalt  }
0x3f: {  	_ =	shalt  }
0x40: {  	_ =	shalt  }
0x41: {  	_ =	shalt  }
0x42: {  	_ =	shalt  }
0x43: {  	_ =	shalt  }
0x44: {  	_ =	shalt  }
0x45: {  	_ =	shalt  }
0x46: {  	_ =	shalt  }
0x47: {  	_ =	shalt  }
0x48: {  	_ =	shalt  }
0x49: {  	_ =	shalt  }
0x4a: {  	_ =	shalt  }
0x4b: {  	_ =	shalt  }
0x4c: {  	_ =	shalt  }
0x4d: {  	_ =	shalt  }
0x4e: {  	_ =	shalt  }
0x4f: {  	_ =	shalt  }
0x50: {  	_ =	shalt  }
0x51: {  	_ =	shalt  }
0x52: {  	_ =	shalt  }
0x53: {  	_ =	shalt  }
0x54: {  	_ =	shalt  }
0x55: {  	_ =	shalt  }
0x56: {  	_ =	shalt  }
0x57: {  	_ =	shalt  }
0x58: {  	_ =	shalt  }
0x59: {  	_ =	shalt  }
0x5a: {  	_ =	shalt  }
0x5b: {  	_ =	shalt  }
0x5c: {  	_ =	shalt  }
0x5d: {  	_ =	shalt  }
0x5e: {  	_ =	shalt  }
0x5f: {  	_ =	shalt  }
0x60: {  	_ =	shalt  }
0x61: {  	_ =	shalt  }
0x62: {  	_ =	shalt  }
0x63: {  	_ =	shalt  }
0x64: {  	_ =	shalt  }
0x65: {  	_ =	shalt  }
0x66: {  	_ =	shalt  }
0x67: {  	_ =	shalt  }
0x68: {  	_ =	shalt  }
0x69: {  	_ =	shalt  }
0x6a: {  	_ =	shalt  }
0x6b: {  	_ =	shalt  }
0x6c: {  	_ =	shalt  }
0x6d: {  	_ =	shalt  }
0x6e: {  	_ =	shalt  }
0x6f: {  	_ =	shalt  }
0x70: {  	_ =	shalt  }
0x71: {  	_ =	shalt  }
0x72: {  	_ =	shalt  }
0x73: {  	_ =	shalt  }
0x74: {  	_ =	shalt  }
0x75: {  	_ =	shalt  }
0x76: {  	_ =	shalt  }
0x77: {  	_ =	shalt  }
0x78: {  	_ =	shalt  }
0x79: {  	_ =	shalt  }
0x7a: {  	_ =	shalt  }
0x7b: {  	_ =	shalt  }
0x7c: {  	_ =	shalt  }
0x7d: {  	_ =	shalt  }
0x7e: {  	_ =	shalt  }
0x7f: {  	_ =	shalt  }
0x80: {  	_ =	shalt  }
0x81: {  	_ =	shalt  }
0x82: {  	_ =	shalt  }
0x83: {  	_ =	shalt  }
0x84: {  	_ =	shalt  }
0x85: {  	_ =	shalt  }
0x86: {  	_ =	shalt  }
0x87: {  	_ =	shalt  }
.Lfunc_end0:
.L_simem_size_0:
called_computation.2_lowered:
.L_overlay_start_0:
0x88: {  	s2 =	sld [smem:$0x3FD9]  }
0x89: {  	s3 =	sld [smem:$0x3FFE];
	_ =	sdelay $0x1  }
0x8a: {  	s1 =	srdreg.scid  }
0x8b: {  	s0 =	sand.u32 $0x1, s1  }
0x8c: {  	s17 =	sshll.u32 s0, $0xA;
	s2 =	sadd.s32 s3, s2  }
0x8d: {  	s2 =	sadd.s32 s2, s17  }
0x8e: {  	[smem:$0x3FC0] =	sst s2  }
0x8f: {  	_ = 	snop  }
0x90: {  	s2 =	sld [smem:$0x3FD0];
	(tm) =	ssettm $0x1  }
0x91: {  	s18 =	sld [smem:$0x3FFB];
	_ =	sdelay $0x3  }
0x92: {  	_ =	strace s18  }
0x93: {  	s3 =	sld [smem:$0x3FFC];
	_ =	sdelay $0x3  }
0x94: {  	_ =	strace s3  }
0x95: {  	s3 =	sld [smem:$0x3FFD];
	_ =	sdelay $0x3  }
0x96: {  	_ =	strace s3  }
0x97: {  	_ =	strace $0x8FFFFFFF  }
0x98: {  	s19 =	sld [smem:$0x3FDB];
	_ =	sdelay $0x1  }
0x99: {  	s4 =	simm.s32 $_scs_section_size  }
0x9a: {  	s5 =	simm.s32 $_size__tile_overlayer_lowered;
	s6 =	simm.s32 $_tile_overlayer_lowered  }
0x9b: {  	s22 =	simm.s32 $0x1BFF;
	s21 =	sshll.u32 s6, $0x1;
	s3 =	sadd.s32 s4, s19  }
0x9c: {  	s7 =	simm.s32 $0x0;
	s20 =	sshll.u32 s5, $0x1;
	s5 =	sadd.s32 s21, s3  }
0x9d: {  	[timem:s7], [sflag:s22] =	dma.local [hbm:s5], s20  }
0x9e: {  	_ =	swait.ge [sflag:s22], s20  }
0x9f: {  	s4 =	ssub.s32 $0x0, s20;
	[sflag:s22] =	ssyncset.done $0x0  }
0xa0: {  	[sflag:s22] =	ssyncadd.s32 s4;
	_ =	sdelay $0x1  }
0xa1: {  	s23 =	simm.s32 $0x1B8B  }
0xa2: {  	_ =	swait.ge [sflag:s23], $0x1  }
0xa3: {  	[sflag:s23] =	ssyncset.done $0x0  }
0xa4: {  	s25 =	simm.s32 $0x1B8E;
	s24 =	sld [smem:$0x3FFE];
	[sflag:s23] =	ssyncadd.s32 $0xFFFFFFFF  }
0xa5: {  	s26 =	simm.s32 $execute0_lowered;
	[smem:$0x3FD2] =	sst s25  }
0xa6: {  	s5 =	sshll.u32 s26, $0x1;
	_ =	strace $0x8000004C;
	[dreg:$0x1] =	wrdreg $0xFFFFFFFF  }
0xa7: {  	s28 =	simm.s32 $_size_execute0_lowered;
	s3 =	sadd.s32 s3, s5;
	[dreg:$0x0] =	wrdreg $0x0  }
0xa8: {  	s5 =	sshll.u32 s28, $0x1;
	[dreg:$0x2] =	wrdreg s3  }
0xa9: {  	[dreg:$0x3] =	wrdreg s5  }
0xaa: {  	[dreg:$0x4] =	wrdreg $0xC0  }
0xab: {  	_ =	task [dreg:s7], $0x5FFFF  }
0xac: {  	[dreg:$0x1] =	wrdreg $0xFFFFFFFF  }
0xad: {  	[dreg:$0x0] =	wrdreg $0x60  }
0xae: {  	[dreg:$0x2] =	wrdreg s24  }
0xaf: {  	[dreg:$0x3] =	wrdreg s2  }
0xb0: {  	[dreg:$0x4] =	wrdreg $0x8F000  }
0xb1: {  	[dreg:$0x5] =	wrdreg $0x9  }
0xb2: {  	_ =	task.clear_ibuf [dreg:s7], $0x6FFFF;
	_ =	strace $0x9000004C  }
0xb3: {  	s29 =	simm.s32 $0x9;
	_ =	strace $0x8000004E  }
0xb4: {  	_ =	swait.ge [sflag:s29], $0x1  }
0xb5: {  	[sflag:s29] =	ssyncadd.s32 $0xFFFFFFFF  }
0xb6: {  	_ =	strace $0x9000004E  }
0xb7: {  	_ =	sfence  }
0xb8: {  	s30 =	sld [smem:$0x0];
	_ =	sdelay $0x2  }
0xb9: {  	s31 =	sshll.u32 s1, $0xD;
	s1 =	sshrl.u32 s1, $0x2  }
0xba: {  	s3 =	sand.u32 $0x4000, s31;
	s1 =	sadd.s32 s1, s30  }
0xbb: {  	s0 =	sor.u32 s3, s0;
	s1 =	sshll.u32 s1, $0x11  }
0xbc: {  	s0 =	sor.u32 s1, s0  }
0xbd: {  	s0 =	sadd.s32 $0x8F2B, s0  }
0xbe: {  	[sflag:s0] =	ssyncadd.remote.s32 $0x1  }
0xbf: {  	_ =	sfence.sel $0xFFFF  }
0xc0: {  	[dreg:$0x0] =	wrdreg $0xFFFFFFFF;
	(pc) =	sbr.abs _section_cstart, $3  }
0xc1: {  	[dreg:$0x1] =	wrdreg $0xFFFFFFFF  }
0xc2: {  	_ =	task.clear_ibuf [dreg:s7], $0x2FFFF;
	_ =	strace $0x9FFFFFFF  }
0xc3: {  	(tm) =	ssettm $0x7FFFFFFF  }
tec
execute0_lowered:
.L_overlay_start_1:
0x0: {  	(tag) =	ssettag $0x1  }
0x1: {  	s5 =	rddreg [dreg:$0x0]  }
0x2: {  	s6 =	rddreg [dreg:$0x1]  }
0x3: {  	s2 =	rddreg [dreg:$0x2]  }
0x4: {  	s0 =	rddreg [dreg:$0x3];
	s4 =	srdreg.scid  }
0x5: {  	s1 =	stileid.u32;
	s3 =	simm.s32 $0x0;
	s14 =	simm.s32 $0x80  }
0x6: {  	s15 =	simm.s32 $0x4F00;
	s16 =	simm.s32 $0x0;
	s4 =	sand.u32 $0x1, s4  }
0x7: {  	s7 =	smul.u32 $0x14000, s1;
	[smem:$0x7FF] =	sst s3;
	s8 =	sshll.u32 s1, $0x1  }
0x8: {  	s31 =	sshll.u32 s1, $0x6;
	s9 =	smul.u32 $0x140000, s4;
	_ =	strace $0x8000004D  }
0x9: {  	s8 =	sor.u32 s4, s8;
	s10 =	ssub.s32 $0x2, s4;
	s4 =	sadd.s32 $0x4600, s5  }
0xa: {  	s8 =	smul.u32 $0x4F0, s8;
	s11 =	sshrl.u32 s10, $0x1;
	s30 =	sshrl.u32 s7, $0x3  }
0xb: {  	s13 =	sadd.s32 s7, s2;
	s9 =	sadd.s32 s7, s9;
	s10 =	ssub.s32 s10, s11  }
0xc: {  	s7 =	sadd.s32 s4, s30;
	s11 =	simm.s32 $0x2780;
	s13 =	sshrl.u32 s13, $0x3  }
0xd: {  	s9 =	sshrl.u32 s9, $0x3;
	s12 =	sadd.s32 s8, s5;
	s6 =	sadd.s32 s6, s8  }
0xe: {  	s9 =	sadd.s32 s9, s5;
	s5 =	sadd.s32 $0x7CE00, s12;
	s12 =	sor.u32 $0x1C01, s31  }
0xf: {  	s8 =	sadd.s32 $0x86C00, s9;
	s9 =	smax.u32 s10, $0x1;
	s10 =	simm.s32 $0x1  }
.LBB2_1:
0x10: {  	[tilespmem:s3], [sflag:$0x1] =	stream.linear.gather [hbm4b:s5+s3], $0x2780, $0x38;
	[tilespmem:$0x1CF00] =	vst v63  }
0x11: {  	_ =	swait.ge [sflag:s10], $0x2780  }
0x12: {  	[sflag:s10] =	ssyncset.done $0x0  }
0x13: {  	[sflag:s10] =	ssyncadd.s32 $0xFFFFD880  }
0x14: {  	[tilespmem:s11], [sflag:$0x1] =	stream.linear.gather [hbm4b:s6+s3], $0x2780, $0x38;
	[tilespmem:$0x1CF00] =	vst v63  }
0x15: {  	_ =	swait.ge [sflag:s10], $0x2780  }
0x16: {  	[sflag:s10] =	ssyncset.done $0x0  }
0x17: {  	[sflag:s10] =	ssyncadd.s32 $0xFFFFD880  }
0x18: {  	[spmem:s13], [sflag:s12] =	dma.local [hbm:s7], $0x2800  }
0x19: {  	_ =	swait.ge [sflag:s10], $0x2800  }
0x1a: {  	[sflag:s10] =	ssyncset.done $0x0  }
0x1b: {  	[sflag:s10] =	ssyncadd.s32 $0xFFFFD800  }
0x1c: {  	s17 =	simm.s32 $0x0;
	[bflag:$0x0] =	sbarrier.arrive $0xFFFF  }
0x1d: {  	[tilespmem:s15], [sflag:$0x1] =	stream.indirect.gather [hbm4b:s4+s14], $0x80, s17, s14, $0xb8;
	[tilespmem:$0x1CF00] =	vst v63  }
0x1e: {  	_ =	swait.ge [sflag:s10], $0x4000  }
0x1f: {  	[sflag:s10] =	ssyncset.done $0x0  }
0x20: {  	s31 =	simm.s32 $0x2780;
	[sflag:s10] =	ssyncadd.s32 $0xFFFFC000  }
0x21: {  	[spmem:s2] =	stream.indirect.scatter.add.f32 [tilespmem:s15], [sflag:$0x1], $0x80, s31, s14, $0xb8;
	[tilespmem:$0x1CF00] =	vst v63  }
0x22: {  	_ =	swait.ge [sflag:s10], $0x4000  }
0x23: {  	s18 =	simm.s32 $0x400;
	s17 =	simm.s32 $0x200;
	[sflag:s10] =	ssyncset.done $0x0  }
.LBB2_2:
0x24: {  	s19 =	sshra.s32 s17, $0x2  }
0x25: {  	[sflag:s10] =	ssyncadd.s32 $0xFFFFC000;
	s17 =	smov.u32 s18;
	s20 =	sadd.s32 $0x200, s18  }
0x26: {  	[tilespmem:s15], [sflag:$0x1] =	stream.indirect.gather [hbm4b:s4+s14], $0x80, s19, s14, $0xb8;
	[tilespmem:$0x1CF00] =	vst v63  }
0x27: {  	p0 =	sne.s32 s18, $0x9C00;
	_ =	swait.ge [sflag:s10], $0x4000  }
.Ltmp0:
0x28: {  	[sflag:s10] =	ssyncset.done $0x0;
	(pc) =	sbr.rel @p0 .LBB2_2-.Ltmp0, $4  }
0x29: {  	s18 =	sadd.s32 $0x2780, s19;
	[sflag:s10] =	ssyncadd.s32 $0xFFFFC000  }
0x2a: {  	[spmem:s2] =	stream.indirect.scatter.add.f32 [tilespmem:s15], [sflag:$0x1], $0x80, s18, s14, $0xb8;
	[tilespmem:$0x1CF00] =	vst v63  }
0x2b: {  	_ =	swait.ge [sflag:s10], $0x4000  }
0x2c: {  	s18 =	smov.u32 s20;
	[sflag:s10] =	ssyncset.done $0x0  }
0x2d: {  	s17 =	sshra.s32 s17, $0x2;
	[sflag:s10] =	ssyncadd.s32 $0xFFFFC000  }
0x2e: {  	[tilespmem:s15], [sflag:$0x1] =	stream.indirect.gather [hbm4b:s4+s14], $0x80, s17, s14, $0xb8;
	[tilespmem:$0x1CF00] =	vst v63  }
0x2f: {  	_ =	swait.ge [sflag:s10], $0x4000  }
0x30: {  	[sflag:s10] =	ssyncset.done $0x0  }
0x31: {  	s17 =	sadd.s32 $0x2780, s17;
	[sflag:s10] =	ssyncadd.s32 $0xFFFFC000  }
0x32: {  	[spmem:s2] =	stream.indirect.scatter.add.f32 [tilespmem:s15], [sflag:$0x1], $0x80, s17, s14, $0xb8;
	[tilespmem:$0x1CF00] =	vst v63  }
0x33: {  	_ =	swait.ge [sflag:s10], $0x4000  }
0x34: {  	s16 =	sadd.s32 $0x1, s16;
	[sflag:s10] =	ssyncset.done $0x0  }
0x35: {  	p0 =	sne.s32 s16, s9;
	[sflag:s10] =	ssyncadd.s32 $0xFFFFC000  }
.Ltmp1:
0x36: {  	[bflag:$0x0] =	sbarrier.arrive $0xFFFF;
	(pc) =	sbr.rel @p0 .LBB2_1-.Ltmp1, $4  }
0x37: {  	[hbm:s8], [sflag:s12] =	dma.local [spmem:s13], $0x2800  }
0x38: {  	_ =	swait.ge [sflag:s10], $0x2800  }
0x39: {  	[sflag:s10] =	ssyncset.done $0x0  }
0x3a: {  	[sflag:s10] =	ssyncadd.s32 $0xFFFFD800  }
0x3b: {  	_ =	sfence.sel $0x180000  }
0x3c: {  	[bflag:$0x0] =	sbarrier.arrive $0xFFFF  }
0x3d: {  	p0 =	sne.s32 s1, $0x0;
	_ =	strace $0x9000004D  }
0x3e: {  	s0 =	sadd.s32 @!p0 $0x100000, s0;
	[bflag:$0x2] =	sbarrier.arrive $0xFFFF  }
0x3f: {  	[sflag:s0] =	ssyncadd.tile.s32 @!p0 $0x1;
	_ =	shalt  }
.Lfunc_end2:
_tile_overlayer_lowered:
.L_overlay_start_2:
0x40: {  	(tag) =	ssettag $0x2  }
0x41: {  	s0 =	rddreg [dreg:$0x0];
	s2 =	stileid.u32  }
0x42: {  	s1 =	rddreg [dreg:$0x1];
	p0 =	sne.s32 s2, $0x0  }
0x43: {  	s3 =	rddreg [dreg:$0x2];
	[bflag:$0x3] =	sbarrier.arrive $0xFFFF;
	s2 =	simm.s32 @!p0 $0x1C01  }
0x44: {  	[timem:s3], [sflag:s2] =	dma.local @!p0 [hbm:s0], s1  }
0x45: {  	s0 =	simm.s32 @!p0 $0x1  }
0x46: {  	_ =	swait.ge @!p0 [sflag:s0], s1  }
0x47: {  	s1 =	ssub.s32 @!p0 $0x0, s1;
	[sflag:s0] =	ssyncset.done @!p0 $0x0  }
0x48: {  	[sflag:s0] =	ssyncadd.s32 @!p0 s1  }
0x49: {  	[bflag:$0x3] =	sbarrier.arrive $0xFFFF  }
0x4a: {  	_ =	shalt  }

// kernel: kernel.20.cloned.1.call-start
scs
__scs_entry_jumppad:
0x0: {  	(pc) =	sbr.rel $0x88, $3  }
0x1: {  	(tag) =	ssettag $0x0;
	lr =	simm.s32 $0x1  }
0x2: {  	[smem:$0x3F99] =	sst lr;
	_ =	strace $0xD0000000  }
0x3: {  	_ = 	snop  }
0x4: {  	_ = 	snop  }
0x5: {  	_ = 	snop  }
0x6: {  	_ = 	snop  }
0x7: {  	_ = 	snop  }
__scs_overlays_trampoline_lowered:
0x8: {  	[smem:$0x3FA8] =	sst s0  }
0x9: {  	[smem:$0x3FA9] =	sst s1  }
0xa: {  	[smem:$0x3FAA] =	sst s2  }
0xb: {  	[smem:$0x3FAB] =	sst s3  }
0xc: {  	[smem:$0x3FAC] =	sst s4  }
0xd: {  	[smem:$0x3FAD] =	sst s5  }
0xe: {  	[smem:$0x3FAE] =	sst s6  }
0xf: {  	[smem:$0x3FAF] =	sst s7  }
0x10: {  	[smem:$0x3FB0] =	sst s8  }
0x11: {  	[smem:$0x3FB1] =	sst s9;
	s0 =	simm.s32 @!p0 $0x0  }
0x12: {  	s1 =	sld [smem:$0x3F97];
	s0 =	simm.s32 @p0 $0x1  }
0x13: {  	[smem:$0x3FB2] =	sst s0;
	s0 =	simm.s32 @!p1 $0x0  }
0x14: {  	s2 =	sld [smem:$0x3F96];
	s0 =	simm.s32 @p1 $0x1  }
0x15: {  	[smem:$0x3FB3] =	sst s0;
	s0 =	simm.s32 @!p2 $0x0  }
0x16: {  	s3 =	sld [smem:$0x3FDB];
	s0 =	simm.s32 @p2 $0x1  }
0x17: {  	s4 =	simm.s32 $0x1BF5;
	[smem:$0x3FB5] =	sst s0  }
0x18: {  	s0 =	sld [smem:$0x3F98];
	_ =	swait.ge [sflag:s4], $0x0  }
0x19: {  	s7 =	sld [smem:$0x3F99]  }
0x1a: {  	s8 =	sadd.s32 $0xFFFFE003, lr  }
0x1b: {  	s9 =	sadd.s32 $0xFFFFFEF7, lr;
	s5 =	simm.s32 $0xFFFFFFFF;
	p2 =	slt.u32 s8, $0xFFFFF086  }
0x1c: {  	p1 =	slt.u32 s9, $0xF7A;
	s5 =	simm.s32 @!p2 $0x0  }
0x1d: {  	s5 =	simm.s32 @p1 $0x1;
	p0 =	seq.s32 s7, s2  }
0x1e: {  	s7 =	smul.u32 @!p0 $0xF7A, s2;
	p2 =	seq.s32 @!p0 s5, $0x0  }
0x1f: {  	s9 =	smul.u32 $0xF7A, s1;
	s8 =	simm.s32 @!p0 $0x1BF5;
	p2 =	por !p2, p0  }
0x20: {  	[sflag:s8] =	ssyncset.s32 @!p0 $0xFFFFF086;
	s6 =	sadd.s32 @!p0 s3, s7;
	s7 =	simm.s32 @!p0 $0x108  }
0x21: {  	s3 =	sadd.s32 s3, s9;
	s6 =	sadd.s32 @!p0 $0x88, s6;
	s7 =	simm.s32 @p2 $0x1082  }
0x22: {  	[simem:s7], [sflag:s8] =	dma.local @!p0 [hbm:s6], $0xF7A  }
0x23: {  	s9 =	sor.u32 $0xD0000000, s2;
	s6 =	simm.s32 $0x108;
	_ =	swait.ge @!p0 [sflag:s8], $0x0  }
0x24: {  	s3 =	sadd.s32 $0x88, s3;
	s6 =	simm.s32 @!p1 $0x1082;
	[sflag:s4] =	ssyncset.s32 $0xFFFFF086  }
0x25: {  	[simem:s6], [sflag:s4] =	dma.local [hbm:s3], $0xF7A  }
0x26: {  	[smem:$0x3F99] =	sst s1;
	(tag) =	ssettag s2;
	_ =	strace s9  }
0x27: {  	s1 =	sld [smem:$0x3FA9]  }
0x28: {  	s2 =	sld [smem:$0x3FAA]  }
0x29: {  	s4 =	sld [smem:$0x3FAC]  }
0x2a: {  	p0 =	seq.s32 s5, $0x0;
	s5 =	sld [smem:$0x3FAD]  }
0x2b: {  	s6 =	sld [smem:$0x3FAE]  }
0x2c: {  	s7 =	sld [smem:$0x3FAF]  }
0x2d: {  	s3 =	simm.s32 $0x108;
	s8 =	sld [smem:$0x3FB0]  }
0x2e: {  	s3 =	simm.s32 @!p0 $0x1082;
	s9 =	sld [smem:$0x3FB1]  }
0x2f: {  	lr =	sadd.s32 s0, s3;
	s0 =	sld [smem:$0x3FA8]  }
0x30: {  	s3 =	sld [smem:$0x3FAB]  }
0x31: {  	[smem:$0x3FB4] =	sst s10  }
0x32: {  	s10 =	sld [smem:$0x3FB2];
	_ =	sdelay $0x3  }
0x33: {  	p0 =	seq.s32 s10, $0x1;
	s10 =	sld [smem:$0x3FB4];
	_ =	sdelay $0x3  }
0x34: {  	[smem:$0x3FB4] =	sst s10  }
0x35: {  	s10 =	sld [smem:$0x3FB3];
	_ =	sdelay $0x3  }
0x36: {  	p1 =	seq.s32 s10, $0x1;
	s10 =	sld [smem:$0x3FB4];
	_ =	sdelay $0x3  }
0x37: {  	[smem:$0x3FB4] =	sst s10  }
0x38: {  	s10 =	sld [smem:$0x3FB5]  }
0x39: {  	_ = 	snop;
	(pc) =	sbr.ind lr, $3  }
0x3a: {  	_ = 	snop  }
0x3b: {  	_ = 	snop  }
0x3c: {  	p2 =	seq.s32 s10, $0x1;
	s10 =	sld [smem:$0x3FB4]  }
0x3d: {  	_ =	shalt  }
0x3e: {  	_ =	shalt  }
0x3f: {  	_ =	shalt  }
0x40: {  	_ =	shalt  }
0x41: {  	_ =	shalt  }
0x42: {  	_ =	shalt  }
0x43: {  	_ =	shalt  }
0x44: {  	_ =	shalt  }
0x45: {  	_ =	shalt  }
0x46: {  	_ =	shalt  }
0x47: {  	_ =	shalt  }
0x48: {  	_ =	shalt  }
0x49: {  	_ =	shalt  }
0x4a: {  	_ =	shalt  }
0x4b: {  	_ =	shalt  }
0x4c: {  	_ =	shalt  }
0x4d: {  	_ =	shalt  }
0x4e: {  	_ =	shalt  }
0x4f: {  	_ =	shalt  }
0x50: {  	_ =	shalt  }
0x51: {  	_ =	shalt  }
0x52: {  	_ =	shalt  }
0x53: {  	_ =	shalt  }
0x54: {  	_ =	shalt  }
0x55: {  	_ =	shalt  }
0x56: {  	_ =	shalt  }
0x57: {  	_ =	shalt  }
0x58: {  	_ =	shalt  }
0x59: {  	_ =	shalt  }
0x5a: {  	_ =	shalt  }
0x5b: {  	_ =	shalt  }
0x5c: {  	_ =	shalt  }
0x5d: {  	_ =	shalt  }
0x5e: {  	_ =	shalt  }
0x5f: {  	_ =	shalt  }
0x60: {  	_ =	shalt  }
0x61: {  	_ =	shalt  }
0x62: {  	_ =	shalt  }
0x63: {  	_ =	shalt  }
0x64: {  	_ =	shalt  }
0x65: {  	_ =	shalt  }
0x66: {  	_ =	shalt  }
0x67: {  	_ =	shalt  }
0x68: {  	_ =	shalt  }
0x69: {  	_ =	shalt  }
0x6a: {  	_ =	shalt  }
0x6b: {  	_ =	shalt  }
0x6c: {  	_ =	shalt  }
0x6d: {  	_ =	shalt  }
0x6e: {  	_ =	shalt  }
0x6f: {  	_ =	shalt  }
0x70: {  	_ =	shalt  }
0x71: {  	_ =	shalt  }
0x72: {  	_ =	shalt  }
0x73: {  	_ =	shalt  }
0x74: {  	_ =	shalt  }
0x75: {  	_ =	shalt  }
0x76: {  	_ =	shalt  }
0x77: {  	_ =	shalt  }
0x78: {  	_ =	shalt  }
0x79: {  	_ =	shalt  }
0x7a: {  	_ =	shalt  }
0x7b: {  	_ =	shalt  }
0x7c: {  	_ =	shalt  }
0x7d: {  	_ =	shalt  }
0x7e: {  	_ =	shalt  }
0x7f: {  	_ =	shalt  }
0x80: {  	_ =	shalt  }
0x81: {  	_ =	shalt  }
0x82: {  	_ =	shalt  }
0x83: {  	_ =	shalt  }
0x84: {  	_ =	shalt  }
0x85: {  	_ =	shalt  }
0x86: {  	_ =	shalt  }
0x87: {  	_ =	shalt  }
.Lfunc_end0:
.L_simem_size_0:
called_computation.3_lowered:
.L_overlay_start_0:
0x88: {  	s2 =	sld [smem:$0x3FD9]  }
0x89: {  	s3 =	sld [smem:$0x3FFE];
	_ =	sdelay $0x1  }
0x8a: {  	s1 =	srdreg.scid  }
0x8b: {  	s0 =	sand.u32 $0x1, s1  }
0x8c: {  	s17 =	sshll.u32 s0, $0xA;
	s2 =	sadd.s32 s3, s2  }
0x8d: {  	s2 =	sadd.s32 s2, s17  }
0x8e: {  	[smem:$0x3FC0] =	sst s2  }
0x8f: {  	_ = 	snop  }
0x90: {  	s2 =	sld [smem:$0x3FD0];
	(tm) =	ssettm $0x1  }
0x91: {  	s18 =	sld [smem:$0x3FFB];
	_ =	sdelay $0x3  }
0x92: {  	_ =	strace s18  }
0x93: {  	s3 =	sld [smem:$0x3FFC];
	_ =	sdelay $0x3  }
0x94: {  	_ =	strace s3  }
0x95: {  	s3 =	sld [smem:$0x3FFD];
	_ =	sdelay $0x3  }
0x96: {  	_ =	strace s3  }
0x97: {  	_ =	strace $0x8FFFFFFF  }
0x98: {  	s19 =	sld [smem:$0x3FDB];
	_ =	sdelay $0x1  }
0x99: {  	s4 =	simm.s32 $_scs_section_size  }
0x9a: {  	s5 =	simm.s32 $_size__tile_overlayer_lowered;
	s6 =	simm.s32 $_tile_overlayer_lowered  }
0x9b: {  	s22 =	simm.s32 $0x1BFF;
	s21 =	sshll.u32 s6, $0x1;
	s3 =	sadd.s32 s4, s19  }
0x9c: {  	s7 =	simm.s32 $0x0;
	s20 =	sshll.u32 s5, $0x1;
	s5 =	sadd.s32 s21, s3  }
0x9d: {  	[timem:s7], [sflag:s22] =	dma.local [hbm:s5], s20  }
0x9e: {  	_ =	swait.ge [sflag:s22], s20  }
0x9f: {  	s4 =	ssub.s32 $0x0, s20;
	[sflag:s22] =	ssyncset.done $0x0  }
0xa0: {  	[sflag:s22] =	ssyncadd.s32 s4;
	_ =	sdelay $0x1  }
0xa1: {  	s23 =	simm.s32 $0x1B8B  }
0xa2: {  	_ =	swait.ge [sflag:s23], $0x1  }
0xa3: {  	[sflag:s23] =	ssyncset.done $0x0  }
0xa4: {  	s25 =	simm.s32 $0x1B8E;
	s24 =	sld [smem:$0x3FFE];
	[sflag:s23] =	ssyncadd.s32 $0xFFFFFFFF  }
0xa5: {  	s26 =	simm.s32 $execute0_lowered;
	[smem:$0x3FD2] =	sst s25  }
0xa6: {  	s5 =	sshll.u32 s26, $0x1;
	_ =	strace $0x8000004F;
	[dreg:$0x1] =	wrdreg $0xFFFFFFFF  }
0xa7: {  	s28 =	simm.s32 $_size_execute0_lowered;
	s3 =	sadd.s32 s3, s5;
	[dreg:$0x0] =	wrdreg $0x0  }
0xa8: {  	s5 =	sshll.u32 s28, $0x1;
	[dreg:$0x2] =	wrdreg s3  }
0xa9: {  	[dreg:$0x3] =	wrdreg s5  }
0xaa: {  	[dreg:$0x4] =	wrdreg $0xC0  }
0xab: {  	_ =	task [dreg:s7], $0x5FFFF  }
0xac: {  	[dreg:$0x1] =	wrdreg $0xFFFFFFFF  }
0xad: {  	[dreg:$0x0] =	wrdreg $0x60  }
0xae: {  	[dreg:$0x2] =	wrdreg s24  }
0xaf: {  	[dreg:$0x3] =	wrdreg s2  }
0xb0: {  	[dreg:$0x4] =	wrdreg $0x8F000  }
0xb1: {  	[dreg:$0x5] =	wrdreg $0x9  }
0xb2: {  	_ =	task.clear_ibuf [dreg:s7], $0x6FFFF;
	_ =	strace $0x9000004F  }
0xb3: {  	s29 =	simm.s32 $0x9;
	_ =	strace $0x80000051  }
0xb4: {  	_ =	swait.ge [sflag:s29], $0x1  }
0xb5: {  	[sflag:s29] =	ssyncadd.s32 $0xFFFFFFFF  }
0xb6: {  	_ =	strace $0x90000051  }
0xb7: {  	_ =	sfence  }
0xb8: {  	s30 =	sld [smem:$0x0];
	_ =	sdelay $0x2  }
0xb9: {  	s31 =	sshll.u32 s1, $0xD;
	s1 =	sshrl.u32 s1, $0x2  }
0xba: {  	s3 =	sand.u32 $0x4000, s31;
	s1 =	sadd.s32 s1, s30  }
0xbb: {  	s0 =	sor.u32 s3, s0;
	s1 =	sshll.u32 s1, $0x11  }
0xbc: {  	s0 =	sor.u32 s1, s0  }
0xbd: {  	s0 =	sadd.s32 $0x8F2B, s0  }
0xbe: {  	[sflag:s0] =	ssyncadd.remote.s32 $0x1  }
0xbf: {  	_ =	sfence.sel $0xFFFF  }
0xc0: {  	[dreg:$0x0] =	wrdreg $0xFFFFFFFF;
	(pc) =	sbr.abs _section_cstart, $3  }
0xc1: {  	[dreg:$0x1] =	wrdreg $0xFFFFFFFF  }
0xc2: {  	_ =	task.clear_ibuf [dreg:s7], $0x2FFFF;
	_ =	strace $0x9FFFFFFF  }
0xc3: {  	(tm) =	ssettm $0x7FFFFFFF  }
tec
execute0_lowered:
.L_overlay_start_1:
0x0: {  	(tag) =	ssettag $0x1  }
0x1: {  	s5 =	rddreg [dreg:$0x0]  }
0x2: {  	s6 =	rddreg [dreg:$0x1]  }
0x3: {  	s2 =	rddreg [dreg:$0x2]  }
0x4: {  	s0 =	rddreg [dreg:$0x3];
	s4 =	srdreg.scid  }
0x5: {  	s1 =	stileid.u32;
	s3 =	simm.s32 $0x0;
	s14 =	simm.s32 $0x80  }
0x6: {  	s15 =	simm.s32 $0x4F00;
	s16 =	simm.s32 $0x0;
	s4 =	sand.u32 $0x1, s4  }
0x7: {  	s7 =	smul.u32 $0x14000, s1;
	[smem:$0x7FF] =	sst s3;
	s8 =	sshll.u32 s1, $0x1  }
0x8: {  	s31 =	sshll.u32 s1, $0x6;
	s9 =	smul.u32 $0x140000, s4;
	_ =	strace $0x80000050  }
0x9: {  	s8 =	sor.u32 s4, s8;
	s10 =	ssub.s32 $0x2, s4;
	s4 =	sadd.s32 $0x4600, s5  }
0xa: {  	s8 =	smul.u32 $0x4F0, s8;
	s11 =	sshrl.u32 s10, $0x1;
	s30 =	sshrl.u32 s7, $0x3  }
0xb: {  	s13 =	sadd.s32 s7, s2;
	s9 =	sadd.s32 s7, s9;
	s10 =	ssub.s32 s10, s11  }
0xc: {  	s7 =	sadd.s32 s4, s30;
	s11 =	simm.s32 $0x2780;
	s13 =	sshrl.u32 s13, $0x3  }
0xd: {  	s9 =	sshrl.u32 s9, $0x3;
	s12 =	sadd.s32 s8, s5;
	s6 =	sadd.s32 s6, s8  }
0xe: {  	s9 =	sadd.s32 s9, s5;
	s5 =	sadd.s32 $0x7CE00, s12;
	s12 =	sor.u32 $0x1C01, s31  }
0xf: {  	s8 =	sadd.s32 $0x86C00, s9;
	s9 =	smax.u32 s10, $0x1;
	s10 =	simm.s32 $0x1  }
.LBB2_1:
0x10: {  	[tilespmem:s3], [sflag:$0x1] =	stream.linear.gather [hbm4b:s5+s3], $0x2780, $0x38;
	[tilespmem:$0x1CF00] =	vst v63  }
0x11: {  	_ =	swait.ge [sflag:s10], $0x2780  }
0x12: {  	[sflag:s10] =	ssyncset.done $0x0  }
0x13: {  	[sflag:s10] =	ssyncadd.s32 $0xFFFFD880  }
0x14: {  	[tilespmem:s11], [sflag:$0x1] =	stream.linear.gather [hbm4b:s6+s3], $0x2780, $0x38;
	[tilespmem:$0x1CF00] =	vst v63  }
0x15: {  	_ =	swait.ge [sflag:s10], $0x2780  }
0x16: {  	[sflag:s10] =	ssyncset.done $0x0  }
0x17: {  	[sflag:s10] =	ssyncadd.s32 $0xFFFFD880  }
0x18: {  	[spmem:s13], [sflag:s12] =	dma.local [hbm:s7], $0x2800  }
0x19: {  	_ =	swait.ge [sflag:s10], $0x2800  }
0x1a: {  	[sflag:s10] =	ssyncset.done $0x0  }
0x1b: {  	[sflag:s10] =	ssyncadd.s32 $0xFFFFD800  }
0x1c: {  	s17 =	simm.s32 $0x0;
	[bflag:$0x0] =	sbarrier.arrive $0xFFFF  }
0x1d: {  	[tilespmem:s15], [sflag:$0x1] =	stream.indirect.gather [hbm4b:s4+s14], $0x80, s17, s14, $0xb8;
	[tilespmem:$0x1CF00] =	vst v63  }
0x1e: {  	_ =	swait.ge [sflag:s10], $0x4000  }
0x1f: {  	[sflag:s10] =	ssyncset.done $0x0  }
0x20: {  	s31 =	simm.s32 $0x2780;
	[sflag:s10] =	ssyncadd.s32 $0xFFFFC000  }
0x21: {  	[spmem:s2] =	stream.indirect.scatter.add.f32 [tilespmem:s15], [sflag:$0x1], $0x80, s31, s14, $0xb8;
	[tilespmem:$0x1CF00] =	vst v63  }
0x22: {  	_ =	swait.ge [sflag:s10], $0x4000  }
0x23: {  	s18 =	simm.s32 $0x400;
	s17 =	simm.s32 $0x200;
	[sflag:s10] =	ssyncset.done $0x0  }
.LBB2_2:
0x24: {  	s19 =	sshra.s32 s17, $0x2  }
0x25: {  	[sflag:s10] =	ssyncadd.s32 $0xFFFFC000;
	s17 =	smov.u32 s18;
	s20 =	sadd.s32 $0x200, s18  }
0x26: {  	[tilespmem:s15], [sflag:$0x1] =	stream.indirect.gather [hbm4b:s4+s14], $0x80, s19, s14, $0xb8;
	[tilespmem:$0x1CF00] =	vst v63  }
0x27: {  	p0 =	sne.s32 s18, $0x9C00;
	_ =	swait.ge [sflag:s10], $0x4000  }
.Ltmp0:
0x28: {  	[sflag:s10] =	ssyncset.done $0x0;
	(pc) =	sbr.rel @p0 .LBB2_2-.Ltmp0, $4  }
0x29: {  	s18 =	sadd.s32 $0x2780, s19;
	[sflag:s10] =	ssyncadd.s32 $0xFFFFC000  }
0x2a: {  	[spmem:s2] =	stream.indirect.scatter.add.f32 [tilespmem:s15], [sflag:$0x1], $0x80, s18, s14, $0xb8;
	[tilespmem:$0x1CF00] =	vst v63  }
0x2b: {  	_ =	swait.ge [sflag:s10], $0x4000  }
0x2c: {  	s18 =	smov.u32 s20;
	[sflag:s10] =	ssyncset.done $0x0  }
0x2d: {  	s17 =	sshra.s32 s17, $0x2;
	[sflag:s10] =	ssyncadd.s32 $0xFFFFC000  }
0x2e: {  	[tilespmem:s15], [sflag:$0x1] =	stream.indirect.gather [hbm4b:s4+s14], $0x80, s17, s14, $0xb8;
	[tilespmem:$0x1CF00] =	vst v63  }
0x2f: {  	_ =	swait.ge [sflag:s10], $0x4000  }
0x30: {  	[sflag:s10] =	ssyncset.done $0x0  }
0x31: {  	s17 =	sadd.s32 $0x2780, s17;
	[sflag:s10] =	ssyncadd.s32 $0xFFFFC000  }
0x32: {  	[spmem:s2] =	stream.indirect.scatter.add.f32 [tilespmem:s15], [sflag:$0x1], $0x80, s17, s14, $0xb8;
	[tilespmem:$0x1CF00] =	vst v63  }
0x33: {  	_ =	swait.ge [sflag:s10], $0x4000  }
0x34: {  	s16 =	sadd.s32 $0x1, s16;
	[sflag:s10] =	ssyncset.done $0x0  }
0x35: {  	p0 =	sne.s32 s16, s9;
	[sflag:s10] =	ssyncadd.s32 $0xFFFFC000  }
.Ltmp1:
0x36: {  	[bflag:$0x0] =	sbarrier.arrive $0xFFFF;
	(pc) =	sbr.rel @p0 .LBB2_1-.Ltmp1, $4  }
0x37: {  	[hbm:s8], [sflag:s12] =	dma.local [spmem:s13], $0x2800  }
0x38: {  	_ =	swait.ge [sflag:s10], $0x2800  }
0x39: {  	[sflag:s10] =	ssyncset.done $0x0  }
0x3a: {  	[sflag:s10] =	ssyncadd.s32 $0xFFFFD800  }
0x3b: {  	_ =	sfence.sel $0x180000  }
0x3c: {  	[bflag:$0x0] =	sbarrier.arrive $0xFFFF  }
0x3d: {  	p0 =	sne.s32 s1, $0x0;
	_ =	strace $0x90000050  }
0x3e: {  	s0 =	sadd.s32 @!p0 $0x100000, s0;
	[bflag:$0x2] =	sbarrier.arrive $0xFFFF  }
0x3f: {  	[sflag:s0] =	ssyncadd.tile.s32 @!p0 $0x1;
	_ =	shalt  }
.Lfunc_end2:
_tile_overlayer_lowered:
.L_overlay_start_2:
0x40: {  	(tag) =	ssettag $0x2  }
0x41: {  	s0 =	rddreg [dreg:$0x0];
	s2 =	stileid.u32  }
0x42: {  	s1 =	rddreg [dreg:$0x1];
	p0 =	sne.s32 s2, $0x0  }
0x43: {  	s3 =	rddreg [dreg:$0x2];
	[bflag:$0x3] =	sbarrier.arrive $0xFFFF;
	s2 =	simm.s32 @!p0 $0x1C01  }
0x44: {  	[timem:s3], [sflag:s2] =	dma.local @!p0 [hbm:s0], s1  }
0x45: {  	s0 =	simm.s32 @!p0 $0x1  }
0x46: {  	_ =	swait.ge @!p0 [sflag:s0], s1  }
0x47: {  	s1 =	ssub.s32 @!p0 $0x0, s1;
	[sflag:s0] =	ssyncset.done @!p0 $0x0  }
0x48: {  	[sflag:s0] =	ssyncadd.s32 @!p0 s1  }
0x49: {  	[bflag:$0x3] =	sbarrier.arrive $0xFFFF  }
0x4a: {  	_ =	shalt  }

</sc_bundles>
